<compile_context>
chip_gen: v7x
topology: tpu7x:2x2x1
jax: 0.10.2.dev20260603
libtpu: 0.0.44.dev20260713+nightly
codegen_flags: <defaults>
</compile_context>

<pallas_src>
import functools

import jax
import jax.numpy as jnp
from jax import lax
from jax.experimental import pallas as pl
from jax.experimental.pallas import tpu as pltpu
from jax.experimental.pallas import tpu_sc as plsc

N, E, D, H = 10000, 320000, 128, 32
NW = 32
EW = E // NW
K = 80
ITERS = EW // K
RPS = N // 16
ZR = 25
BN = 1000



def _sc_segsum(table, src3, dst3, width, nbuf, tc_tiling=False):
    mesh = plsc.VectorSubcoreMesh(core_axis_name="c", subcore_axis_name="s")

    @functools.partial(
        pl.kernel,
        mesh=mesh,
        out_type=jax.ShapeDtypeStruct((2, N, width), jnp.float32),
        compiler_params=pltpu.CompilerParams(use_tc_tiling_on_sc=tc_tiling),
        scratch_types=(
            [pltpu.VMEM((ITERS, K), jnp.int32),
             pltpu.VMEM((ITERS, K), jnp.int32)]
            + [pltpu.VMEM((K, width), jnp.float32) for _ in range(nbuf)]
            + [pltpu.VMEM_SHARED((N, width), jnp.float32)]
            + [pltpu.SemaphoreType.DMA for _ in range(nbuf)]
        ),
    )
    def k(tab_hbm, src_hbm, dst_hbm, out_hbm, sidx, didx, *rest):
        bufs = rest[:nbuf]
        acc = rest[nbuf]
        sems = rest[nbuf + 1:]
        cid = lax.axis_index("c")
        sid = lax.axis_index("s")
        wid = sid * 2 + cid

        pltpu.async_copy(src_hbm.at[wid], sidx, sems[0])
        pltpu.async_copy(dst_hbm.at[wid], didx, sems[1])

        z = jnp.zeros((16,), jnp.float32)

        def zrow(i, carry):
            for c in range(width // 16):
                bufs[0][i, pl.ds(c * 16, 16)] = z
            return carry

        lax.fori_loop(0, K, zrow, 0)

        for c in range(RPS // K):
            pltpu.sync_copy(bufs[0], acc.at[pl.ds(sid * RPS + c * K, K)])
        rem = RPS % K
        if rem:
            pltpu.sync_copy(bufs[0].at[pl.ds(0, rem)],
                            acc.at[pl.ds(sid * RPS + (RPS // K) * K, rem)])
        pltpu.make_async_copy(src_hbm.at[wid], sidx, sems[0]).wait()
        pltpu.make_async_copy(dst_hbm.at[wid], didx, sems[1]).wait()
        plsc.subcore_barrier()

        def gather(j, b):
            pltpu.async_copy(tab_hbm.at[sidx.at[j]], bufs[b], sems[b])

        def drain(b):
            pltpu.make_async_copy(tab_hbm.at[sidx.at[0]], bufs[b], sems[b]).wait()

        def scat(j, b):
            pltpu.sync_copy(bufs[b], acc.at[didx.at[j]], add=True)

        for b in range(nbuf - 1):
            gather(b, b)

        main = (ITERS - 1) // nbuf

        def body(p, carry):
            for b in range(nbuf):
                j = nbuf * p + b
                nxt = j + nbuf - 1

                @pl.when(nxt < ITERS)
                def _():
                    gather(nxt, (b + nbuf - 1) % nbuf)

                drain(b)
                scat(j, b)
            return carry

        lax.fori_loop(0, main, body, 0)
        for t in range(nbuf * main, ITERS):
            drain(t % nbuf)
            scat(t, t % nbuf)
        plsc.subcore_barrier()

        pltpu.sync_copy(acc.at[pl.ds(sid * RPS, RPS)],
                        out_hbm.at[cid, pl.ds(sid * RPS, RPS)])

    return k(table, src3, dst3)



def _layer_body(p_ref, v_ref, wrel_ref, wroot_ref, b_ref, out_ref):
    agg = p_ref[0] + p_ref[1]
    out_ref[...] = jnp.maximum(
        jnp.dot(agg, wrel_ref[...], preferred_element_type=jnp.float32)
        + b_ref[...]
        + jnp.dot(v_ref[...], wroot_ref[...], preferred_element_type=jnp.float32),
        0.0,
    )


def _tc_layer(parts, v, W_rel, W_root, b):
    din, dout = W_rel.shape
    return pl.pallas_call(
        _layer_body,
        grid=(N // BN,),
        in_specs=[
            pl.BlockSpec((2, BN, din), lambda i: (0, i, 0)),
            pl.BlockSpec((BN, din), lambda i: (i, 0)),
            pl.BlockSpec((din, dout), lambda i: (0, 0)),
            pl.BlockSpec((din, dout), lambda i: (0, 0)),
            pl.BlockSpec((1, dout), lambda i: (0, 0)),
        ],
        out_specs=pl.BlockSpec((BN, dout), lambda i: (i, 0)),
        out_shape=jax.ShapeDtypeStruct((N, dout), jnp.float32),
    )(parts, v, W_rel, W_root, b.reshape(1, dout))



def kernel(x, edge_index, W1_rel, b1, W1_root, W2_rel, b2, W2_root):
    src3 = edge_index[0].reshape(NW, ITERS, K)
    dst3 = edge_index[1].reshape(NW, ITERS, K)
    parts1 = _sc_segsum(x, src3, dst3, D, nbuf=3)
    h = _tc_layer(parts1, x, W1_rel, W1_root, b1)
    parts2 = _sc_segsum(h, src3, dst3, H, nbuf=8)
    out = _tc_layer(parts2, h, W2_rel, W2_root, b2)
    return out

# --- scband reference (transcript-rebuilt; emitter-appended) ---
"""Pipeline reference for scband-simple-gcn-12747462934613 (READ-ONLY COPY).

The authoritative reference and input builder live on the scoring server;
editing this copy changes nothing except your own understanding.
"""

import jax, jax.numpy as jnp
import numpy as np

N, E, D, H, O = 10000, 320000, 128, 32, 1

def setup_inputs(seed: int = 0) -> dict:
    key = jax.random.key(seed)
    ks = jax.random.split(key, 8)
    x = jax.random.normal(ks[0], (N, D), dtype=jnp.float32)
    edge_index = jax.random.randint(ks[1], (2, E), 0, N, dtype=jnp.int32)
    # GraphConv layer 1: lin_rel (weight+bias), lin_root (weight, no bias)
    s1 = 1.0 / np.sqrt(D)
    W1_rel = jax.random.uniform(ks[2], (D, H), dtype=jnp.float32, minval=-s1, maxval=s1)
    b1 = jax.random.uniform(ks[3], (H,), dtype=jnp.float32, minval=-s1, maxval=s1)
    W1_root = jax.random.uniform(ks[4], (D, H), dtype=jnp.float32, minval=-s1, maxval=s1)
    # GraphConv layer 2
    s2 = 1.0 / np.sqrt(H)
    W2_rel = jax.random.uniform(ks[5], (H, O), dtype=jnp.float32, minval=-s2, maxval=s2)
    b2 = jax.random.uniform(ks[6], (O,), dtype=jnp.float32, minval=-s2, maxval=s2)
    W2_root = jax.random.uniform(ks[7], (H, O), dtype=jnp.float32, minval=-s2, maxval=s2)
    return {"x": x, "edge_index": edge_index, "W1_rel": W1_rel, "b1": b1, "W1_root": W1_root, "W2_rel": W2_rel, "b2": b2, "W2_root": W2_root}

def _graph_conv(x, edge_index, W_rel, b, W_root):
    # PyG GraphConv (aggr='add'): out = lin_rel(sum_{j in N(i)} x_j) + lin_root(x_i)
    src = edge_index[0]
    dst = edge_index[1]
    msg = jnp.take(x, src, axis=0)  # gather x_j
    agg = jax.ops.segment_sum(msg, dst, num_segments=x.shape[0])  # scatter-add to dst
    return agg @ W_rel + b + x @ W_root

def reference(x, edge_index, W1_rel, b1, W1_root, W2_rel, b2, W2_root):
    h = jax.nn.relu(_graph_conv(x, edge_index, W1_rel, b1, W1_root))
    out = jax.nn.relu(_graph_conv(h, edge_index, W2_rel, b2, W2_root))
    return out

if __name__ == "__main__":
    import jax
    _d = setup_inputs()
    print(jax.jit(kernel)(*tuple(_d.values())))

</pallas_src>

<mosaic_0001>
#map = affine_map<(d0, d1) -> (0, 0)>
#map1 = affine_map<(d0, d1) -> (0, 0, 0)>
module attributes {stable_mosaic.version = 14 : i64} {
  func.func @k(%arg0: i32, %arg1: i32, %arg2: memref<10000x128xf32, #tpu.memory_space<hbm>>, %arg3: memref<32x125x80xi32, #tpu.memory_space<hbm>>, %arg4: memref<32x125x80xi32, #tpu.memory_space<hbm>>, %arg5: memref<2x10000x128xf32, #tpu.memory_space<hbm>>, %arg6: memref<125x80xi32, #tpu.memory_space<vmem>>, %arg7: memref<125x80xi32, #tpu.memory_space<vmem>>, %arg8: memref<80x128xf32, #tpu.memory_space<vmem>>, %arg9: memref<80x128xf32, #tpu.memory_space<vmem>>, %arg10: memref<80x128xf32, #tpu.memory_space<vmem>>, %arg11: memref<10000x128xf32, #tpu.memory_space<vmem_shared>>, %arg12: memref<!tpu.dma_semaphore, #tpu.memory_space<semaphore_mem>>, %arg13: memref<!tpu.dma_semaphore, #tpu.memory_space<semaphore_mem>>, %arg14: memref<!tpu.dma_semaphore, #tpu.memory_space<semaphore_mem>>) attributes {dimension_semantics = [#tpu.dimension_semantics<core_parallel>, #tpu.dimension_semantics<subcore_parallel>], iteration_bounds = array<i64: 2, 16>, scalar_prefetch = 0 : i64, scratch_operands = 9 : i64, tpu.core_type = #tpu.core_type<sc_vector_subcore>, window_params = [{transform_indices = #map}, {transform_indices = #map1}, {transform_indices = #map1}, {transform_indices = #map1}]} {
    %mul3A = arith.constant 2 : i32
    %mul3A_0 = arith.muli %arg1, %mul3A : i32
    %add3A = arith.addi %mul3A_0, %arg0 : i32
    %dma_start3A = arith.constant 0 : i32
    %dma_start3A_1 = arith.constant 0 : i32
    %dma_start3A_2 = tpu.memref_slice %arg3[%add3A, %dma_start3A, %dma_start3A_1] : memref<32x125x80xi32, #tpu.memory_space<hbm>> -> memref<1x125x80xi32, #tpu.memory_space<hbm>>
    %dma_start3A_3 = tpu.memref_squeeze %dma_start3A_2 : memref<1x125x80xi32, #tpu.memory_space<hbm>> -> memref<125x80xi32, #tpu.memory_space<hbm>>
    %dma_start3A_4 = arith.constant 0 : i32
    %dma_start3A_5 = arith.constant 0 : i32
    %dma_start3A_6 = tpu.memref_slice %arg3[%add3A, %dma_start3A_4, %dma_start3A_5] : memref<32x125x80xi32, #tpu.memory_space<hbm>> -> memref<1x125x80xi32, #tpu.memory_space<hbm>>
    %dma_start3A_7 = tpu.memref_squeeze %dma_start3A_6 : memref<1x125x80xi32, #tpu.memory_space<hbm>> -> memref<125x80xi32, #tpu.memory_space<hbm>>
    tpu.enqueue_dma source(%dma_start3A_7 : memref<125x80xi32, #tpu.memory_space<hbm>>) target(%arg6 : memref<125x80xi32, #tpu.memory_space<vmem>>) target_semaphore(%arg12 : memref<!tpu.dma_semaphore, #tpu.memory_space<semaphore_mem>>)
    %dma_start3A_8 = arith.constant 0 : i32
    %dma_start3A_9 = arith.constant 0 : i32
    %dma_start3A_10 = tpu.memref_slice %arg4[%add3A, %dma_start3A_8, %dma_start3A_9] : memref<32x125x80xi32, #tpu.memory_space<hbm>> -> memref<1x125x80xi32, #tpu.memory_space<hbm>>
    %dma_start3A_11 = tpu.memref_squeeze %dma_start3A_10 : memref<1x125x80xi32, #tpu.memory_space<hbm>> -> memref<125x80xi32, #tpu.memory_space<hbm>>
    %dma_start3A_12 = arith.constant 0 : i32
    %dma_start3A_13 = arith.constant 0 : i32
    %dma_start3A_14 = tpu.memref_slice %arg4[%add3A, %dma_start3A_12, %dma_start3A_13] : memref<32x125x80xi32, #tpu.memory_space<hbm>> -> memref<1x125x80xi32, #tpu.memory_space<hbm>>
    %dma_start3A_15 = tpu.memref_squeeze %dma_start3A_14 : memref<1x125x80xi32, #tpu.memory_space<hbm>> -> memref<125x80xi32, #tpu.memory_space<hbm>>
    tpu.enqueue_dma source(%dma_start3A_15 : memref<125x80xi32, #tpu.memory_space<hbm>>) target(%arg7 : memref<125x80xi32, #tpu.memory_space<vmem>>) target_semaphore(%arg13 : memref<!tpu.dma_semaphore, #tpu.memory_space<semaphore_mem>>)
    %broadcast_in_dim3A = arith.constant 0.000000e+00 : f32
    %broadcast_in_dim3A_16 = vector.broadcast %broadcast_in_dim3A : f32 to vector<16xf32>
    %scan3A = arith.constant 0 : i32
    %scan3A_17 = arith.constant 0 : i32
    %scan3A_18 = arith.constant 80 : i32
    %scan3A_19 = arith.addi %scan3A_17, %scan3A_18 : i32
    %scan3A_20 = arith.constant 1 : i32
    scf.for %scan3A_109 = %scan3A_17 to %scan3A_19 step %scan3A_20  : i32 {
      %swap3A = arith.index_cast %scan3A_109 : i32 to index
      %swap3A_110 = arith.constant 0 : index
      %swap3A_111 = tpu.vector_load %arg8[%swap3A, %swap3A_110] {strides = array<i32>} : memref<80x128xf32, #tpu.memory_space<vmem>>, vector<1x16xf32>,
      %swap3A_112 = vector.shape_cast %swap3A_111 : vector<1x16xf32> to vector<16xf32>
      %swap3A_113 = vector.shape_cast %broadcast_in_dim3A_16 : vector<16xf32> to vector<1x16xf32>
      tpu.vector_store %arg8[%swap3A, %swap3A_110], %swap3A_113 {strides = array<i32>} : memref<80x128xf32, #tpu.memory_space<vmem>>, vector<1x16xf32>,
      %swap3A_114 = arith.index_cast %scan3A_109 : i32 to index
      %swap3A_115 = arith.constant 16 : index
      %swap3A_116 = tpu.vector_load %arg8[%swap3A_114, %swap3A_115] {strides = array<i32>} : memref<80x128xf32, #tpu.memory_space<vmem>>, vector<1x16xf32>,
      %swap3A_117 = vector.shape_cast %swap3A_116 : vector<1x16xf32> to vector<16xf32>
      %swap3A_118 = vector.shape_cast %broadcast_in_dim3A_16 : vector<16xf32> to vector<1x16xf32>
      tpu.vector_store %arg8[%swap3A_114, %swap3A_115], %swap3A_118 {strides = array<i32>} : memref<80x128xf32, #tpu.memory_space<vmem>>, vector<1x16xf32>,
      %swap3A_119 = arith.index_cast %scan3A_109 : i32 to index
      %swap3A_120 = arith.constant 32 : index
      %swap3A_121 = tpu.vector_load %arg8[%swap3A_119, %swap3A_120] {strides = array<i32>} : memref<80x128xf32, #tpu.memory_space<vmem>>, vector<1x16xf32>,
      %swap3A_122 = vector.shape_cast %swap3A_121 : vector<1x16xf32> to vector<16xf32>
      %swap3A_123 = vector.shape_cast %broadcast_in_dim3A_16 : vector<16xf32> to vector<1x16xf32>
      tpu.vector_store %arg8[%swap3A_119, %swap3A_120], %swap3A_123 {strides = array<i32>} : memref<80x128xf32, #tpu.memory_space<vmem>>, vector<1x16xf32>,
      %swap3A_124 = arith.index_cast %scan3A_109 : i32 to index
      %swap3A_125 = arith.constant 48 : index
      %swap3A_126 = tpu.vector_load %arg8[%swap3A_124, %swap3A_125] {strides = array<i32>} : memref<80x128xf32, #tpu.memory_space<vmem>>, vector<1x16xf32>,
      %swap3A_127 = vector.shape_cast %swap3A_126 : vector<1x16xf32> to vector<16xf32>
      %swap3A_128 = vector.shape_cast %broadcast_in_dim3A_16 : vector<16xf32> to vector<1x16xf32>
      tpu.vector_store %arg8[%swap3A_124, %swap3A_125], %swap3A_128 {strides = array<i32>} : memref<80x128xf32, #tpu.memory_space<vmem>>, vector<1x16xf32>,
      %swap3A_129 = arith.index_cast %scan3A_109 : i32 to index
      %swap3A_130 = arith.constant 64 : index
      %swap3A_131 = tpu.vector_load %arg8[%swap3A_129, %swap3A_130] {strides = array<i32>} : memref<80x128xf32, #tpu.memory_space<vmem>>, vector<1x16xf32>,
      %swap3A_132 = vector.shape_cast %swap3A_131 : vector<1x16xf32> to vector<16xf32>
      %swap3A_133 = vector.shape_cast %broadcast_in_dim3A_16 : vector<16xf32> to vector<1x16xf32>
      tpu.vector_store %arg8[%swap3A_129, %swap3A_130], %swap3A_133 {strides = array<i32>} : memref<80x128xf32, #tpu.memory_space<vmem>>, vector<1x16xf32>,
      %swap3A_134 = arith.index_cast %scan3A_109 : i32 to index
      %swap3A_135 = arith.constant 80 : index
      %swap3A_136 = tpu.vector_load %arg8[%swap3A_134, %swap3A_135] {strides = array<i32>} : memref<80x128xf32, #tpu.memory_space<vmem>>, vector<1x16xf32>,
      %swap3A_137 = vector.shape_cast %swap3A_136 : vector<1x16xf32> to vector<16xf32>
      %swap3A_138 = vector.shape_cast %broadcast_in_dim3A_16 : vector<16xf32> to vector<1x16xf32>
      tpu.vector_store %arg8[%swap3A_134, %swap3A_135], %swap3A_138 {strides = array<i32>} : memref<80x128xf32, #tpu.memory_space<vmem>>, vector<1x16xf32>,
      %swap3A_139 = arith.index_cast %scan3A_109 : i32 to index
      %swap3A_140 = arith.constant 96 : index
      %swap3A_141 = tpu.vector_load %arg8[%swap3A_139, %swap3A_140] {strides = array<i32>} : memref<80x128xf32, #tpu.memory_space<vmem>>, vector<1x16xf32>,
      %swap3A_142 = vector.shape_cast %swap3A_141 : vector<1x16xf32> to vector<16xf32>
      %swap3A_143 = vector.shape_cast %broadcast_in_dim3A_16 : vector<16xf32> to vector<1x16xf32>
      tpu.vector_store %arg8[%swap3A_139, %swap3A_140], %swap3A_143 {strides = array<i32>} : memref<80x128xf32, #tpu.memory_space<vmem>>, vector<1x16xf32>,
      %swap3A_144 = arith.index_cast %scan3A_109 : i32 to index
      %swap3A_145 = arith.constant 112 : index
      %swap3A_146 = tpu.vector_load %arg8[%swap3A_144, %swap3A_145] {strides = array<i32>} : memref<80x128xf32, #tpu.memory_space<vmem>>, vector<1x16xf32>,
      %swap3A_147 = vector.shape_cast %swap3A_146 : vector<1x16xf32> to vector<16xf32>
      %swap3A_148 = vector.shape_cast %broadcast_in_dim3A_16 : vector<16xf32> to vector<1x16xf32>
      tpu.vector_store %arg8[%swap3A_144, %swap3A_145], %swap3A_148 {strides = array<i32>} : memref<80x128xf32, #tpu.memory_space<vmem>>, vector<1x16xf32>,
    }
    %scan3A_21 = arith.constant 80 : i32
    %mul3A_22 = arith.constant 625 : i32
    %mul3A_23 = arith.muli %arg1, %mul3A_22 : i32
    %add3A_24 = arith.constant 0 : i32
    %add3A_25 = arith.addi %mul3A_23, %add3A_24 : i32
    "tpu.region"() ({
      %run_scoped3A_109 = tpu.sem_alloc : memref<!tpu.dma_semaphore, #tpu.memory_space<semaphore_mem>>
      %dma_start3A_110 = arith.constant 0 : i32
      %dma_start3A_111 = tpu.memref_slice %arg11[%add3A_25, %dma_start3A_110] : memref<10000x128xf32, #tpu.memory_space<vmem_shared>> -> memref<80x128xf32, #tpu.memory_space<vmem_shared>>
      %dma_start3A_112 = arith.constant 0 : i32
      %dma_start3A_113 = tpu.memref_slice %arg11[%add3A_25, %dma_start3A_112] : memref<10000x128xf32, #tpu.memory_space<vmem_shared>> -> memref<80x128xf32, #tpu.memory_space<vmem_shared>>
      tpu.enqueue_dma source(%arg8 : memref<80x128xf32, #tpu.memory_space<vmem>>) target(%dma_start3A_113 : memref<80x128xf32, #tpu.memory_space<vmem_shared>>) target_semaphore(%run_scoped3A_109 : memref<!tpu.dma_semaphore, #tpu.memory_space<semaphore_mem>>)
      %dma_wait3A_114 = arith.constant 0 : i32
      %dma_wait3A_115 = tpu.memref_slice %arg11[%add3A_25, %dma_wait3A_114] : memref<10000x128xf32, #tpu.memory_space<vmem_shared>> -> memref<80x128xf32, #tpu.memory_space<vmem_shared>>
      %dma_wait3A_116 = arith.constant 0 : i32
      %dma_wait3A_117 = tpu.memref_slice %arg11[%add3A_25, %dma_wait3A_116] : memref<10000x128xf32, #tpu.memory_space<vmem_shared>> -> memref<80x128xf32, #tpu.memory_space<vmem_shared>>
      tpu.wait_dma2 semaphore(%run_scoped3A_109 : memref<!tpu.dma_semaphore, #tpu.memory_space<semaphore_mem>>) src(%arg8 : memref<80x128xf32, #tpu.memory_space<vmem>>) dst(%dma_wait3A_117 : memref<80x128xf32, #tpu.memory_space<vmem_shared>>)
      tpu.yield
    }) : () -> ()
    %mul3A_26 = arith.constant 625 : i32
    %mul3A_27 = arith.muli %arg1, %mul3A_26 : i32
    %add3A_28 = arith.constant 80 : i32
    %add3A_29 = arith.addi %mul3A_27, %add3A_28 : i32
    "tpu.region"() ({
      %run_scoped3A_109 = tpu.sem_alloc : memref<!tpu.dma_semaphore, #tpu.memory_space<semaphore_mem>>
      %dma_start3A_110 = arith.constant 0 : i32
      %dma_start3A_111 = tpu.memref_slice %arg11[%add3A_29, %dma_start3A_110] : memref<10000x128xf32, #tpu.memory_space<vmem_shared>> -> memref<80x128xf32, #tpu.memory_space<vmem_shared>>
      %dma_start3A_112 = arith.constant 0 : i32
      %dma_start3A_113 = tpu.memref_slice %arg11[%add3A_29, %dma_start3A_112] : memref<10000x128xf32, #tpu.memory_space<vmem_shared>> -> memref<80x128xf32, #tpu.memory_space<vmem_shared>>
      tpu.enqueue_dma source(%arg8 : memref<80x128xf32, #tpu.memory_space<vmem>>) target(%dma_start3A_113 : memref<80x128xf32, #tpu.memory_space<vmem_shared>>) target_semaphore(%run_scoped3A_109 : memref<!tpu.dma_semaphore, #tpu.memory_space<semaphore_mem>>)
      %dma_wait3A_114 = arith.constant 0 : i32
      %dma_wait3A_115 = tpu.memref_slice %arg11[%add3A_29, %dma_wait3A_114] : memref<10000x128xf32, #tpu.memory_space<vmem_shared>> -> memref<80x128xf32, #tpu.memory_space<vmem_shared>>
      %dma_wait3A_116 = arith.constant 0 : i32
      %dma_wait3A_117 = tpu.memref_slice %arg11[%add3A_29, %dma_wait3A_116] : memref<10000x128xf32, #tpu.memory_space<vmem_shared>> -> memref<80x128xf32, #tpu.memory_space<vmem_shared>>
      tpu.wait_dma2 semaphore(%run_scoped3A_109 : memref<!tpu.dma_semaphore, #tpu.memory_space<semaphore_mem>>) src(%arg8 : memref<80x128xf32, #tpu.memory_space<vmem>>) dst(%dma_wait3A_117 : memref<80x128xf32, #tpu.memory_space<vmem_shared>>)
      tpu.yield
    }) : () -> ()
    %mul3A_30 = arith.constant 625 : i32
    %mul3A_31 = arith.muli %arg1, %mul3A_30 : i32
    %add3A_32 = arith.constant 160 : i32
    %add3A_33 = arith.addi %mul3A_31, %add3A_32 : i32
    "tpu.region"() ({
      %run_scoped3A_109 = tpu.sem_alloc : memref<!tpu.dma_semaphore, #tpu.memory_space<semaphore_mem>>
      %dma_start3A_110 = arith.constant 0 : i32
      %dma_start3A_111 = tpu.memref_slice %arg11[%add3A_33, %dma_start3A_110] : memref<10000x128xf32, #tpu.memory_space<vmem_shared>> -> memref<80x128xf32, #tpu.memory_space<vmem_shared>>
      %dma_start3A_112 = arith.constant 0 : i32
      %dma_start3A_113 = tpu.memref_slice %arg11[%add3A_33, %dma_start3A_112] : memref<10000x128xf32, #tpu.memory_space<vmem_shared>> -> memref<80x128xf32, #tpu.memory_space<vmem_shared>>
      tpu.enqueue_dma source(%arg8 : memref<80x128xf32, #tpu.memory_space<vmem>>) target(%dma_start3A_113 : memref<80x128xf32, #tpu.memory_space<vmem_shared>>) target_semaphore(%run_scoped3A_109 : memref<!tpu.dma_semaphore, #tpu.memory_space<semaphore_mem>>)
      %dma_wait3A_114 = arith.constant 0 : i32
      %dma_wait3A_115 = tpu.memref_slice %arg11[%add3A_33, %dma_wait3A_114] : memref<10000x128xf32, #tpu.memory_space<vmem_shared>> -> memref<80x128xf32, #tpu.memory_space<vmem_shared>>
      %dma_wait3A_116 = arith.constant 0 : i32
      %dma_wait3A_117 = tpu.memref_slice %arg11[%add3A_33, %dma_wait3A_116] : memref<10000x128xf32, #tpu.memory_space<vmem_shared>> -> memref<80x128xf32, #tpu.memory_space<vmem_shared>>
      tpu.wait_dma2 semaphore(%run_scoped3A_109 : memref<!tpu.dma_semaphore, #tpu.memory_space<semaphore_mem>>) src(%arg8 : memref<80x128xf32, #tpu.memory_space<vmem>>) dst(%dma_wait3A_117 : memref<80x128xf32, #tpu.memory_space<vmem_shared>>)
      tpu.yield
    }) : () -> ()
    %mul3A_34 = arith.constant 625 : i32
    %mul3A_35 = arith.muli %arg1, %mul3A_34 : i32
    %add3A_36 = arith.constant 240 : i32
    %add3A_37 = arith.addi %mul3A_35, %add3A_36 : i32
    "tpu.region"() ({
      %run_scoped3A_109 = tpu.sem_alloc : memref<!tpu.dma_semaphore, #tpu.memory_space<semaphore_mem>>
      %dma_start3A_110 = arith.constant 0 : i32
      %dma_start3A_111 = tpu.memref_slice %arg11[%add3A_37, %dma_start3A_110] : memref<10000x128xf32, #tpu.memory_space<vmem_shared>> -> memref<80x128xf32, #tpu.memory_space<vmem_shared>>
      %dma_start3A_112 = arith.constant 0 : i32
      %dma_start3A_113 = tpu.memref_slice %arg11[%add3A_37, %dma_start3A_112] : memref<10000x128xf32, #tpu.memory_space<vmem_shared>> -> memref<80x128xf32, #tpu.memory_space<vmem_shared>>
      tpu.enqueue_dma source(%arg8 : memref<80x128xf32, #tpu.memory_space<vmem>>) target(%dma_start3A_113 : memref<80x128xf32, #tpu.memory_space<vmem_shared>>) target_semaphore(%run_scoped3A_109 : memref<!tpu.dma_semaphore, #tpu.memory_space<semaphore_mem>>)
      %dma_wait3A_114 = arith.constant 0 : i32
      %dma_wait3A_115 = tpu.memref_slice %arg11[%add3A_37, %dma_wait3A_114] : memref<10000x128xf32, #tpu.memory_space<vmem_shared>> -> memref<80x128xf32, #tpu.memory_space<vmem_shared>>
      %dma_wait3A_116 = arith.constant 0 : i32
      %dma_wait3A_117 = tpu.memref_slice %arg11[%add3A_37, %dma_wait3A_116] : memref<10000x128xf32, #tpu.memory_space<vmem_shared>> -> memref<80x128xf32, #tpu.memory_space<vmem_shared>>
      tpu.wait_dma2 semaphore(%run_scoped3A_109 : memref<!tpu.dma_semaphore, #tpu.memory_space<semaphore_mem>>) src(%arg8 : memref<80x128xf32, #tpu.memory_space<vmem>>) dst(%dma_wait3A_117 : memref<80x128xf32, #tpu.memory_space<vmem_shared>>)
      tpu.yield
    }) : () -> ()
    %mul3A_38 = arith.constant 625 : i32
    %mul3A_39 = arith.muli %arg1, %mul3A_38 : i32
    %add3A_40 = arith.constant 320 : i32
    %add3A_41 = arith.addi %mul3A_39, %add3A_40 : i32
    "tpu.region"() ({
      %run_scoped3A_109 = tpu.sem_alloc : memref<!tpu.dma_semaphore, #tpu.memory_space<semaphore_mem>>
      %dma_start3A_110 = arith.constant 0 : i32
      %dma_start3A_111 = tpu.memref_slice %arg11[%add3A_41, %dma_start3A_110] : memref<10000x128xf32, #tpu.memory_space<vmem_shared>> -> memref<80x128xf32, #tpu.memory_space<vmem_shared>>
      %dma_start3A_112 = arith.constant 0 : i32
      %dma_start3A_113 = tpu.memref_slice %arg11[%add3A_41, %dma_start3A_112] : memref<10000x128xf32, #tpu.memory_space<vmem_shared>> -> memref<80x128xf32, #tpu.memory_space<vmem_shared>>
      tpu.enqueue_dma source(%arg8 : memref<80x128xf32, #tpu.memory_space<vmem>>) target(%dma_start3A_113 : memref<80x128xf32, #tpu.memory_space<vmem_shared>>) target_semaphore(%run_scoped3A_109 : memref<!tpu.dma_semaphore, #tpu.memory_space<semaphore_mem>>)
      %dma_wait3A_114 = arith.constant 0 : i32
      %dma_wait3A_115 = tpu.memref_slice %arg11[%add3A_41, %dma_wait3A_114] : memref<10000x128xf32, #tpu.memory_space<vmem_shared>> -> memref<80x128xf32, #tpu.memory_space<vmem_shared>>
      %dma_wait3A_116 = arith.constant 0 : i32
      %dma_wait3A_117 = tpu.memref_slice %arg11[%add3A_41, %dma_wait3A_116] : memref<10000x128xf32, #tpu.memory_space<vmem_shared>> -> memref<80x128xf32, #tpu.memory_space<vmem_shared>>
      tpu.wait_dma2 semaphore(%run_scoped3A_109 : memref<!tpu.dma_semaphore, #tpu.memory_space<semaphore_mem>>) src(%arg8 : memref<80x128xf32, #tpu.memory_space<vmem>>) dst(%dma_wait3A_117 : memref<80x128xf32, #tpu.memory_space<vmem_shared>>)
      tpu.yield
    }) : () -> ()
    %mul3A_42 = arith.constant 625 : i32
    %mul3A_43 = arith.muli %arg1, %mul3A_42 : i32
    %add3A_44 = arith.constant 400 : i32
    %add3A_45 = arith.addi %mul3A_43, %add3A_44 : i32
    "tpu.region"() ({
      %run_scoped3A_109 = tpu.sem_alloc : memref<!tpu.dma_semaphore, #tpu.memory_space<semaphore_mem>>
      %dma_start3A_110 = arith.constant 0 : i32
      %dma_start3A_111 = tpu.memref_slice %arg11[%add3A_45, %dma_start3A_110] : memref<10000x128xf32, #tpu.memory_space<vmem_shared>> -> memref<80x128xf32, #tpu.memory_space<vmem_shared>>
      %dma_start3A_112 = arith.constant 0 : i32
      %dma_start3A_113 = tpu.memref_slice %arg11[%add3A_45, %dma_start3A_112] : memref<10000x128xf32, #tpu.memory_space<vmem_shared>> -> memref<80x128xf32, #tpu.memory_space<vmem_shared>>
      tpu.enqueue_dma source(%arg8 : memref<80x128xf32, #tpu.memory_space<vmem>>) target(%dma_start3A_113 : memref<80x128xf32, #tpu.memory_space<vmem_shared>>) target_semaphore(%run_scoped3A_109 : memref<!tpu.dma_semaphore, #tpu.memory_space<semaphore_mem>>)
      %dma_wait3A_114 = arith.constant 0 : i32
      %dma_wait3A_115 = tpu.memref_slice %arg11[%add3A_45, %dma_wait3A_114] : memref<10000x128xf32, #tpu.memory_space<vmem_shared>> -> memref<80x128xf32, #tpu.memory_space<vmem_shared>>
      %dma_wait3A_116 = arith.constant 0 : i32
      %dma_wait3A_117 = tpu.memref_slice %arg11[%add3A_45, %dma_wait3A_116] : memref<10000x128xf32, #tpu.memory_space<vmem_shared>> -> memref<80x128xf32, #tpu.memory_space<vmem_shared>>
      tpu.wait_dma2 semaphore(%run_scoped3A_109 : memref<!tpu.dma_semaphore, #tpu.memory_space<semaphore_mem>>) src(%arg8 : memref<80x128xf32, #tpu.memory_space<vmem>>) dst(%dma_wait3A_117 : memref<80x128xf32, #tpu.memory_space<vmem_shared>>)
      tpu.yield
    }) : () -> ()
    %mul3A_46 = arith.constant 625 : i32
    %mul3A_47 = arith.muli %arg1, %mul3A_46 : i32
    %add3A_48 = arith.constant 480 : i32
    %add3A_49 = arith.addi %mul3A_47, %add3A_48 : i32
    "tpu.region"() ({
      %run_scoped3A_109 = tpu.sem_alloc : memref<!tpu.dma_semaphore, #tpu.memory_space<semaphore_mem>>
      %dma_start3A_110 = arith.constant 0 : i32
      %dma_start3A_111 = tpu.memref_slice %arg11[%add3A_49, %dma_start3A_110] : memref<10000x128xf32, #tpu.memory_space<vmem_shared>> -> memref<80x128xf32, #tpu.memory_space<vmem_shared>>
      %dma_start3A_112 = arith.constant 0 : i32
      %dma_start3A_113 = tpu.memref_slice %arg11[%add3A_49, %dma_start3A_112] : memref<10000x128xf32, #tpu.memory_space<vmem_shared>> -> memref<80x128xf32, #tpu.memory_space<vmem_shared>>
      tpu.enqueue_dma source(%arg8 : memref<80x128xf32, #tpu.memory_space<vmem>>) target(%dma_start3A_113 : memref<80x128xf32, #tpu.memory_space<vmem_shared>>) target_semaphore(%run_scoped3A_109 : memref<!tpu.dma_semaphore, #tpu.memory_space<semaphore_mem>>)
      %dma_wait3A_114 = arith.constant 0 : i32
      %dma_wait3A_115 = tpu.memref_slice %arg11[%add3A_49, %dma_wait3A_114] : memref<10000x128xf32, #tpu.memory_space<vmem_shared>> -> memref<80x128xf32, #tpu.memory_space<vmem_shared>>
      %dma_wait3A_116 = arith.constant 0 : i32
      %dma_wait3A_117 = tpu.memref_slice %arg11[%add3A_49, %dma_wait3A_116] : memref<10000x128xf32, #tpu.memory_space<vmem_shared>> -> memref<80x128xf32, #tpu.memory_space<vmem_shared>>
      tpu.wait_dma2 semaphore(%run_scoped3A_109 : memref<!tpu.dma_semaphore, #tpu.memory_space<semaphore_mem>>) src(%arg8 : memref<80x128xf32, #tpu.memory_space<vmem>>) dst(%dma_wait3A_117 : memref<80x128xf32, #tpu.memory_space<vmem_shared>>)
      tpu.yield
    }) : () -> ()
    %mul3A_50 = arith.constant 625 : i32
    %mul3A_51 = arith.muli %arg1, %mul3A_50 : i32
    %add3A_52 = arith.constant 560 : i32
    %add3A_53 = arith.addi %mul3A_51, %add3A_52 : i32
    "tpu.region"() ({
      %run_scoped3A_109 = tpu.sem_alloc : memref<!tpu.dma_semaphore, #tpu.memory_space<semaphore_mem>>
      %dma_start3A_110 = arith.constant 0 : i32
      %dma_start3A_111 = arith.constant 0 : i32
      %dma_start3A_112 = tpu.memref_slice %arg8[%dma_start3A_110, %dma_start3A_111] : memref<80x128xf32, #tpu.memory_space<vmem>> -> memref<65x128xf32, #tpu.memory_space<vmem>>
      %dma_start3A_113 = arith.constant 0 : i32
      %dma_start3A_114 = tpu.memref_slice %arg11[%add3A_53, %dma_start3A_113] : memref<10000x128xf32, #tpu.memory_space<vmem_shared>> -> memref<65x128xf32, #tpu.memory_space<vmem_shared>>
      %dma_start3A_115 = arith.constant 0 : i32
      %dma_start3A_116 = tpu.memref_slice %arg11[%add3A_53, %dma_start3A_115] : memref<10000x128xf32, #tpu.memory_space<vmem_shared>> -> memref<65x128xf32, #tpu.memory_space<vmem_shared>>
      %dma_start3A_117 = arith.constant 0 : i32
      %dma_start3A_118 = arith.constant 0 : i32
      %dma_start3A_119 = tpu.memref_slice %arg8[%dma_start3A_117, %dma_start3A_118] : memref<80x128xf32, #tpu.memory_space<vmem>> -> memref<65x128xf32, #tpu.memory_space<vmem>>
      tpu.enqueue_dma source(%dma_start3A_119 : memref<65x128xf32, #tpu.memory_space<vmem>>) target(%dma_start3A_116 : memref<65x128xf32, #tpu.memory_space<vmem_shared>>) target_semaphore(%run_scoped3A_109 : memref<!tpu.dma_semaphore, #tpu.memory_space<semaphore_mem>>)
      %dma_wait3A_120 = arith.constant 0 : i32
      %dma_wait3A_121 = arith.constant 0 : i32
      %dma_wait3A_122 = tpu.memref_slice %arg8[%dma_wait3A_120, %dma_wait3A_121] : memref<80x128xf32, #tpu.memory_space<vmem>> -> memref<65x128xf32, #tpu.memory_space<vmem>>
      %dma_wait3A_123 = arith.constant 0 : i32
      %dma_wait3A_124 = tpu.memref_slice %arg11[%add3A_53, %dma_wait3A_123] : memref<10000x128xf32, #tpu.memory_space<vmem_shared>> -> memref<65x128xf32, #tpu.memory_space<vmem_shared>>
      %dma_wait3A_125 = arith.constant 0 : i32
      %dma_wait3A_126 = tpu.memref_slice %arg11[%add3A_53, %dma_wait3A_125] : memref<10000x128xf32, #tpu.memory_space<vmem_shared>> -> memref<65x128xf32, #tpu.memory_space<vmem_shared>>
      %dma_wait3A_127 = arith.constant 0 : i32
      %dma_wait3A_128 = arith.constant 0 : i32
      %dma_wait3A_129 = tpu.memref_slice %arg8[%dma_wait3A_127, %dma_wait3A_128] : memref<80x128xf32, #tpu.memory_space<vmem>> -> memref<65x128xf32, #tpu.memory_space<vmem>>
      tpu.wait_dma2 semaphore(%run_scoped3A_109 : memref<!tpu.dma_semaphore, #tpu.memory_space<semaphore_mem>>) src(%dma_wait3A_129 : memref<65x128xf32, #tpu.memory_space<vmem>>) dst(%dma_wait3A_126 : memref<65x128xf32, #tpu.memory_space<vmem_shared>>)
      tpu.yield
    }) : () -> ()
    %dma_wait3A = arith.constant 0 : i32
    %dma_wait3A_54 = arith.constant 0 : i32
    %dma_wait3A_55 = tpu.memref_slice %arg3[%add3A, %dma_wait3A, %dma_wait3A_54] : memref<32x125x80xi32, #tpu.memory_space<hbm>> -> memref<1x125x80xi32, #tpu.memory_space<hbm>>
    %dma_wait3A_56 = tpu.memref_squeeze %dma_wait3A_55 : memref<1x125x80xi32, #tpu.memory_space<hbm>> -> memref<125x80xi32, #tpu.memory_space<hbm>>
    %dma_wait3A_57 = arith.constant 0 : i32
    %dma_wait3A_58 = arith.constant 0 : i32
    %dma_wait3A_59 = tpu.memref_slice %arg3[%add3A, %dma_wait3A_57, %dma_wait3A_58] : memref<32x125x80xi32, #tpu.memory_space<hbm>> -> memref<1x125x80xi32, #tpu.memory_space<hbm>>
    %dma_wait3A_60 = tpu.memref_squeeze %dma_wait3A_59 : memref<1x125x80xi32, #tpu.memory_space<hbm>> -> memref<125x80xi32, #tpu.memory_space<hbm>>
    tpu.wait_dma2 semaphore(%arg12 : memref<!tpu.dma_semaphore, #tpu.memory_space<semaphore_mem>>) src(%dma_wait3A_60 : memref<125x80xi32, #tpu.memory_space<hbm>>) dst(%arg6 : memref<125x80xi32, #tpu.memory_space<vmem>>)
    %dma_wait3A_61 = arith.constant 0 : i32
    %dma_wait3A_62 = arith.constant 0 : i32
    %dma_wait3A_63 = tpu.memref_slice %arg4[%add3A, %dma_wait3A_61, %dma_wait3A_62] : memref<32x125x80xi32, #tpu.memory_space<hbm>> -> memref<1x125x80xi32, #tpu.memory_space<hbm>>
    %dma_wait3A_64 = tpu.memref_squeeze %dma_wait3A_63 : memref<1x125x80xi32, #tpu.memory_space<hbm>> -> memref<125x80xi32, #tpu.memory_space<hbm>>
    %dma_wait3A_65 = arith.constant 0 : i32
    %dma_wait3A_66 = arith.constant 0 : i32
    %dma_wait3A_67 = tpu.memref_slice %arg4[%add3A, %dma_wait3A_65, %dma_wait3A_66] : memref<32x125x80xi32, #tpu.memory_space<hbm>> -> memref<1x125x80xi32, #tpu.memory_space<hbm>>
    %dma_wait3A_68 = tpu.memref_squeeze %dma_wait3A_67 : memref<1x125x80xi32, #tpu.memory_space<hbm>> -> memref<125x80xi32, #tpu.memory_space<hbm>>
    tpu.wait_dma2 semaphore(%arg13 : memref<!tpu.dma_semaphore, #tpu.memory_space<semaphore_mem>>) src(%dma_wait3A_68 : memref<125x80xi32, #tpu.memory_space<hbm>>) dst(%arg7 : memref<125x80xi32, #tpu.memory_space<vmem>>)
    %barrier3A = arith.constant 0 : index
    tpu.barrier barrier_id(%barrier3A)
    %dma_start3A_69 = arith.constant 0 : i32
    %dma_start3A_70 = arith.constant 0 : i32
    %dma_start3A_71 = tpu.memref_slice %arg6[%dma_start3A_69, %dma_start3A_70] : memref<125x80xi32, #tpu.memory_space<vmem>> -> memref<1x80xi32, #tpu.memory_space<vmem>>
    %dma_start3A_72 = tpu.memref_squeeze %dma_start3A_71 : memref<1x80xi32, #tpu.memory_space<vmem>> -> memref<80xi32, #tpu.memory_space<vmem>>
    %dma_start3A_73 = arith.constant 0 : i32
    %dma_start3A_74 = arith.constant 0 : i32
    %dma_start3A_75 = tpu.memref_slice %arg2[%dma_start3A_73, %dma_start3A_74] : memref<10000x128xf32, #tpu.memory_space<hbm>> -> memref<10000x128xf32, #tpu.memory_space<hbm>>
    tpu.enqueue_indirect_dma source(%dma_start3A_75 : memref<10000x128xf32, #tpu.memory_space<hbm>>) target(%arg8 : memref<80x128xf32, #tpu.memory_space<vmem>>) offsets(%dma_start3A_72 : memref<80xi32, #tpu.memory_space<vmem>>) semaphore(%arg12 : memref<!tpu.dma_semaphore, #tpu.memory_space<semaphore_mem>>)
    %dma_start3A_76 = arith.constant 1 : i32
    %dma_start3A_77 = arith.constant 0 : i32
    %dma_start3A_78 = tpu.memref_slice %arg6[%dma_start3A_76, %dma_start3A_77] : memref<125x80xi32, #tpu.memory_space<vmem>> -> memref<1x80xi32, #tpu.memory_space<vmem>>
    %dma_start3A_79 = tpu.memref_squeeze %dma_start3A_78 : memref<1x80xi32, #tpu.memory_space<vmem>> -> memref<80xi32, #tpu.memory_space<vmem>>
    %dma_start3A_80 = arith.constant 0 : i32
    %dma_start3A_81 = arith.constant 0 : i32
    %dma_start3A_82 = tpu.memref_slice %arg2[%dma_start3A_80, %dma_start3A_81] : memref<10000x128xf32, #tpu.memory_space<hbm>> -> memref<10000x128xf32, #tpu.memory_space<hbm>>
    tpu.enqueue_indirect_dma source(%dma_start3A_82 : memref<10000x128xf32, #tpu.memory_space<hbm>>) target(%arg9 : memref<80x128xf32, #tpu.memory_space<vmem>>) offsets(%dma_start3A_79 : memref<80xi32, #tpu.memory_space<vmem>>) semaphore(%arg13 : memref<!tpu.dma_semaphore, #tpu.memory_space<semaphore_mem>>)
    %scan3A_83 = arith.constant 0 : i32
    %scan3A_84 = arith.constant 0 : i32
    %scan3A_85 = arith.constant 41 : i32
    %scan3A_86 = arith.addi %scan3A_84, %scan3A_85 : i32
    %scan3A_87 = arith.constant 1 : i32
    scf.for %scan3A_109 = %scan3A_84 to %scan3A_86 step %scan3A_87  : i32 {
      %mul3A_110 = arith.constant 3 : i32
      %mul3A_111 = arith.muli %mul3A_110, %scan3A_109 : i32
      %add3A_112 = arith.constant 0 : i32
      %add3A_113 = arith.addi %mul3A_111, %add3A_112 : i32
      %add3A_114 = arith.constant 3 : i32
      %add3A_115 = arith.addi %add3A_113, %add3A_114 : i32
      %sub3A = arith.constant 1 : i32
      %sub3A_116 = arith.subi %add3A_115, %sub3A : i32
      %lt3A = arith.constant 125 : i32
      %lt3A_117 = arith.cmpi slt, %sub3A_116, %lt3A : i32
      %convert_element_type3A = arith.extui %lt3A_117 : i1 to i32
      %cond3A = arith.constant 0 : i32
      %cond3A_118 = arith.cmpi ne, %convert_element_type3A, %cond3A : i32
      scf.if %cond3A_118 {
        %dma_start3A_166 = arith.constant 0 : i32
        %dma_start3A_167 = tpu.memref_slice %arg6[%sub3A_116, %dma_start3A_166] : memref<125x80xi32, #tpu.memory_space<vmem>> -> memref<1x80xi32, #tpu.memory_space<vmem>>
        %dma_start3A_168 = tpu.memref_squeeze %dma_start3A_167 : memref<1x80xi32, #tpu.memory_space<vmem>> -> memref<80xi32, #tpu.memory_space<vmem>>
        %dma_start3A_169 = arith.constant 0 : i32
        %dma_start3A_170 = arith.constant 0 : i32
        %dma_start3A_171 = tpu.memref_slice %arg2[%dma_start3A_169, %dma_start3A_170] : memref<10000x128xf32, #tpu.memory_space<hbm>> -> memref<10000x128xf32, #tpu.memory_space<hbm>>
        tpu.enqueue_indirect_dma source(%dma_start3A_171 : memref<10000x128xf32, #tpu.memory_space<hbm>>) target(%arg10 : memref<80x128xf32, #tpu.memory_space<vmem>>) offsets(%dma_start3A_168 : memref<80xi32, #tpu.memory_space<vmem>>) semaphore(%arg14 : memref<!tpu.dma_semaphore, #tpu.memory_space<semaphore_mem>>)
      } else {
      }
      %dma_wait3A_119 = arith.constant 0 : i32
      %dma_wait3A_120 = arith.constant 0 : i32
      %dma_wait3A_121 = tpu.memref_slice %arg6[%dma_wait3A_119, %dma_wait3A_120] : memref<125x80xi32, #tpu.memory_space<vmem>> -> memref<1x80xi32, #tpu.memory_space<vmem>>
      %dma_wait3A_122 = tpu.memref_squeeze %dma_wait3A_121 : memref<1x80xi32, #tpu.memory_space<vmem>> -> memref<80xi32, #tpu.memory_space<vmem>>
      %dma_wait3A_123 = arith.constant 0 : i32
      %dma_wait3A_124 = arith.constant 0 : i32
      %dma_wait3A_125 = tpu.memref_slice %arg2[%dma_wait3A_123, %dma_wait3A_124] : memref<10000x128xf32, #tpu.memory_space<hbm>> -> memref<10000x128xf32, #tpu.memory_space<hbm>>
      tpu.wait_indirect_dma semaphore(%arg12 : memref<!tpu.dma_semaphore, #tpu.memory_space<semaphore_mem>>) src(%dma_wait3A_125 : memref<10000x128xf32, #tpu.memory_space<hbm>>) dst(%arg8 : memref<80x128xf32, #tpu.memory_space<vmem>>)
      "tpu.region"() ({
        %run_scoped3A_166 = tpu.sem_alloc : memref<!tpu.dma_semaphore, #tpu.memory_space<semaphore_mem>>
        %dma_start3A_167 = arith.constant 0 : i32
        %dma_start3A_168 = tpu.memref_slice %arg7[%add3A_113, %dma_start3A_167] : memref<125x80xi32, #tpu.memory_space<vmem>> -> memref<1x80xi32, #tpu.memory_space<vmem>>
        %dma_start3A_169 = tpu.memref_squeeze %dma_start3A_168 : memref<1x80xi32, #tpu.memory_space<vmem>> -> memref<80xi32, #tpu.memory_space<vmem>>
        %dma_start3A_170 = arith.constant 0 : i32
        %dma_start3A_171 = arith.constant 0 : i32
        %dma_start3A_172 = tpu.memref_slice %arg11[%dma_start3A_170, %dma_start3A_171] : memref<10000x128xf32, #tpu.memory_space<vmem_shared>> -> memref<10000x128xf32, #tpu.memory_space<vmem_shared>>
        tpu.enqueue_indirect_dma source(%arg8 : memref<80x128xf32, #tpu.memory_space<vmem>>) target(%dma_start3A_172 : memref<10000x128xf32, #tpu.memory_space<vmem_shared>>) offsets(%dma_start3A_169 : memref<80xi32, #tpu.memory_space<vmem>>) semaphore(%run_scoped3A_166 : memref<!tpu.dma_semaphore, #tpu.memory_space<semaphore_mem>>) {add = true}
        %dma_wait3A_173 = arith.constant 0 : i32
        %dma_wait3A_174 = tpu.memref_slice %arg7[%add3A_113, %dma_wait3A_173] : memref<125x80xi32, #tpu.memory_space<vmem>> -> memref<1x80xi32, #tpu.memory_space<vmem>>
        %dma_wait3A_175 = tpu.memref_squeeze %dma_wait3A_174 : memref<1x80xi32, #tpu.memory_space<vmem>> -> memref<80xi32, #tpu.memory_space<vmem>>
        %dma_wait3A_176 = arith.constant 0 : i32
        %dma_wait3A_177 = arith.constant 0 : i32
        %dma_wait3A_178 = tpu.memref_slice %arg11[%dma_wait3A_176, %dma_wait3A_177] : memref<10000x128xf32, #tpu.memory_space<vmem_shared>> -> memref<10000x128xf32, #tpu.memory_space<vmem_shared>>
        tpu.wait_indirect_dma semaphore(%run_scoped3A_166 : memref<!tpu.dma_semaphore, #tpu.memory_space<semaphore_mem>>) src(%arg8 : memref<80x128xf32, #tpu.memory_space<vmem>>) dst(%dma_wait3A_178 : memref<10000x128xf32, #tpu.memory_space<vmem_shared>>)
        tpu.yield
      }) : () -> ()
      %mul3A_126 = arith.constant 3 : i32
      %mul3A_127 = arith.muli %mul3A_126, %scan3A_109 : i32
      %add3A_128 = arith.constant 1 : i32
      %add3A_129 = arith.addi %mul3A_127, %add3A_128 : i32
      %add3A_130 = arith.constant 3 : i32
      %add3A_131 = arith.addi %add3A_129, %add3A_130 : i32
      %sub3A_132 = arith.constant 1 : i32
      %sub3A_133 = arith.subi %add3A_131, %sub3A_132 : i32
      %lt3A_134 = arith.constant 125 : i32
      %lt3A_135 = arith.cmpi slt, %sub3A_133, %lt3A_134 : i32
      %convert_element_type3A_136 = arith.extui %lt3A_135 : i1 to i32
      %cond3A_137 = arith.constant 0 : i32
      %cond3A_138 = arith.cmpi ne, %convert_element_type3A_136, %cond3A_137 : i32
      scf.if %cond3A_138 {
        %dma_start3A_166 = arith.constant 0 : i32
        %dma_start3A_167 = tpu.memref_slice %arg6[%sub3A_133, %dma_start3A_166] : memref<125x80xi32, #tpu.memory_space<vmem>> -> memref<1x80xi32, #tpu.memory_space<vmem>>
        %dma_start3A_168 = tpu.memref_squeeze %dma_start3A_167 : memref<1x80xi32, #tpu.memory_space<vmem>> -> memref<80xi32, #tpu.memory_space<vmem>>
        %dma_start3A_169 = arith.constant 0 : i32
        %dma_start3A_170 = arith.constant 0 : i32
        %dma_start3A_171 = tpu.memref_slice %arg2[%dma_start3A_169, %dma_start3A_170] : memref<10000x128xf32, #tpu.memory_space<hbm>> -> memref<10000x128xf32, #tpu.memory_space<hbm>>
        tpu.enqueue_indirect_dma source(%dma_start3A_171 : memref<10000x128xf32, #tpu.memory_space<hbm>>) target(%arg8 : memref<80x128xf32, #tpu.memory_space<vmem>>) offsets(%dma_start3A_168 : memref<80xi32, #tpu.memory_space<vmem>>) semaphore(%arg12 : memref<!tpu.dma_semaphore, #tpu.memory_space<semaphore_mem>>)
      } else {
      }
      %dma_wait3A_139 = arith.constant 0 : i32
      %dma_wait3A_140 = arith.constant 0 : i32
      %dma_wait3A_141 = tpu.memref_slice %arg6[%dma_wait3A_139, %dma_wait3A_140] : memref<125x80xi32, #tpu.memory_space<vmem>> -> memref<1x80xi32, #tpu.memory_space<vmem>>
      %dma_wait3A_142 = tpu.memref_squeeze %dma_wait3A_141 : memref<1x80xi32, #tpu.memory_space<vmem>> -> memref<80xi32, #tpu.memory_space<vmem>>
      %dma_wait3A_143 = arith.constant 0 : i32
      %dma_wait3A_144 = arith.constant 0 : i32
      %dma_wait3A_145 = tpu.memref_slice %arg2[%dma_wait3A_143, %dma_wait3A_144] : memref<10000x128xf32, #tpu.memory_space<hbm>> -> memref<10000x128xf32, #tpu.memory_space<hbm>>
      tpu.wait_indirect_dma semaphore(%arg13 : memref<!tpu.dma_semaphore, #tpu.memory_space<semaphore_mem>>) src(%dma_wait3A_145 : memref<10000x128xf32, #tpu.memory_space<hbm>>) dst(%arg9 : memref<80x128xf32, #tpu.memory_space<vmem>>)
      "tpu.region"() ({
        %run_scoped3A_166 = tpu.sem_alloc : memref<!tpu.dma_semaphore, #tpu.memory_space<semaphore_mem>>
        %dma_start3A_167 = arith.constant 0 : i32
        %dma_start3A_168 = tpu.memref_slice %arg7[%add3A_129, %dma_start3A_167] : memref<125x80xi32, #tpu.memory_space<vmem>> -> memref<1x80xi32, #tpu.memory_space<vmem>>
        %dma_start3A_169 = tpu.memref_squeeze %dma_start3A_168 : memref<1x80xi32, #tpu.memory_space<vmem>> -> memref<80xi32, #tpu.memory_space<vmem>>
        %dma_start3A_170 = arith.constant 0 : i32
        %dma_start3A_171 = arith.constant 0 : i32
        %dma_start3A_172 = tpu.memref_slice %arg11[%dma_start3A_170, %dma_start3A_171] : memref<10000x128xf32, #tpu.memory_space<vmem_shared>> -> memref<10000x128xf32, #tpu.memory_space<vmem_shared>>
        tpu.enqueue_indirect_dma source(%arg9 : memref<80x128xf32, #tpu.memory_space<vmem>>) target(%dma_start3A_172 : memref<10000x128xf32, #tpu.memory_space<vmem_shared>>) offsets(%dma_start3A_169 : memref<80xi32, #tpu.memory_space<vmem>>) semaphore(%run_scoped3A_166 : memref<!tpu.dma_semaphore, #tpu.memory_space<semaphore_mem>>) {add = true}
        %dma_wait3A_173 = arith.constant 0 : i32
        %dma_wait3A_174 = tpu.memref_slice %arg7[%add3A_129, %dma_wait3A_173] : memref<125x80xi32, #tpu.memory_space<vmem>> -> memref<1x80xi32, #tpu.memory_space<vmem>>
        %dma_wait3A_175 = tpu.memref_squeeze %dma_wait3A_174 : memref<1x80xi32, #tpu.memory_space<vmem>> -> memref<80xi32, #tpu.memory_space<vmem>>
        %dma_wait3A_176 = arith.constant 0 : i32
        %dma_wait3A_177 = arith.constant 0 : i32
        %dma_wait3A_178 = tpu.memref_slice %arg11[%dma_wait3A_176, %dma_wait3A_177] : memref<10000x128xf32, #tpu.memory_space<vmem_shared>> -> memref<10000x128xf32, #tpu.memory_space<vmem_shared>>
        tpu.wait_indirect_dma semaphore(%run_scoped3A_166 : memref<!tpu.dma_semaphore, #tpu.memory_space<semaphore_mem>>) src(%arg9 : memref<80x128xf32, #tpu.memory_space<vmem>>) dst(%dma_wait3A_178 : memref<10000x128xf32, #tpu.memory_space<vmem_shared>>)
        tpu.yield
      }) : () -> ()
      %mul3A_146 = arith.constant 3 : i32
      %mul3A_147 = arith.muli %mul3A_146, %scan3A_109 : i32
      %add3A_148 = arith.constant 2 : i32
      %add3A_149 = arith.addi %mul3A_147, %add3A_148 : i32
      %add3A_150 = arith.constant 3 : i32
      %add3A_151 = arith.addi %add3A_149, %add3A_150 : i32
      %sub3A_152 = arith.constant 1 : i32
      %sub3A_153 = arith.subi %add3A_151, %sub3A_152 : i32
      %lt3A_154 = arith.constant 125 : i32
      %lt3A_155 = arith.cmpi slt, %sub3A_153, %lt3A_154 : i32
      %convert_element_type3A_156 = arith.extui %lt3A_155 : i1 to i32
      %cond3A_157 = arith.constant 0 : i32
      %cond3A_158 = arith.cmpi ne, %convert_element_type3A_156, %cond3A_157 : i32
      scf.if %cond3A_158 {
        %dma_start3A_166 = arith.constant 0 : i32
        %dma_start3A_167 = tpu.memref_slice %arg6[%sub3A_153, %dma_start3A_166] : memref<125x80xi32, #tpu.memory_space<vmem>> -> memref<1x80xi32, #tpu.memory_space<vmem>>
        %dma_start3A_168 = tpu.memref_squeeze %dma_start3A_167 : memref<1x80xi32, #tpu.memory_space<vmem>> -> memref<80xi32, #tpu.memory_space<vmem>>
        %dma_start3A_169 = arith.constant 0 : i32
        %dma_start3A_170 = arith.constant 0 : i32
        %dma_start3A_171 = tpu.memref_slice %arg2[%dma_start3A_169, %dma_start3A_170] : memref<10000x128xf32, #tpu.memory_space<hbm>> -> memref<10000x128xf32, #tpu.memory_space<hbm>>
        tpu.enqueue_indirect_dma source(%dma_start3A_171 : memref<10000x128xf32, #tpu.memory_space<hbm>>) target(%arg9 : memref<80x128xf32, #tpu.memory_space<vmem>>) offsets(%dma_start3A_168 : memref<80xi32, #tpu.memory_space<vmem>>) semaphore(%arg13 : memref<!tpu.dma_semaphore, #tpu.memory_space<semaphore_mem>>)
      } else {
      }
      %dma_wait3A_159 = arith.constant 0 : i32
      %dma_wait3A_160 = arith.constant 0 : i32
      %dma_wait3A_161 = tpu.memref_slice %arg6[%dma_wait3A_159, %dma_wait3A_160] : memref<125x80xi32, #tpu.memory_space<vmem>> -> memref<1x80xi32, #tpu.memory_space<vmem>>
      %dma_wait3A_162 = tpu.memref_squeeze %dma_wait3A_161 : memref<1x80xi32, #tpu.memory_space<vmem>> -> memref<80xi32, #tpu.memory_space<vmem>>
      %dma_wait3A_163 = arith.constant 0 : i32
      %dma_wait3A_164 = arith.constant 0 : i32
      %dma_wait3A_165 = tpu.memref_slice %arg2[%dma_wait3A_163, %dma_wait3A_164] : memref<10000x128xf32, #tpu.memory_space<hbm>> -> memref<10000x128xf32, #tpu.memory_space<hbm>>
      tpu.wait_indirect_dma semaphore(%arg14 : memref<!tpu.dma_semaphore, #tpu.memory_space<semaphore_mem>>) src(%dma_wait3A_165 : memref<10000x128xf32, #tpu.memory_space<hbm>>) dst(%arg10 : memref<80x128xf32, #tpu.memory_space<vmem>>)
      "tpu.region"() ({
        %run_scoped3A_166 = tpu.sem_alloc : memref<!tpu.dma_semaphore, #tpu.memory_space<semaphore_mem>>
        %dma_start3A_167 = arith.constant 0 : i32
        %dma_start3A_168 = tpu.memref_slice %arg7[%add3A_149, %dma_start3A_167] : memref<125x80xi32, #tpu.memory_space<vmem>> -> memref<1x80xi32, #tpu.memory_space<vmem>>
        %dma_start3A_169 = tpu.memref_squeeze %dma_start3A_168 : memref<1x80xi32, #tpu.memory_space<vmem>> -> memref<80xi32, #tpu.memory_space<vmem>>
        %dma_start3A_170 = arith.constant 0 : i32
        %dma_start3A_171 = arith.constant 0 : i32
        %dma_start3A_172 = tpu.memref_slice %arg11[%dma_start3A_170, %dma_start3A_171] : memref<10000x128xf32, #tpu.memory_space<vmem_shared>> -> memref<10000x128xf32, #tpu.memory_space<vmem_shared>>
        tpu.enqueue_indirect_dma source(%arg10 : memref<80x128xf32, #tpu.memory_space<vmem>>) target(%dma_start3A_172 : memref<10000x128xf32, #tpu.memory_space<vmem_shared>>) offsets(%dma_start3A_169 : memref<80xi32, #tpu.memory_space<vmem>>) semaphore(%run_scoped3A_166 : memref<!tpu.dma_semaphore, #tpu.memory_space<semaphore_mem>>) {add = true}
        %dma_wait3A_173 = arith.constant 0 : i32
        %dma_wait3A_174 = tpu.memref_slice %arg7[%add3A_149, %dma_wait3A_173] : memref<125x80xi32, #tpu.memory_space<vmem>> -> memref<1x80xi32, #tpu.memory_space<vmem>>
        %dma_wait3A_175 = tpu.memref_squeeze %dma_wait3A_174 : memref<1x80xi32, #tpu.memory_space<vmem>> -> memref<80xi32, #tpu.memory_space<vmem>>
        %dma_wait3A_176 = arith.constant 0 : i32
        %dma_wait3A_177 = arith.constant 0 : i32
        %dma_wait3A_178 = tpu.memref_slice %arg11[%dma_wait3A_176, %dma_wait3A_177] : memref<10000x128xf32, #tpu.memory_space<vmem_shared>> -> memref<10000x128xf32, #tpu.memory_space<vmem_shared>>
        tpu.wait_indirect_dma semaphore(%run_scoped3A_166 : memref<!tpu.dma_semaphore, #tpu.memory_space<semaphore_mem>>) src(%arg10 : memref<80x128xf32, #tpu.memory_space<vmem>>) dst(%dma_wait3A_178 : memref<10000x128xf32, #tpu.memory_space<vmem_shared>>)
        tpu.yield
      }) : () -> ()
    }
    %scan3A_88 = arith.constant 41 : i32
    %dma_wait3A_89 = arith.constant 0 : i32
    %dma_wait3A_90 = arith.constant 0 : i32
    %dma_wait3A_91 = tpu.memref_slice %arg6[%dma_wait3A_89, %dma_wait3A_90] : memref<125x80xi32, #tpu.memory_space<vmem>> -> memref<1x80xi32, #tpu.memory_space<vmem>>
    %dma_wait3A_92 = tpu.memref_squeeze %dma_wait3A_91 : memref<1x80xi32, #tpu.memory_space<vmem>> -> memref<80xi32, #tpu.memory_space<vmem>>
    %dma_wait3A_93 = arith.constant 0 : i32
    %dma_wait3A_94 = arith.constant 0 : i32
    %dma_wait3A_95 = tpu.memref_slice %arg2[%dma_wait3A_93, %dma_wait3A_94] : memref<10000x128xf32, #tpu.memory_space<hbm>> -> memref<10000x128xf32, #tpu.memory_space<hbm>>
    tpu.wait_indirect_dma semaphore(%arg12 : memref<!tpu.dma_semaphore, #tpu.memory_space<semaphore_mem>>) src(%dma_wait3A_95 : memref<10000x128xf32, #tpu.memory_space<hbm>>) dst(%arg8 : memref<80x128xf32, #tpu.memory_space<vmem>>)
    %run_scoped3A = arith.constant 123 : i32
    "tpu.region"() ({
      %run_scoped3A_109 = tpu.sem_alloc : memref<!tpu.dma_semaphore, #tpu.memory_space<semaphore_mem>>
      %dma_start3A_110 = arith.constant 0 : i32
      %dma_start3A_111 = tpu.memref_slice %arg7[%run_scoped3A, %dma_start3A_110] : memref<125x80xi32, #tpu.memory_space<vmem>> -> memref<1x80xi32, #tpu.memory_space<vmem>>
      %dma_start3A_112 = tpu.memref_squeeze %dma_start3A_111 : memref<1x80xi32, #tpu.memory_space<vmem>> -> memref<80xi32, #tpu.memory_space<vmem>>
      %dma_start3A_113 = arith.constant 0 : i32
      %dma_start3A_114 = arith.constant 0 : i32
      %dma_start3A_115 = tpu.memref_slice %arg11[%dma_start3A_113, %dma_start3A_114] : memref<10000x128xf32, #tpu.memory_space<vmem_shared>> -> memref<10000x128xf32, #tpu.memory_space<vmem_shared>>
      tpu.enqueue_indirect_dma source(%arg8 : memref<80x128xf32, #tpu.memory_space<vmem>>) target(%dma_start3A_115 : memref<10000x128xf32, #tpu.memory_space<vmem_shared>>) offsets(%dma_start3A_112 : memref<80xi32, #tpu.memory_space<vmem>>) semaphore(%run_scoped3A_109 : memref<!tpu.dma_semaphore, #tpu.memory_space<semaphore_mem>>) {add = true}
      %dma_wait3A_116 = arith.constant 0 : i32
      %dma_wait3A_117 = tpu.memref_slice %arg7[%run_scoped3A, %dma_wait3A_116] : memref<125x80xi32, #tpu.memory_space<vmem>> -> memref<1x80xi32, #tpu.memory_space<vmem>>
      %dma_wait3A_118 = tpu.memref_squeeze %dma_wait3A_117 : memref<1x80xi32, #tpu.memory_space<vmem>> -> memref<80xi32, #tpu.memory_space<vmem>>
      %dma_wait3A_119 = arith.constant 0 : i32
      %dma_wait3A_120 = arith.constant 0 : i32
      %dma_wait3A_121 = tpu.memref_slice %arg11[%dma_wait3A_119, %dma_wait3A_120] : memref<10000x128xf32, #tpu.memory_space<vmem_shared>> -> memref<10000x128xf32, #tpu.memory_space<vmem_shared>>
      tpu.wait_indirect_dma semaphore(%run_scoped3A_109 : memref<!tpu.dma_semaphore, #tpu.memory_space<semaphore_mem>>) src(%arg8 : memref<80x128xf32, #tpu.memory_space<vmem>>) dst(%dma_wait3A_121 : memref<10000x128xf32, #tpu.memory_space<vmem_shared>>)
      tpu.yield
    }) : () -> ()
    %dma_wait3A_96 = arith.constant 0 : i32
    %dma_wait3A_97 = arith.constant 0 : i32
    %dma_wait3A_98 = tpu.memref_slice %arg6[%dma_wait3A_96, %dma_wait3A_97] : memref<125x80xi32, #tpu.memory_space<vmem>> -> memref<1x80xi32, #tpu.memory_space<vmem>>
    %dma_wait3A_99 = tpu.memref_squeeze %dma_wait3A_98 : memref<1x80xi32, #tpu.memory_space<vmem>> -> memref<80xi32, #tpu.memory_space<vmem>>
    %dma_wait3A_100 = arith.constant 0 : i32
    %dma_wait3A_101 = arith.constant 0 : i32
    %dma_wait3A_102 = tpu.memref_slice %arg2[%dma_wait3A_100, %dma_wait3A_101] : memref<10000x128xf32, #tpu.memory_space<hbm>> -> memref<10000x128xf32, #tpu.memory_space<hbm>>
    tpu.wait_indirect_dma semaphore(%arg13 : memref<!tpu.dma_semaphore, #tpu.memory_space<semaphore_mem>>) src(%dma_wait3A_102 : memref<10000x128xf32, #tpu.memory_space<hbm>>) dst(%arg9 : memref<80x128xf32, #tpu.memory_space<vmem>>)
    %run_scoped3A_103 = arith.constant 124 : i32
    "tpu.region"() ({
      %run_scoped3A_109 = tpu.sem_alloc : memref<!tpu.dma_semaphore, #tpu.memory_space<semaphore_mem>>
      %dma_start3A_110 = arith.constant 0 : i32
      %dma_start3A_111 = tpu.memref_slice %arg7[%run_scoped3A_103, %dma_start3A_110] : memref<125x80xi32, #tpu.memory_space<vmem>> -> memref<1x80xi32, #tpu.memory_space<vmem>>
      %dma_start3A_112 = tpu.memref_squeeze %dma_start3A_111 : memref<1x80xi32, #tpu.memory_space<vmem>> -> memref<80xi32, #tpu.memory_space<vmem>>
      %dma_start3A_113 = arith.constant 0 : i32
      %dma_start3A_114 = arith.constant 0 : i32
      %dma_start3A_115 = tpu.memref_slice %arg11[%dma_start3A_113, %dma_start3A_114] : memref<10000x128xf32, #tpu.memory_space<vmem_shared>> -> memref<10000x128xf32, #tpu.memory_space<vmem_shared>>
      tpu.enqueue_indirect_dma source(%arg9 : memref<80x128xf32, #tpu.memory_space<vmem>>) target(%dma_start3A_115 : memref<10000x128xf32, #tpu.memory_space<vmem_shared>>) offsets(%dma_start3A_112 : memref<80xi32, #tpu.memory_space<vmem>>) semaphore(%run_scoped3A_109 : memref<!tpu.dma_semaphore, #tpu.memory_space<semaphore_mem>>) {add = true}
      %dma_wait3A_116 = arith.constant 0 : i32
      %dma_wait3A_117 = tpu.memref_slice %arg7[%run_scoped3A_103, %dma_wait3A_116] : memref<125x80xi32, #tpu.memory_space<vmem>> -> memref<1x80xi32, #tpu.memory_space<vmem>>
      %dma_wait3A_118 = tpu.memref_squeeze %dma_wait3A_117 : memref<1x80xi32, #tpu.memory_space<vmem>> -> memref<80xi32, #tpu.memory_space<vmem>>
      %dma_wait3A_119 = arith.constant 0 : i32
      %dma_wait3A_120 = arith.constant 0 : i32
      %dma_wait3A_121 = tpu.memref_slice %arg11[%dma_wait3A_119, %dma_wait3A_120] : memref<10000x128xf32, #tpu.memory_space<vmem_shared>> -> memref<10000x128xf32, #tpu.memory_space<vmem_shared>>
      tpu.wait_indirect_dma semaphore(%run_scoped3A_109 : memref<!tpu.dma_semaphore, #tpu.memory_space<semaphore_mem>>) src(%arg9 : memref<80x128xf32, #tpu.memory_space<vmem>>) dst(%dma_wait3A_121 : memref<10000x128xf32, #tpu.memory_space<vmem_shared>>)
      tpu.yield
    }) : () -> ()
    %barrier3A_104 = arith.constant 0 : index
    tpu.barrier barrier_id(%barrier3A_104)
    %mul3A_105 = arith.constant 625 : i32
    %mul3A_106 = arith.muli %arg1, %mul3A_105 : i32
    %mul3A_107 = arith.constant 625 : i32
    %mul3A_108 = arith.muli %arg1, %mul3A_107 : i32
    "tpu.region"() ({
      %run_scoped3A_109 = tpu.sem_alloc : memref<!tpu.dma_semaphore, #tpu.memory_space<semaphore_mem>>
      %dma_start3A_110 = arith.constant 0 : i32
      %dma_start3A_111 = tpu.memref_slice %arg5[%arg0, %mul3A_108, %dma_start3A_110] : memref<2x10000x128xf32, #tpu.memory_space<hbm>> -> memref<1x625x128xf32, #tpu.memory_space<hbm>>
      %dma_start3A_112 = tpu.memref_squeeze %dma_start3A_111 : memref<1x625x128xf32, #tpu.memory_space<hbm>> -> memref<625x128xf32, #tpu.memory_space<hbm>>
      %dma_start3A_113 = arith.constant 0 : i32
      %dma_start3A_114 = tpu.memref_slice %arg11[%mul3A_106, %dma_start3A_113] : memref<10000x128xf32, #tpu.memory_space<vmem_shared>> -> memref<625x128xf32, #tpu.memory_space<vmem_shared>>
      tpu.enqueue_dma source(%dma_start3A_114 : memref<625x128xf32, #tpu.memory_space<vmem_shared>>) target(%dma_start3A_112 : memref<625x128xf32, #tpu.memory_space<hbm>>) target_semaphore(%run_scoped3A_109 : memref<!tpu.dma_semaphore, #tpu.memory_space<semaphore_mem>>)
      %dma_wait3A_115 = arith.constant 0 : i32
      %dma_wait3A_116 = tpu.memref_slice %arg5[%arg0, %mul3A_108, %dma_wait3A_115] : memref<2x10000x128xf32, #tpu.memory_space<hbm>> -> memref<1x625x128xf32, #tpu.memory_space<hbm>>
      %dma_wait3A_117 = tpu.memref_squeeze %dma_wait3A_116 : memref<1x625x128xf32, #tpu.memory_space<hbm>> -> memref<625x128xf32, #tpu.memory_space<hbm>>
      %dma_wait3A_118 = arith.constant 0 : i32
      %dma_wait3A_119 = tpu.memref_slice %arg11[%mul3A_106, %dma_wait3A_118] : memref<10000x128xf32, #tpu.memory_space<vmem_shared>> -> memref<625x128xf32, #tpu.memory_space<vmem_shared>>
      tpu.wait_dma2 semaphore(%run_scoped3A_109 : memref<!tpu.dma_semaphore, #tpu.memory_space<semaphore_mem>>) src(%dma_wait3A_119 : memref<625x128xf32, #tpu.memory_space<vmem_shared>>) dst(%dma_wait3A_117 : memref<625x128xf32, #tpu.memory_space<hbm>>)
      tpu.yield
    }) : () -> ()
    return
  }
}

#map = affine_map<(d0, d1) -> (0, 0)>
#map1 = affine_map<(d0, d1) -> (0, 0, 0)>
module attributes {stable_mosaic.version = 14 : i64} {
  func.func @k(%arg0: i32, %arg1: i32, %arg2: memref<10000x32xf32, #tpu.memory_space<hbm>>, %arg3: memref<32x125x80xi32, #tpu.memory_space<hbm>>, %arg4: memref<32x125x80xi32, #tpu.memory_space<hbm>>, %arg5: memref<2x10000x32xf32, #tpu.memory_space<hbm>>, %arg6: memref<125x80xi32, #tpu.memory_space<vmem>>, %arg7: memref<125x80xi32, #tpu.memory_space<vmem>>, %arg8: memref<80x32xf32, #tpu.memory_space<vmem>>, %arg9: memref<80x32xf32, #tpu.memory_space<vmem>>, %arg10: memref<80x32xf32, #tpu.memory_space<vmem>>, %arg11: memref<80x32xf32, #tpu.memory_space<vmem>>, %arg12: memref<80x32xf32, #tpu.memory_space<vmem>>, %arg13: memref<80x32xf32, #tpu.memory_space<vmem>>, %arg14: memref<80x32xf32, #tpu.memory_space<vmem>>, %arg15: memref<80x32xf32, #tpu.memory_space<vmem>>, %arg16: memref<10000x32xf32, #tpu.memory_space<vmem_shared>>, %arg17: memref<!tpu.dma_semaphore, #tpu.memory_space<semaphore_mem>>, %arg18: memref<!tpu.dma_semaphore, #tpu.memory_space<semaphore_mem>>, %arg19: memref<!tpu.dma_semaphore, #tpu.memory_space<semaphore_mem>>, %arg20: memref<!tpu.dma_semaphore, #tpu.memory_space<semaphore_mem>>, %arg21: memref<!tpu.dma_semaphore, #tpu.memory_space<semaphore_mem>>, %arg22: memref<!tpu.dma_semaphore, #tpu.memory_space<semaphore_mem>>, %arg23: memref<!tpu.dma_semaphore, #tpu.memory_space<semaphore_mem>>, %arg24: memref<!tpu.dma_semaphore, #tpu.memory_space<semaphore_mem>>) attributes {dimension_semantics = [#tpu.dimension_semantics<core_parallel>, #tpu.dimension_semantics<subcore_parallel>], iteration_bounds = array<i64: 2, 16>, scalar_prefetch = 0 : i64, scratch_operands = 19 : i64, tpu.core_type = #tpu.core_type<sc_vector_subcore>, window_params = [{transform_indices = #map}, {transform_indices = #map1}, {transform_indices = #map1}, {transform_indices = #map1}]} {
    %mul3A = arith.constant 2 : i32
    %mul3A_0 = arith.muli %arg1, %mul3A : i32
    %add3A = arith.addi %mul3A_0, %arg0 : i32
    %dma_start3A = arith.constant 0 : i32
    %dma_start3A_1 = arith.constant 0 : i32
    %dma_start3A_2 = tpu.memref_slice %arg3[%add3A, %dma_start3A, %dma_start3A_1] : memref<32x125x80xi32, #tpu.memory_space<hbm>> -> memref<1x125x80xi32, #tpu.memory_space<hbm>>
    %dma_start3A_3 = tpu.memref_squeeze %dma_start3A_2 : memref<1x125x80xi32, #tpu.memory_space<hbm>> -> memref<125x80xi32, #tpu.memory_space<hbm>>
    %dma_start3A_4 = arith.constant 0 : i32
    %dma_start3A_5 = arith.constant 0 : i32
    %dma_start3A_6 = tpu.memref_slice %arg3[%add3A, %dma_start3A_4, %dma_start3A_5] : memref<32x125x80xi32, #tpu.memory_space<hbm>> -> memref<1x125x80xi32, #tpu.memory_space<hbm>>
    %dma_start3A_7 = tpu.memref_squeeze %dma_start3A_6 : memref<1x125x80xi32, #tpu.memory_space<hbm>> -> memref<125x80xi32, #tpu.memory_space<hbm>>
    tpu.enqueue_dma source(%dma_start3A_7 : memref<125x80xi32, #tpu.memory_space<hbm>>) target(%arg6 : memref<125x80xi32, #tpu.memory_space<vmem>>) target_semaphore(%arg17 : memref<!tpu.dma_semaphore, #tpu.memory_space<semaphore_mem>>)
    %dma_start3A_8 = arith.constant 0 : i32
    %dma_start3A_9 = arith.constant 0 : i32
    %dma_start3A_10 = tpu.memref_slice %arg4[%add3A, %dma_start3A_8, %dma_start3A_9] : memref<32x125x80xi32, #tpu.memory_space<hbm>> -> memref<1x125x80xi32, #tpu.memory_space<hbm>>
    %dma_start3A_11 = tpu.memref_squeeze %dma_start3A_10 : memref<1x125x80xi32, #tpu.memory_space<hbm>> -> memref<125x80xi32, #tpu.memory_space<hbm>>
    %dma_start3A_12 = arith.constant 0 : i32
    %dma_start3A_13 = arith.constant 0 : i32
    %dma_start3A_14 = tpu.memref_slice %arg4[%add3A, %dma_start3A_12, %dma_start3A_13] : memref<32x125x80xi32, #tpu.memory_space<hbm>> -> memref<1x125x80xi32, #tpu.memory_space<hbm>>
    %dma_start3A_15 = tpu.memref_squeeze %dma_start3A_14 : memref<1x125x80xi32, #tpu.memory_space<hbm>> -> memref<125x80xi32, #tpu.memory_space<hbm>>
    tpu.enqueue_dma source(%dma_start3A_15 : memref<125x80xi32, #tpu.memory_space<hbm>>) target(%arg7 : memref<125x80xi32, #tpu.memory_space<vmem>>) target_semaphore(%arg18 : memref<!tpu.dma_semaphore, #tpu.memory_space<semaphore_mem>>)
    %broadcast_in_dim3A = arith.constant 0.000000e+00 : f32
    %broadcast_in_dim3A_16 = vector.broadcast %broadcast_in_dim3A : f32 to vector<16xf32>
    %scan3A = arith.constant 0 : i32
    %scan3A_17 = arith.constant 0 : i32
    %scan3A_18 = arith.constant 80 : i32
    %scan3A_19 = arith.addi %scan3A_17, %scan3A_18 : i32
    %scan3A_20 = arith.constant 1 : i32
    scf.for %scan3A_168 = %scan3A_17 to %scan3A_19 step %scan3A_20  : i32 {
      %swap3A = arith.index_cast %scan3A_168 : i32 to index
      %swap3A_169 = arith.constant 0 : index
      %swap3A_170 = tpu.vector_load %arg8[%swap3A, %swap3A_169] {strides = array<i32>} : memref<80x32xf32, #tpu.memory_space<vmem>>, vector<1x16xf32>,
      %swap3A_171 = vector.shape_cast %swap3A_170 : vector<1x16xf32> to vector<16xf32>
      %swap3A_172 = vector.shape_cast %broadcast_in_dim3A_16 : vector<16xf32> to vector<1x16xf32>
      tpu.vector_store %arg8[%swap3A, %swap3A_169], %swap3A_172 {strides = array<i32>} : memref<80x32xf32, #tpu.memory_space<vmem>>, vector<1x16xf32>,
      %swap3A_173 = arith.index_cast %scan3A_168 : i32 to index
      %swap3A_174 = arith.constant 16 : index
      %swap3A_175 = tpu.vector_load %arg8[%swap3A_173, %swap3A_174] {strides = array<i32>} : memref<80x32xf32, #tpu.memory_space<vmem>>, vector<1x16xf32>,
      %swap3A_176 = vector.shape_cast %swap3A_175 : vector<1x16xf32> to vector<16xf32>
      %swap3A_177 = vector.shape_cast %broadcast_in_dim3A_16 : vector<16xf32> to vector<1x16xf32>
      tpu.vector_store %arg8[%swap3A_173, %swap3A_174], %swap3A_177 {strides = array<i32>} : memref<80x32xf32, #tpu.memory_space<vmem>>, vector<1x16xf32>,
    }
    %scan3A_21 = arith.constant 80 : i32
    %mul3A_22 = arith.constant 625 : i32
    %mul3A_23 = arith.muli %arg1, %mul3A_22 : i32
    %add3A_24 = arith.constant 0 : i32
    %add3A_25 = arith.addi %mul3A_23, %add3A_24 : i32
    "tpu.region"() ({
      %run_scoped3A_168 = tpu.sem_alloc : memref<!tpu.dma_semaphore, #tpu.memory_space<semaphore_mem>>
      %dma_start3A_169 = arith.constant 0 : i32
      %dma_start3A_170 = tpu.memref_slice %arg16[%add3A_25, %dma_start3A_169] : memref<10000x32xf32, #tpu.memory_space<vmem_shared>> -> memref<80x32xf32, #tpu.memory_space<vmem_shared>>
      %dma_start3A_171 = arith.constant 0 : i32
      %dma_start3A_172 = tpu.memref_slice %arg16[%add3A_25, %dma_start3A_171] : memref<10000x32xf32, #tpu.memory_space<vmem_shared>> -> memref<80x32xf32, #tpu.memory_space<vmem_shared>>
      tpu.enqueue_dma source(%arg8 : memref<80x32xf32, #tpu.memory_space<vmem>>) target(%dma_start3A_172 : memref<80x32xf32, #tpu.memory_space<vmem_shared>>) target_semaphore(%run_scoped3A_168 : memref<!tpu.dma_semaphore, #tpu.memory_space<semaphore_mem>>)
      %dma_wait3A_173 = arith.constant 0 : i32
      %dma_wait3A_174 = tpu.memref_slice %arg16[%add3A_25, %dma_wait3A_173] : memref<10000x32xf32, #tpu.memory_space<vmem_shared>> -> memref<80x32xf32, #tpu.memory_space<vmem_shared>>
      %dma_wait3A_175 = arith.constant 0 : i32
      %dma_wait3A_176 = tpu.memref_slice %arg16[%add3A_25, %dma_wait3A_175] : memref<10000x32xf32, #tpu.memory_space<vmem_shared>> -> memref<80x32xf32, #tpu.memory_space<vmem_shared>>
      tpu.wait_dma2 semaphore(%run_scoped3A_168 : memref<!tpu.dma_semaphore, #tpu.memory_space<semaphore_mem>>) src(%arg8 : memref<80x32xf32, #tpu.memory_space<vmem>>) dst(%dma_wait3A_176 : memref<80x32xf32, #tpu.memory_space<vmem_shared>>)
      tpu.yield
    }) : () -> ()
    %mul3A_26 = arith.constant 625 : i32
    %mul3A_27 = arith.muli %arg1, %mul3A_26 : i32
    %add3A_28 = arith.constant 80 : i32
    %add3A_29 = arith.addi %mul3A_27, %add3A_28 : i32
    "tpu.region"() ({
      %run_scoped3A_168 = tpu.sem_alloc : memref<!tpu.dma_semaphore, #tpu.memory_space<semaphore_mem>>
      %dma_start3A_169 = arith.constant 0 : i32
      %dma_start3A_170 = tpu.memref_slice %arg16[%add3A_29, %dma_start3A_169] : memref<10000x32xf32, #tpu.memory_space<vmem_shared>> -> memref<80x32xf32, #tpu.memory_space<vmem_shared>>
      %dma_start3A_171 = arith.constant 0 : i32
      %dma_start3A_172 = tpu.memref_slice %arg16[%add3A_29, %dma_start3A_171] : memref<10000x32xf32, #tpu.memory_space<vmem_shared>> -> memref<80x32xf32, #tpu.memory_space<vmem_shared>>
      tpu.enqueue_dma source(%arg8 : memref<80x32xf32, #tpu.memory_space<vmem>>) target(%dma_start3A_172 : memref<80x32xf32, #tpu.memory_space<vmem_shared>>) target_semaphore(%run_scoped3A_168 : memref<!tpu.dma_semaphore, #tpu.memory_space<semaphore_mem>>)
      %dma_wait3A_173 = arith.constant 0 : i32
      %dma_wait3A_174 = tpu.memref_slice %arg16[%add3A_29, %dma_wait3A_173] : memref<10000x32xf32, #tpu.memory_space<vmem_shared>> -> memref<80x32xf32, #tpu.memory_space<vmem_shared>>
      %dma_wait3A_175 = arith.constant 0 : i32
      %dma_wait3A_176 = tpu.memref_slice %arg16[%add3A_29, %dma_wait3A_175] : memref<10000x32xf32, #tpu.memory_space<vmem_shared>> -> memref<80x32xf32, #tpu.memory_space<vmem_shared>>
      tpu.wait_dma2 semaphore(%run_scoped3A_168 : memref<!tpu.dma_semaphore, #tpu.memory_space<semaphore_mem>>) src(%arg8 : memref<80x32xf32, #tpu.memory_space<vmem>>) dst(%dma_wait3A_176 : memref<80x32xf32, #tpu.memory_space<vmem_shared>>)
      tpu.yield
    }) : () -> ()
    %mul3A_30 = arith.constant 625 : i32
    %mul3A_31 = arith.muli %arg1, %mul3A_30 : i32
    %add3A_32 = arith.constant 160 : i32
    %add3A_33 = arith.addi %mul3A_31, %add3A_32 : i32
    "tpu.region"() ({
      %run_scoped3A_168 = tpu.sem_alloc : memref<!tpu.dma_semaphore, #tpu.memory_space<semaphore_mem>>
      %dma_start3A_169 = arith.constant 0 : i32
      %dma_start3A_170 = tpu.memref_slice %arg16[%add3A_33, %dma_start3A_169] : memref<10000x32xf32, #tpu.memory_space<vmem_shared>> -> memref<80x32xf32, #tpu.memory_space<vmem_shared>>
      %dma_start3A_171 = arith.constant 0 : i32
      %dma_start3A_172 = tpu.memref_slice %arg16[%add3A_33, %dma_start3A_171] : memref<10000x32xf32, #tpu.memory_space<vmem_shared>> -> memref<80x32xf32, #tpu.memory_space<vmem_shared>>
      tpu.enqueue_dma source(%arg8 : memref<80x32xf32, #tpu.memory_space<vmem>>) target(%dma_start3A_172 : memref<80x32xf32, #tpu.memory_space<vmem_shared>>) target_semaphore(%run_scoped3A_168 : memref<!tpu.dma_semaphore, #tpu.memory_space<semaphore_mem>>)
      %dma_wait3A_173 = arith.constant 0 : i32
      %dma_wait3A_174 = tpu.memref_slice %arg16[%add3A_33, %dma_wait3A_173] : memref<10000x32xf32, #tpu.memory_space<vmem_shared>> -> memref<80x32xf32, #tpu.memory_space<vmem_shared>>
      %dma_wait3A_175 = arith.constant 0 : i32
      %dma_wait3A_176 = tpu.memref_slice %arg16[%add3A_33, %dma_wait3A_175] : memref<10000x32xf32, #tpu.memory_space<vmem_shared>> -> memref<80x32xf32, #tpu.memory_space<vmem_shared>>
      tpu.wait_dma2 semaphore(%run_scoped3A_168 : memref<!tpu.dma_semaphore, #tpu.memory_space<semaphore_mem>>) src(%arg8 : memref<80x32xf32, #tpu.memory_space<vmem>>) dst(%dma_wait3A_176 : memref<80x32xf32, #tpu.memory_space<vmem_shared>>)
      tpu.yield
    }) : () -> ()
    %mul3A_34 = arith.constant 625 : i32
    %mul3A_35 = arith.muli %arg1, %mul3A_34 : i32
    %add3A_36 = arith.constant 240 : i32
    %add3A_37 = arith.addi %mul3A_35, %add3A_36 : i32
    "tpu.region"() ({
      %run_scoped3A_168 = tpu.sem_alloc : memref<!tpu.dma_semaphore, #tpu.memory_space<semaphore_mem>>
      %dma_start3A_169 = arith.constant 0 : i32
      %dma_start3A_170 = tpu.memref_slice %arg16[%add3A_37, %dma_start3A_169] : memref<10000x32xf32, #tpu.memory_space<vmem_shared>> -> memref<80x32xf32, #tpu.memory_space<vmem_shared>>
      %dma_start3A_171 = arith.constant 0 : i32
      %dma_start3A_172 = tpu.memref_slice %arg16[%add3A_37, %dma_start3A_171] : memref<10000x32xf32, #tpu.memory_space<vmem_shared>> -> memref<80x32xf32, #tpu.memory_space<vmem_shared>>
      tpu.enqueue_dma source(%arg8 : memref<80x32xf32, #tpu.memory_space<vmem>>) target(%dma_start3A_172 : memref<80x32xf32, #tpu.memory_space<vmem_shared>>) target_semaphore(%run_scoped3A_168 : memref<!tpu.dma_semaphore, #tpu.memory_space<semaphore_mem>>)
      %dma_wait3A_173 = arith.constant 0 : i32
      %dma_wait3A_174 = tpu.memref_slice %arg16[%add3A_37, %dma_wait3A_173] : memref<10000x32xf32, #tpu.memory_space<vmem_shared>> -> memref<80x32xf32, #tpu.memory_space<vmem_shared>>
      %dma_wait3A_175 = arith.constant 0 : i32
      %dma_wait3A_176 = tpu.memref_slice %arg16[%add3A_37, %dma_wait3A_175] : memref<10000x32xf32, #tpu.memory_space<vmem_shared>> -> memref<80x32xf32, #tpu.memory_space<vmem_shared>>
      tpu.wait_dma2 semaphore(%run_scoped3A_168 : memref<!tpu.dma_semaphore, #tpu.memory_space<semaphore_mem>>) src(%arg8 : memref<80x32xf32, #tpu.memory_space<vmem>>) dst(%dma_wait3A_176 : memref<80x32xf32, #tpu.memory_space<vmem_shared>>)
      tpu.yield
    }) : () -> ()
    %mul3A_38 = arith.constant 625 : i32
    %mul3A_39 = arith.muli %arg1, %mul3A_38 : i32
    %add3A_40 = arith.constant 320 : i32
    %add3A_41 = arith.addi %mul3A_39, %add3A_40 : i32
    "tpu.region"() ({
      %run_scoped3A_168 = tpu.sem_alloc : memref<!tpu.dma_semaphore, #tpu.memory_space<semaphore_mem>>
      %dma_start3A_169 = arith.constant 0 : i32
      %dma_start3A_170 = tpu.memref_slice %arg16[%add3A_41, %dma_start3A_169] : memref<10000x32xf32, #tpu.memory_space<vmem_shared>> -> memref<80x32xf32, #tpu.memory_space<vmem_shared>>
      %dma_start3A_171 = arith.constant 0 : i32
      %dma_start3A_172 = tpu.memref_slice %arg16[%add3A_41, %dma_start3A_171] : memref<10000x32xf32, #tpu.memory_space<vmem_shared>> -> memref<80x32xf32, #tpu.memory_space<vmem_shared>>
      tpu.enqueue_dma source(%arg8 : memref<80x32xf32, #tpu.memory_space<vmem>>) target(%dma_start3A_172 : memref<80x32xf32, #tpu.memory_space<vmem_shared>>) target_semaphore(%run_scoped3A_168 : memref<!tpu.dma_semaphore, #tpu.memory_space<semaphore_mem>>)
      %dma_wait3A_173 = arith.constant 0 : i32
      %dma_wait3A_174 = tpu.memref_slice %arg16[%add3A_41, %dma_wait3A_173] : memref<10000x32xf32, #tpu.memory_space<vmem_shared>> -> memref<80x32xf32, #tpu.memory_space<vmem_shared>>
      %dma_wait3A_175 = arith.constant 0 : i32
      %dma_wait3A_176 = tpu.memref_slice %arg16[%add3A_41, %dma_wait3A_175] : memref<10000x32xf32, #tpu.memory_space<vmem_shared>> -> memref<80x32xf32, #tpu.memory_space<vmem_shared>>
      tpu.wait_dma2 semaphore(%run_scoped3A_168 : memref<!tpu.dma_semaphore, #tpu.memory_space<semaphore_mem>>) src(%arg8 : memref<80x32xf32, #tpu.memory_space<vmem>>) dst(%dma_wait3A_176 : memref<80x32xf32, #tpu.memory_space<vmem_shared>>)
      tpu.yield
    }) : () -> ()
    %mul3A_42 = arith.constant 625 : i32
    %mul3A_43 = arith.muli %arg1, %mul3A_42 : i32
    %add3A_44 = arith.constant 400 : i32
    %add3A_45 = arith.addi %mul3A_43, %add3A_44 : i32
    "tpu.region"() ({
      %run_scoped3A_168 = tpu.sem_alloc : memref<!tpu.dma_semaphore, #tpu.memory_space<semaphore_mem>>
      %dma_start3A_169 = arith.constant 0 : i32
      %dma_start3A_170 = tpu.memref_slice %arg16[%add3A_45, %dma_start3A_169] : memref<10000x32xf32, #tpu.memory_space<vmem_shared>> -> memref<80x32xf32, #tpu.memory_space<vmem_shared>>
      %dma_start3A_171 = arith.constant 0 : i32
      %dma_start3A_172 = tpu.memref_slice %arg16[%add3A_45, %dma_start3A_171] : memref<10000x32xf32, #tpu.memory_space<vmem_shared>> -> memref<80x32xf32, #tpu.memory_space<vmem_shared>>
      tpu.enqueue_dma source(%arg8 : memref<80x32xf32, #tpu.memory_space<vmem>>) target(%dma_start3A_172 : memref<80x32xf32, #tpu.memory_space<vmem_shared>>) target_semaphore(%run_scoped3A_168 : memref<!tpu.dma_semaphore, #tpu.memory_space<semaphore_mem>>)
      %dma_wait3A_173 = arith.constant 0 : i32
      %dma_wait3A_174 = tpu.memref_slice %arg16[%add3A_45, %dma_wait3A_173] : memref<10000x32xf32, #tpu.memory_space<vmem_shared>> -> memref<80x32xf32, #tpu.memory_space<vmem_shared>>
      %dma_wait3A_175 = arith.constant 0 : i32
      %dma_wait3A_176 = tpu.memref_slice %arg16[%add3A_45, %dma_wait3A_175] : memref<10000x32xf32, #tpu.memory_space<vmem_shared>> -> memref<80x32xf32, #tpu.memory_space<vmem_shared>>
      tpu.wait_dma2 semaphore(%run_scoped3A_168 : memref<!tpu.dma_semaphore, #tpu.memory_space<semaphore_mem>>) src(%arg8 : memref<80x32xf32, #tpu.memory_space<vmem>>) dst(%dma_wait3A_176 : memref<80x32xf32, #tpu.memory_space<vmem_shared>>)
      tpu.yield
    }) : () -> ()
    %mul3A_46 = arith.constant 625 : i32
    %mul3A_47 = arith.muli %arg1, %mul3A_46 : i32
    %add3A_48 = arith.constant 480 : i32
    %add3A_49 = arith.addi %mul3A_47, %add3A_48 : i32
    "tpu.region"() ({
      %run_scoped3A_168 = tpu.sem_alloc : memref<!tpu.dma_semaphore, #tpu.memory_space<semaphore_mem>>
      %dma_start3A_169 = arith.constant 0 : i32
      %dma_start3A_170 = tpu.memref_slice %arg16[%add3A_49, %dma_start3A_169] : memref<10000x32xf32, #tpu.memory_space<vmem_shared>> -> memref<80x32xf32, #tpu.memory_space<vmem_shared>>
      %dma_start3A_171 = arith.constant 0 : i32
      %dma_start3A_172 = tpu.memref_slice %arg16[%add3A_49, %dma_start3A_171] : memref<10000x32xf32, #tpu.memory_space<vmem_shared>> -> memref<80x32xf32, #tpu.memory_space<vmem_shared>>
      tpu.enqueue_dma source(%arg8 : memref<80x32xf32, #tpu.memory_space<vmem>>) target(%dma_start3A_172 : memref<80x32xf32, #tpu.memory_space<vmem_shared>>) target_semaphore(%run_scoped3A_168 : memref<!tpu.dma_semaphore, #tpu.memory_space<semaphore_mem>>)
      %dma_wait3A_173 = arith.constant 0 : i32
      %dma_wait3A_174 = tpu.memref_slice %arg16[%add3A_49, %dma_wait3A_173] : memref<10000x32xf32, #tpu.memory_space<vmem_shared>> -> memref<80x32xf32, #tpu.memory_space<vmem_shared>>
      %dma_wait3A_175 = arith.constant 0 : i32
      %dma_wait3A_176 = tpu.memref_slice %arg16[%add3A_49, %dma_wait3A_175] : memref<10000x32xf32, #tpu.memory_space<vmem_shared>> -> memref<80x32xf32, #tpu.memory_space<vmem_shared>>
      tpu.wait_dma2 semaphore(%run_scoped3A_168 : memref<!tpu.dma_semaphore, #tpu.memory_space<semaphore_mem>>) src(%arg8 : memref<80x32xf32, #tpu.memory_space<vmem>>) dst(%dma_wait3A_176 : memref<80x32xf32, #tpu.memory_space<vmem_shared>>)
      tpu.yield
    }) : () -> ()
    %mul3A_50 = arith.constant 625 : i32
    %mul3A_51 = arith.muli %arg1, %mul3A_50 : i32
    %add3A_52 = arith.constant 560 : i32
    %add3A_53 = arith.addi %mul3A_51, %add3A_52 : i32
    "tpu.region"() ({
      %run_scoped3A_168 = tpu.sem_alloc : memref<!tpu.dma_semaphore, #tpu.memory_space<semaphore_mem>>
      %dma_start3A_169 = arith.constant 0 : i32
      %dma_start3A_170 = arith.constant 0 : i32
      %dma_start3A_171 = tpu.memref_slice %arg8[%dma_start3A_169, %dma_start3A_170] : memref<80x32xf32, #tpu.memory_space<vmem>> -> memref<65x32xf32, #tpu.memory_space<vmem>>
      %dma_start3A_172 = arith.constant 0 : i32
      %dma_start3A_173 = tpu.memref_slice %arg16[%add3A_53, %dma_start3A_172] : memref<10000x32xf32, #tpu.memory_space<vmem_shared>> -> memref<65x32xf32, #tpu.memory_space<vmem_shared>>
      %dma_start3A_174 = arith.constant 0 : i32
      %dma_start3A_175 = tpu.memref_slice %arg16[%add3A_53, %dma_start3A_174] : memref<10000x32xf32, #tpu.memory_space<vmem_shared>> -> memref<65x32xf32, #tpu.memory_space<vmem_shared>>
      %dma_start3A_176 = arith.constant 0 : i32
      %dma_start3A_177 = arith.constant 0 : i32
      %dma_start3A_178 = tpu.memref_slice %arg8[%dma_start3A_176, %dma_start3A_177] : memref<80x32xf32, #tpu.memory_space<vmem>> -> memref<65x32xf32, #tpu.memory_space<vmem>>
      tpu.enqueue_dma source(%dma_start3A_178 : memref<65x32xf32, #tpu.memory_space<vmem>>) target(%dma_start3A_175 : memref<65x32xf32, #tpu.memory_space<vmem_shared>>) target_semaphore(%run_scoped3A_168 : memref<!tpu.dma_semaphore, #tpu.memory_space<semaphore_mem>>)
      %dma_wait3A_179 = arith.constant 0 : i32
      %dma_wait3A_180 = arith.constant 0 : i32
      %dma_wait3A_181 = tpu.memref_slice %arg8[%dma_wait3A_179, %dma_wait3A_180] : memref<80x32xf32, #tpu.memory_space<vmem>> -> memref<65x32xf32, #tpu.memory_space<vmem>>
      %dma_wait3A_182 = arith.constant 0 : i32
      %dma_wait3A_183 = tpu.memref_slice %arg16[%add3A_53, %dma_wait3A_182] : memref<10000x32xf32, #tpu.memory_space<vmem_shared>> -> memref<65x32xf32, #tpu.memory_space<vmem_shared>>
      %dma_wait3A_184 = arith.constant 0 : i32
      %dma_wait3A_185 = tpu.memref_slice %arg16[%add3A_53, %dma_wait3A_184] : memref<10000x32xf32, #tpu.memory_space<vmem_shared>> -> memref<65x32xf32, #tpu.memory_space<vmem_shared>>
      %dma_wait3A_186 = arith.constant 0 : i32
      %dma_wait3A_187 = arith.constant 0 : i32
      %dma_wait3A_188 = tpu.memref_slice %arg8[%dma_wait3A_186, %dma_wait3A_187] : memref<80x32xf32, #tpu.memory_space<vmem>> -> memref<65x32xf32, #tpu.memory_space<vmem>>
      tpu.wait_dma2 semaphore(%run_scoped3A_168 : memref<!tpu.dma_semaphore, #tpu.memory_space<semaphore_mem>>) src(%dma_wait3A_188 : memref<65x32xf32, #tpu.memory_space<vmem>>) dst(%dma_wait3A_185 : memref<65x32xf32, #tpu.memory_space<vmem_shared>>)
      tpu.yield
    }) : () -> ()
    %dma_wait3A = arith.constant 0 : i32
    %dma_wait3A_54 = arith.constant 0 : i32
    %dma_wait3A_55 = tpu.memref_slice %arg3[%add3A, %dma_wait3A, %dma_wait3A_54] : memref<32x125x80xi32, #tpu.memory_space<hbm>> -> memref<1x125x80xi32, #tpu.memory_space<hbm>>
    %dma_wait3A_56 = tpu.memref_squeeze %dma_wait3A_55 : memref<1x125x80xi32, #tpu.memory_space<hbm>> -> memref<125x80xi32, #tpu.memory_space<hbm>>
    %dma_wait3A_57 = arith.constant 0 : i32
    %dma_wait3A_58 = arith.constant 0 : i32
    %dma_wait3A_59 = tpu.memref_slice %arg3[%add3A, %dma_wait3A_57, %dma_wait3A_58] : memref<32x125x80xi32, #tpu.memory_space<hbm>> -> memref<1x125x80xi32, #tpu.memory_space<hbm>>
    %dma_wait3A_60 = tpu.memref_squeeze %dma_wait3A_59 : memref<1x125x80xi32, #tpu.memory_space<hbm>> -> memref<125x80xi32, #tpu.memory_space<hbm>>
    tpu.wait_dma2 semaphore(%arg17 : memref<!tpu.dma_semaphore, #tpu.memory_space<semaphore_mem>>) src(%dma_wait3A_60 : memref<125x80xi32, #tpu.memory_space<hbm>>) dst(%arg6 : memref<125x80xi32, #tpu.memory_space<vmem>>)
    %dma_wait3A_61 = arith.constant 0 : i32
    %dma_wait3A_62 = arith.constant 0 : i32
    %dma_wait3A_63 = tpu.memref_slice %arg4[%add3A, %dma_wait3A_61, %dma_wait3A_62] : memref<32x125x80xi32, #tpu.memory_space<hbm>> -> memref<1x125x80xi32, #tpu.memory_space<hbm>>
    %dma_wait3A_64 = tpu.memref_squeeze %dma_wait3A_63 : memref<1x125x80xi32, #tpu.memory_space<hbm>> -> memref<125x80xi32, #tpu.memory_space<hbm>>
    %dma_wait3A_65 = arith.constant 0 : i32
    %dma_wait3A_66 = arith.constant 0 : i32
    %dma_wait3A_67 = tpu.memref_slice %arg4[%add3A, %dma_wait3A_65, %dma_wait3A_66] : memref<32x125x80xi32, #tpu.memory_space<hbm>> -> memref<1x125x80xi32, #tpu.memory_space<hbm>>
    %dma_wait3A_68 = tpu.memref_squeeze %dma_wait3A_67 : memref<1x125x80xi32, #tpu.memory_space<hbm>> -> memref<125x80xi32, #tpu.memory_space<hbm>>
    tpu.wait_dma2 semaphore(%arg18 : memref<!tpu.dma_semaphore, #tpu.memory_space<semaphore_mem>>) src(%dma_wait3A_68 : memref<125x80xi32, #tpu.memory_space<hbm>>) dst(%arg7 : memref<125x80xi32, #tpu.memory_space<vmem>>)
    %barrier3A = arith.constant 0 : index
    tpu.barrier barrier_id(%barrier3A)
    %dma_start3A_69 = arith.constant 0 : i32
    %dma_start3A_70 = arith.constant 0 : i32
    %dma_start3A_71 = tpu.memref_slice %arg6[%dma_start3A_69, %dma_start3A_70] : memref<125x80xi32, #tpu.memory_space<vmem>> -> memref<1x80xi32, #tpu.memory_space<vmem>>
    %dma_start3A_72 = tpu.memref_squeeze %dma_start3A_71 : memref<1x80xi32, #tpu.memory_space<vmem>> -> memref<80xi32, #tpu.memory_space<vmem>>
    %dma_start3A_73 = arith.constant 0 : i32
    %dma_start3A_74 = arith.constant 0 : i32
    %dma_start3A_75 = tpu.memref_slice %arg2[%dma_start3A_73, %dma_start3A_74] : memref<10000x32xf32, #tpu.memory_space<hbm>> -> memref<10000x32xf32, #tpu.memory_space<hbm>>
    tpu.enqueue_indirect_dma source(%dma_start3A_75 : memref<10000x32xf32, #tpu.memory_space<hbm>>) target(%arg8 : memref<80x32xf32, #tpu.memory_space<vmem>>) offsets(%dma_start3A_72 : memref<80xi32, #tpu.memory_space<vmem>>) semaphore(%arg17 : memref<!tpu.dma_semaphore, #tpu.memory_space<semaphore_mem>>)
    %dma_start3A_76 = arith.constant 1 : i32
    %dma_start3A_77 = arith.constant 0 : i32
    %dma_start3A_78 = tpu.memref_slice %arg6[%dma_start3A_76, %dma_start3A_77] : memref<125x80xi32, #tpu.memory_space<vmem>> -> memref<1x80xi32, #tpu.memory_space<vmem>>
    %dma_start3A_79 = tpu.memref_squeeze %dma_start3A_78 : memref<1x80xi32, #tpu.memory_space<vmem>> -> memref<80xi32, #tpu.memory_space<vmem>>
    %dma_start3A_80 = arith.constant 0 : i32
    %dma_start3A_81 = arith.constant 0 : i32
    %dma_start3A_82 = tpu.memref_slice %arg2[%dma_start3A_80, %dma_start3A_81] : memref<10000x32xf32, #tpu.memory_space<hbm>> -> memref<10000x32xf32, #tpu.memory_space<hbm>>
    tpu.enqueue_indirect_dma source(%dma_start3A_82 : memref<10000x32xf32, #tpu.memory_space<hbm>>) target(%arg9 : memref<80x32xf32, #tpu.memory_space<vmem>>) offsets(%dma_start3A_79 : memref<80xi32, #tpu.memory_space<vmem>>) semaphore(%arg18 : memref<!tpu.dma_semaphore, #tpu.memory_space<semaphore_mem>>)
    %dma_start3A_83 = arith.constant 2 : i32
    %dma_start3A_84 = arith.constant 0 : i32
    %dma_start3A_85 = tpu.memref_slice %arg6[%dma_start3A_83, %dma_start3A_84] : memref<125x80xi32, #tpu.memory_space<vmem>> -> memref<1x80xi32, #tpu.memory_space<vmem>>
    %dma_start3A_86 = tpu.memref_squeeze %dma_start3A_85 : memref<1x80xi32, #tpu.memory_space<vmem>> -> memref<80xi32, #tpu.memory_space<vmem>>
    %dma_start3A_87 = arith.constant 0 : i32
    %dma_start3A_88 = arith.constant 0 : i32
    %dma_start3A_89 = tpu.memref_slice %arg2[%dma_start3A_87, %dma_start3A_88] : memref<10000x32xf32, #tpu.memory_space<hbm>> -> memref<10000x32xf32, #tpu.memory_space<hbm>>
    tpu.enqueue_indirect_dma source(%dma_start3A_89 : memref<10000x32xf32, #tpu.memory_space<hbm>>) target(%arg10 : memref<80x32xf32, #tpu.memory_space<vmem>>) offsets(%dma_start3A_86 : memref<80xi32, #tpu.memory_space<vmem>>) semaphore(%arg19 : memref<!tpu.dma_semaphore, #tpu.memory_space<semaphore_mem>>)
    %dma_start3A_90 = arith.constant 3 : i32
    %dma_start3A_91 = arith.constant 0 : i32
    %dma_start3A_92 = tpu.memref_slice %arg6[%dma_start3A_90, %dma_start3A_91] : memref<125x80xi32, #tpu.memory_space<vmem>> -> memref<1x80xi32, #tpu.memory_space<vmem>>
    %dma_start3A_93 = tpu.memref_squeeze %dma_start3A_92 : memref<1x80xi32, #tpu.memory_space<vmem>> -> memref<80xi32, #tpu.memory_space<vmem>>
    %dma_start3A_94 = arith.constant 0 : i32
    %dma_start3A_95 = arith.constant 0 : i32
    %dma_start3A_96 = tpu.memref_slice %arg2[%dma_start3A_94, %dma_start3A_95] : memref<10000x32xf32, #tpu.memory_space<hbm>> -> memref<10000x32xf32, #tpu.memory_space<hbm>>
    tpu.enqueue_indirect_dma source(%dma_start3A_96 : memref<10000x32xf32, #tpu.memory_space<hbm>>) target(%arg11 : memref<80x32xf32, #tpu.memory_space<vmem>>) offsets(%dma_start3A_93 : memref<80xi32, #tpu.memory_space<vmem>>) semaphore(%arg20 : memref<!tpu.dma_semaphore, #tpu.memory_space<semaphore_mem>>)
    %dma_start3A_97 = arith.constant 4 : i32
    %dma_start3A_98 = arith.constant 0 : i32
    %dma_start3A_99 = tpu.memref_slice %arg6[%dma_start3A_97, %dma_start3A_98] : memref<125x80xi32, #tpu.memory_space<vmem>> -> memref<1x80xi32, #tpu.memory_space<vmem>>
    %dma_start3A_100 = tpu.memref_squeeze %dma_start3A_99 : memref<1x80xi32, #tpu.memory_space<vmem>> -> memref<80xi32, #tpu.memory_space<vmem>>
    %dma_start3A_101 = arith.constant 0 : i32
    %dma_start3A_102 = arith.constant 0 : i32
    %dma_start3A_103 = tpu.memref_slice %arg2[%dma_start3A_101, %dma_start3A_102] : memref<10000x32xf32, #tpu.memory_space<hbm>> -> memref<10000x32xf32, #tpu.memory_space<hbm>>
    tpu.enqueue_indirect_dma source(%dma_start3A_103 : memref<10000x32xf32, #tpu.memory_space<hbm>>) target(%arg12 : memref<80x32xf32, #tpu.memory_space<vmem>>) offsets(%dma_start3A_100 : memref<80xi32, #tpu.memory_space<vmem>>) semaphore(%arg21 : memref<!tpu.dma_semaphore, #tpu.memory_space<semaphore_mem>>)
    %dma_start3A_104 = arith.constant 5 : i32
    %dma_start3A_105 = arith.constant 0 : i32
    %dma_start3A_106 = tpu.memref_slice %arg6[%dma_start3A_104, %dma_start3A_105] : memref<125x80xi32, #tpu.memory_space<vmem>> -> memref<1x80xi32, #tpu.memory_space<vmem>>
    %dma_start3A_107 = tpu.memref_squeeze %dma_start3A_106 : memref<1x80xi32, #tpu.memory_space<vmem>> -> memref<80xi32, #tpu.memory_space<vmem>>
    %dma_start3A_108 = arith.constant 0 : i32
    %dma_start3A_109 = arith.constant 0 : i32
    %dma_start3A_110 = tpu.memref_slice %arg2[%dma_start3A_108, %dma_start3A_109] : memref<10000x32xf32, #tpu.memory_space<hbm>> -> memref<10000x32xf32, #tpu.memory_space<hbm>>
    tpu.enqueue_indirect_dma source(%dma_start3A_110 : memref<10000x32xf32, #tpu.memory_space<hbm>>) target(%arg13 : memref<80x32xf32, #tpu.memory_space<vmem>>) offsets(%dma_start3A_107 : memref<80xi32, #tpu.memory_space<vmem>>) semaphore(%arg22 : memref<!tpu.dma_semaphore, #tpu.memory_space<semaphore_mem>>)
    %dma_start3A_111 = arith.constant 6 : i32
    %dma_start3A_112 = arith.constant 0 : i32
    %dma_start3A_113 = tpu.memref_slice %arg6[%dma_start3A_111, %dma_start3A_112] : memref<125x80xi32, #tpu.memory_space<vmem>> -> memref<1x80xi32, #tpu.memory_space<vmem>>
    %dma_start3A_114 = tpu.memref_squeeze %dma_start3A_113 : memref<1x80xi32, #tpu.memory_space<vmem>> -> memref<80xi32, #tpu.memory_space<vmem>>
    %dma_start3A_115 = arith.constant 0 : i32
    %dma_start3A_116 = arith.constant 0 : i32
    %dma_start3A_117 = tpu.memref_slice %arg2[%dma_start3A_115, %dma_start3A_116] : memref<10000x32xf32, #tpu.memory_space<hbm>> -> memref<10000x32xf32, #tpu.memory_space<hbm>>
    tpu.enqueue_indirect_dma source(%dma_start3A_117 : memref<10000x32xf32, #tpu.memory_space<hbm>>) target(%arg14 : memref<80x32xf32, #tpu.memory_space<vmem>>) offsets(%dma_start3A_114 : memref<80xi32, #tpu.memory_space<vmem>>) semaphore(%arg23 : memref<!tpu.dma_semaphore, #tpu.memory_space<semaphore_mem>>)
    %scan3A_118 = arith.constant 0 : i32
    %scan3A_119 = arith.constant 0 : i32
    %scan3A_120 = arith.constant 15 : i32
    %scan3A_121 = arith.addi %scan3A_119, %scan3A_120 : i32
    %scan3A_122 = arith.constant 1 : i32
    scf.for %scan3A_168 = %scan3A_119 to %scan3A_121 step %scan3A_122  : i32 {
      %mul3A_169 = arith.constant 8 : i32
      %mul3A_170 = arith.muli %mul3A_169, %scan3A_168 : i32
      %add3A_171 = arith.constant 0 : i32
      %add3A_172 = arith.addi %mul3A_170, %add3A_171 : i32
      %add3A_173 = arith.constant 8 : i32
      %add3A_174 = arith.addi %add3A_172, %add3A_173 : i32
      %sub3A = arith.constant 1 : i32
      %sub3A_175 = arith.subi %add3A_174, %sub3A : i32
      %lt3A = arith.constant 125 : i32
      %lt3A_176 = arith.cmpi slt, %sub3A_175, %lt3A : i32
      %convert_element_type3A = arith.extui %lt3A_176 : i1 to i32
      %cond3A = arith.constant 0 : i32
      %cond3A_177 = arith.cmpi ne, %convert_element_type3A, %cond3A : i32
      scf.if %cond3A_177 {
        %dma_start3A_325 = arith.constant 0 : i32
        %dma_start3A_326 = tpu.memref_slice %arg6[%sub3A_175, %dma_start3A_325] : memref<125x80xi32, #tpu.memory_space<vmem>> -> memref<1x80xi32, #tpu.memory_space<vmem>>
        %dma_start3A_327 = tpu.memref_squeeze %dma_start3A_326 : memref<1x80xi32, #tpu.memory_space<vmem>> -> memref<80xi32, #tpu.memory_space<vmem>>
        %dma_start3A_328 = arith.constant 0 : i32
        %dma_start3A_329 = arith.constant 0 : i32
        %dma_start3A_330 = tpu.memref_slice %arg2[%dma_start3A_328, %dma_start3A_329] : memref<10000x32xf32, #tpu.memory_space<hbm>> -> memref<10000x32xf32, #tpu.memory_space<hbm>>
        tpu.enqueue_indirect_dma source(%dma_start3A_330 : memref<10000x32xf32, #tpu.memory_space<hbm>>) target(%arg15 : memref<80x32xf32, #tpu.memory_space<vmem>>) offsets(%dma_start3A_327 : memref<80xi32, #tpu.memory_space<vmem>>) semaphore(%arg24 : memref<!tpu.dma_semaphore, #tpu.memory_space<semaphore_mem>>)
      } else {
      }
      %dma_wait3A_178 = arith.constant 0 : i32
      %dma_wait3A_179 = arith.constant 0 : i32
      %dma_wait3A_180 = tpu.memref_slice %arg6[%dma_wait3A_178, %dma_wait3A_179] : memref<125x80xi32, #tpu.memory_space<vmem>> -> memref<1x80xi32, #tpu.memory_space<vmem>>
      %dma_wait3A_181 = tpu.memref_squeeze %dma_wait3A_180 : memref<1x80xi32, #tpu.memory_space<vmem>> -> memref<80xi32, #tpu.memory_space<vmem>>
      %dma_wait3A_182 = arith.constant 0 : i32
      %dma_wait3A_183 = arith.constant 0 : i32
      %dma_wait3A_184 = tpu.memref_slice %arg2[%dma_wait3A_182, %dma_wait3A_183] : memref<10000x32xf32, #tpu.memory_space<hbm>> -> memref<10000x32xf32, #tpu.memory_space<hbm>>
      tpu.wait_indirect_dma semaphore(%arg17 : memref<!tpu.dma_semaphore, #tpu.memory_space<semaphore_mem>>) src(%dma_wait3A_184 : memref<10000x32xf32, #tpu.memory_space<hbm>>) dst(%arg8 : memref<80x32xf32, #tpu.memory_space<vmem>>)
      "tpu.region"() ({
        %run_scoped3A_325 = tpu.sem_alloc : memref<!tpu.dma_semaphore, #tpu.memory_space<semaphore_mem>>
        %dma_start3A_326 = arith.constant 0 : i32
        %dma_start3A_327 = tpu.memref_slice %arg7[%add3A_172, %dma_start3A_326] : memref<125x80xi32, #tpu.memory_space<vmem>> -> memref<1x80xi32, #tpu.memory_space<vmem>>
        %dma_start3A_328 = tpu.memref_squeeze %dma_start3A_327 : memref<1x80xi32, #tpu.memory_space<vmem>> -> memref<80xi32, #tpu.memory_space<vmem>>
        %dma_start3A_329 = arith.constant 0 : i32
        %dma_start3A_330 = arith.constant 0 : i32
        %dma_start3A_331 = tpu.memref_slice %arg16[%dma_start3A_329, %dma_start3A_330] : memref<10000x32xf32, #tpu.memory_space<vmem_shared>> -> memref<10000x32xf32, #tpu.memory_space<vmem_shared>>
        tpu.enqueue_indirect_dma source(%arg8 : memref<80x32xf32, #tpu.memory_space<vmem>>) target(%dma_start3A_331 : memref<10000x32xf32, #tpu.memory_space<vmem_shared>>) offsets(%dma_start3A_328 : memref<80xi32, #tpu.memory_space<vmem>>) semaphore(%run_scoped3A_325 : memref<!tpu.dma_semaphore, #tpu.memory_space<semaphore_mem>>) {add = true}
        %dma_wait3A_332 = arith.constant 0 : i32
        %dma_wait3A_333 = tpu.memref_slice %arg7[%add3A_172, %dma_wait3A_332] : memref<125x80xi32, #tpu.memory_space<vmem>> -> memref<1x80xi32, #tpu.memory_space<vmem>>
        %dma_wait3A_334 = tpu.memref_squeeze %dma_wait3A_333 : memref<1x80xi32, #tpu.memory_space<vmem>> -> memref<80xi32, #tpu.memory_space<vmem>>
        %dma_wait3A_335 = arith.constant 0 : i32
        %dma_wait3A_336 = arith.constant 0 : i32
        %dma_wait3A_337 = tpu.memref_slice %arg16[%dma_wait3A_335, %dma_wait3A_336] : memref<10000x32xf32, #tpu.memory_space<vmem_shared>> -> memref<10000x32xf32, #tpu.memory_space<vmem_shared>>
        tpu.wait_indirect_dma semaphore(%run_scoped3A_325 : memref<!tpu.dma_semaphore, #tpu.memory_space<semaphore_mem>>) src(%arg8 : memref<80x32xf32, #tpu.memory_space<vmem>>) dst(%dma_wait3A_337 : memref<10000x32xf32, #tpu.memory_space<vmem_shared>>)
        tpu.yield
      }) : () -> ()
      %mul3A_185 = arith.constant 8 : i32
      %mul3A_186 = arith.muli %mul3A_185, %scan3A_168 : i32
      %add3A_187 = arith.constant 1 : i32
      %add3A_188 = arith.addi %mul3A_186, %add3A_187 : i32
      %add3A_189 = arith.constant 8 : i32
      %add3A_190 = arith.addi %add3A_188, %add3A_189 : i32
      %sub3A_191 = arith.constant 1 : i32
      %sub3A_192 = arith.subi %add3A_190, %sub3A_191 : i32
      %lt3A_193 = arith.constant 125 : i32
      %lt3A_194 = arith.cmpi slt, %sub3A_192, %lt3A_193 : i32
      %convert_element_type3A_195 = arith.extui %lt3A_194 : i1 to i32
      %cond3A_196 = arith.constant 0 : i32
      %cond3A_197 = arith.cmpi ne, %convert_element_type3A_195, %cond3A_196 : i32
      scf.if %cond3A_197 {
        %dma_start3A_325 = arith.constant 0 : i32
        %dma_start3A_326 = tpu.memref_slice %arg6[%sub3A_192, %dma_start3A_325] : memref<125x80xi32, #tpu.memory_space<vmem>> -> memref<1x80xi32, #tpu.memory_space<vmem>>
        %dma_start3A_327 = tpu.memref_squeeze %dma_start3A_326 : memref<1x80xi32, #tpu.memory_space<vmem>> -> memref<80xi32, #tpu.memory_space<vmem>>
        %dma_start3A_328 = arith.constant 0 : i32
        %dma_start3A_329 = arith.constant 0 : i32
        %dma_start3A_330 = tpu.memref_slice %arg2[%dma_start3A_328, %dma_start3A_329] : memref<10000x32xf32, #tpu.memory_space<hbm>> -> memref<10000x32xf32, #tpu.memory_space<hbm>>
        tpu.enqueue_indirect_dma source(%dma_start3A_330 : memref<10000x32xf32, #tpu.memory_space<hbm>>) target(%arg8 : memref<80x32xf32, #tpu.memory_space<vmem>>) offsets(%dma_start3A_327 : memref<80xi32, #tpu.memory_space<vmem>>) semaphore(%arg17 : memref<!tpu.dma_semaphore, #tpu.memory_space<semaphore_mem>>)
      } else {
      }
      %dma_wait3A_198 = arith.constant 0 : i32
      %dma_wait3A_199 = arith.constant 0 : i32
      %dma_wait3A_200 = tpu.memref_slice %arg6[%dma_wait3A_198, %dma_wait3A_199] : memref<125x80xi32, #tpu.memory_space<vmem>> -> memref<1x80xi32, #tpu.memory_space<vmem>>
      %dma_wait3A_201 = tpu.memref_squeeze %dma_wait3A_200 : memref<1x80xi32, #tpu.memory_space<vmem>> -> memref<80xi32, #tpu.memory_space<vmem>>
      %dma_wait3A_202 = arith.constant 0 : i32
      %dma_wait3A_203 = arith.constant 0 : i32
      %dma_wait3A_204 = tpu.memref_slice %arg2[%dma_wait3A_202, %dma_wait3A_203] : memref<10000x32xf32, #tpu.memory_space<hbm>> -> memref<10000x32xf32, #tpu.memory_space<hbm>>
      tpu.wait_indirect_dma semaphore(%arg18 : memref<!tpu.dma_semaphore, #tpu.memory_space<semaphore_mem>>) src(%dma_wait3A_204 : memref<10000x32xf32, #tpu.memory_space<hbm>>) dst(%arg9 : memref<80x32xf32, #tpu.memory_space<vmem>>)
      "tpu.region"() ({
        %run_scoped3A_325 = tpu.sem_alloc : memref<!tpu.dma_semaphore, #tpu.memory_space<semaphore_mem>>
        %dma_start3A_326 = arith.constant 0 : i32
        %dma_start3A_327 = tpu.memref_slice %arg7[%add3A_188, %dma_start3A_326] : memref<125x80xi32, #tpu.memory_space<vmem>> -> memref<1x80xi32, #tpu.memory_space<vmem>>
        %dma_start3A_328 = tpu.memref_squeeze %dma_start3A_327 : memref<1x80xi32, #tpu.memory_space<vmem>> -> memref<80xi32, #tpu.memory_space<vmem>>
        %dma_start3A_329 = arith.constant 0 : i32
        %dma_start3A_330 = arith.constant 0 : i32
        %dma_start3A_331 = tpu.memref_slice %arg16[%dma_start3A_329, %dma_start3A_330] : memref<10000x32xf32, #tpu.memory_space<vmem_shared>> -> memref<10000x32xf32, #tpu.memory_space<vmem_shared>>
        tpu.enqueue_indirect_dma source(%arg9 : memref<80x32xf32, #tpu.memory_space<vmem>>) target(%dma_start3A_331 : memref<10000x32xf32, #tpu.memory_space<vmem_shared>>) offsets(%dma_start3A_328 : memref<80xi32, #tpu.memory_space<vmem>>) semaphore(%run_scoped3A_325 : memref<!tpu.dma_semaphore, #tpu.memory_space<semaphore_mem>>) {add = true}
        %dma_wait3A_332 = arith.constant 0 : i32
        %dma_wait3A_333 = tpu.memref_slice %arg7[%add3A_188, %dma_wait3A_332] : memref<125x80xi32, #tpu.memory_space<vmem>> -> memref<1x80xi32, #tpu.memory_space<vmem>>
        %dma_wait3A_334 = tpu.memref_squeeze %dma_wait3A_333 : memref<1x80xi32, #tpu.memory_space<vmem>> -> memref<80xi32, #tpu.memory_space<vmem>>
        %dma_wait3A_335 = arith.constant 0 : i32
        %dma_wait3A_336 = arith.constant 0 : i32
        %dma_wait3A_337 = tpu.memref_slice %arg16[%dma_wait3A_335, %dma_wait3A_336] : memref<10000x32xf32, #tpu.memory_space<vmem_shared>> -> memref<10000x32xf32, #tpu.memory_space<vmem_shared>>
        tpu.wait_indirect_dma semaphore(%run_scoped3A_325 : memref<!tpu.dma_semaphore, #tpu.memory_space<semaphore_mem>>) src(%arg9 : memref<80x32xf32, #tpu.memory_space<vmem>>) dst(%dma_wait3A_337 : memref<10000x32xf32, #tpu.memory_space<vmem_shared>>)
        tpu.yield
      }) : () -> ()
      %mul3A_205 = arith.constant 8 : i32
      %mul3A_206 = arith.muli %mul3A_205, %scan3A_168 : i32
      %add3A_207 = arith.constant 2 : i32
      %add3A_208 = arith.addi %mul3A_206, %add3A_207 : i32
      %add3A_209 = arith.constant 8 : i32
      %add3A_210 = arith.addi %add3A_208, %add3A_209 : i32
      %sub3A_211 = arith.constant 1 : i32
      %sub3A_212 = arith.subi %add3A_210, %sub3A_211 : i32
      %lt3A_213 = arith.constant 125 : i32
      %lt3A_214 = arith.cmpi slt, %sub3A_212, %lt3A_213 : i32
      %convert_element_type3A_215 = arith.extui %lt3A_214 : i1 to i32
      %cond3A_216 = arith.constant 0 : i32
      %cond3A_217 = arith.cmpi ne, %convert_element_type3A_215, %cond3A_216 : i32
      scf.if %cond3A_217 {
        %dma_start3A_325 = arith.constant 0 : i32
        %dma_start3A_326 = tpu.memref_slice %arg6[%sub3A_212, %dma_start3A_325] : memref<125x80xi32, #tpu.memory_space<vmem>> -> memref<1x80xi32, #tpu.memory_space<vmem>>
        %dma_start3A_327 = tpu.memref_squeeze %dma_start3A_326 : memref<1x80xi32, #tpu.memory_space<vmem>> -> memref<80xi32, #tpu.memory_space<vmem>>
        %dma_start3A_328 = arith.constant 0 : i32
        %dma_start3A_329 = arith.constant 0 : i32
        %dma_start3A_330 = tpu.memref_slice %arg2[%dma_start3A_328, %dma_start3A_329] : memref<10000x32xf32, #tpu.memory_space<hbm>> -> memref<10000x32xf32, #tpu.memory_space<hbm>>
        tpu.enqueue_indirect_dma source(%dma_start3A_330 : memref<10000x32xf32, #tpu.memory_space<hbm>>) target(%arg9 : memref<80x32xf32, #tpu.memory_space<vmem>>) offsets(%dma_start3A_327 : memref<80xi32, #tpu.memory_space<vmem>>) semaphore(%arg18 : memref<!tpu.dma_semaphore, #tpu.memory_space<semaphore_mem>>)
      } else {
      }
      %dma_wait3A_218 = arith.constant 0 : i32
      %dma_wait3A_219 = arith.constant 0 : i32
      %dma_wait3A_220 = tpu.memref_slice %arg6[%dma_wait3A_218, %dma_wait3A_219] : memref<125x80xi32, #tpu.memory_space<vmem>> -> memref<1x80xi32, #tpu.memory_space<vmem>>
      %dma_wait3A_221 = tpu.memref_squeeze %dma_wait3A_220 : memref<1x80xi32, #tpu.memory_space<vmem>> -> memref<80xi32, #tpu.memory_space<vmem>>
      %dma_wait3A_222 = arith.constant 0 : i32
      %dma_wait3A_223 = arith.constant 0 : i32
      %dma_wait3A_224 = tpu.memref_slice %arg2[%dma_wait3A_222, %dma_wait3A_223] : memref<10000x32xf32, #tpu.memory_space<hbm>> -> memref<10000x32xf32, #tpu.memory_space<hbm>>
      tpu.wait_indirect_dma semaphore(%arg19 : memref<!tpu.dma_semaphore, #tpu.memory_space<semaphore_mem>>) src(%dma_wait3A_224 : memref<10000x32xf32, #tpu.memory_space<hbm>>) dst(%arg10 : memref<80x32xf32, #tpu.memory_space<vmem>>)
      "tpu.region"() ({
        %run_scoped3A_325 = tpu.sem_alloc : memref<!tpu.dma_semaphore, #tpu.memory_space<semaphore_mem>>
        %dma_start3A_326 = arith.constant 0 : i32
        %dma_start3A_327 = tpu.memref_slice %arg7[%add3A_208, %dma_start3A_326] : memref<125x80xi32, #tpu.memory_space<vmem>> -> memref<1x80xi32, #tpu.memory_space<vmem>>
        %dma_start3A_328 = tpu.memref_squeeze %dma_start3A_327 : memref<1x80xi32, #tpu.memory_space<vmem>> -> memref<80xi32, #tpu.memory_space<vmem>>
        %dma_start3A_329 = arith.constant 0 : i32
        %dma_start3A_330 = arith.constant 0 : i32
        %dma_start3A_331 = tpu.memref_slice %arg16[%dma_start3A_329, %dma_start3A_330] : memref<10000x32xf32, #tpu.memory_space<vmem_shared>> -> memref<10000x32xf32, #tpu.memory_space<vmem_shared>>
        tpu.enqueue_indirect_dma source(%arg10 : memref<80x32xf32, #tpu.memory_space<vmem>>) target(%dma_start3A_331 : memref<10000x32xf32, #tpu.memory_space<vmem_shared>>) offsets(%dma_start3A_328 : memref<80xi32, #tpu.memory_space<vmem>>) semaphore(%run_scoped3A_325 : memref<!tpu.dma_semaphore, #tpu.memory_space<semaphore_mem>>) {add = true}
        %dma_wait3A_332 = arith.constant 0 : i32
        %dma_wait3A_333 = tpu.memref_slice %arg7[%add3A_208, %dma_wait3A_332] : memref<125x80xi32, #tpu.memory_space<vmem>> -> memref<1x80xi32, #tpu.memory_space<vmem>>
        %dma_wait3A_334 = tpu.memref_squeeze %dma_wait3A_333 : memref<1x80xi32, #tpu.memory_space<vmem>> -> memref<80xi32, #tpu.memory_space<vmem>>
        %dma_wait3A_335 = arith.constant 0 : i32
        %dma_wait3A_336 = arith.constant 0 : i32
        %dma_wait3A_337 = tpu.memref_slice %arg16[%dma_wait3A_335, %dma_wait3A_336] : memref<10000x32xf32, #tpu.memory_space<vmem_shared>> -> memref<10000x32xf32, #tpu.memory_space<vmem_shared>>
        tpu.wait_indirect_dma semaphore(%run_scoped3A_325 : memref<!tpu.dma_semaphore, #tpu.memory_space<semaphore_mem>>) src(%arg10 : memref<80x32xf32, #tpu.memory_space<vmem>>) dst(%dma_wait3A_337 : memref<10000x32xf32, #tpu.memory_space<vmem_shared>>)
        tpu.yield
      }) : () -> ()
      %mul3A_225 = arith.constant 8 : i32
      %mul3A_226 = arith.muli %mul3A_225, %scan3A_168 : i32
      %add3A_227 = arith.constant 3 : i32
      %add3A_228 = arith.addi %mul3A_226, %add3A_227 : i32
      %add3A_229 = arith.constant 8 : i32
      %add3A_230 = arith.addi %add3A_228, %add3A_229 : i32
      %sub3A_231 = arith.constant 1 : i32
      %sub3A_232 = arith.subi %add3A_230, %sub3A_231 : i32
      %lt3A_233 = arith.constant 125 : i32
      %lt3A_234 = arith.cmpi slt, %sub3A_232, %lt3A_233 : i32
      %convert_element_type3A_235 = arith.extui %lt3A_234 : i1 to i32
      %cond3A_236 = arith.constant 0 : i32
      %cond3A_237 = arith.cmpi ne, %convert_element_type3A_235, %cond3A_236 : i32
      scf.if %cond3A_237 {
        %dma_start3A_325 = arith.constant 0 : i32
        %dma_start3A_326 = tpu.memref_slice %arg6[%sub3A_232, %dma_start3A_325] : memref<125x80xi32, #tpu.memory_space<vmem>> -> memref<1x80xi32, #tpu.memory_space<vmem>>
        %dma_start3A_327 = tpu.memref_squeeze %dma_start3A_326 : memref<1x80xi32, #tpu.memory_space<vmem>> -> memref<80xi32, #tpu.memory_space<vmem>>
        %dma_start3A_328 = arith.constant 0 : i32
        %dma_start3A_329 = arith.constant 0 : i32
        %dma_start3A_330 = tpu.memref_slice %arg2[%dma_start3A_328, %dma_start3A_329] : memref<10000x32xf32, #tpu.memory_space<hbm>> -> memref<10000x32xf32, #tpu.memory_space<hbm>>
        tpu.enqueue_indirect_dma source(%dma_start3A_330 : memref<10000x32xf32, #tpu.memory_space<hbm>>) target(%arg10 : memref<80x32xf32, #tpu.memory_space<vmem>>) offsets(%dma_start3A_327 : memref<80xi32, #tpu.memory_space<vmem>>) semaphore(%arg19 : memref<!tpu.dma_semaphore, #tpu.memory_space<semaphore_mem>>)
      } else {
      }
      %dma_wait3A_238 = arith.constant 0 : i32
      %dma_wait3A_239 = arith.constant 0 : i32
      %dma_wait3A_240 = tpu.memref_slice %arg6[%dma_wait3A_238, %dma_wait3A_239] : memref<125x80xi32, #tpu.memory_space<vmem>> -> memref<1x80xi32, #tpu.memory_space<vmem>>
      %dma_wait3A_241 = tpu.memref_squeeze %dma_wait3A_240 : memref<1x80xi32, #tpu.memory_space<vmem>> -> memref<80xi32, #tpu.memory_space<vmem>>
      %dma_wait3A_242 = arith.constant 0 : i32
      %dma_wait3A_243 = arith.constant 0 : i32
      %dma_wait3A_244 = tpu.memref_slice %arg2[%dma_wait3A_242, %dma_wait3A_243] : memref<10000x32xf32, #tpu.memory_space<hbm>> -> memref<10000x32xf32, #tpu.memory_space<hbm>>
      tpu.wait_indirect_dma semaphore(%arg20 : memref<!tpu.dma_semaphore, #tpu.memory_space<semaphore_mem>>) src(%dma_wait3A_244 : memref<10000x32xf32, #tpu.memory_space<hbm>>) dst(%arg11 : memref<80x32xf32, #tpu.memory_space<vmem>>)
      "tpu.region"() ({
        %run_scoped3A_325 = tpu.sem_alloc : memref<!tpu.dma_semaphore, #tpu.memory_space<semaphore_mem>>
        %dma_start3A_326 = arith.constant 0 : i32
        %dma_start3A_327 = tpu.memref_slice %arg7[%add3A_228, %dma_start3A_326] : memref<125x80xi32, #tpu.memory_space<vmem>> -> memref<1x80xi32, #tpu.memory_space<vmem>>
        %dma_start3A_328 = tpu.memref_squeeze %dma_start3A_327 : memref<1x80xi32, #tpu.memory_space<vmem>> -> memref<80xi32, #tpu.memory_space<vmem>>
        %dma_start3A_329 = arith.constant 0 : i32
        %dma_start3A_330 = arith.constant 0 : i32
        %dma_start3A_331 = tpu.memref_slice %arg16[%dma_start3A_329, %dma_start3A_330] : memref<10000x32xf32, #tpu.memory_space<vmem_shared>> -> memref<10000x32xf32, #tpu.memory_space<vmem_shared>>
        tpu.enqueue_indirect_dma source(%arg11 : memref<80x32xf32, #tpu.memory_space<vmem>>) target(%dma_start3A_331 : memref<10000x32xf32, #tpu.memory_space<vmem_shared>>) offsets(%dma_start3A_328 : memref<80xi32, #tpu.memory_space<vmem>>) semaphore(%run_scoped3A_325 : memref<!tpu.dma_semaphore, #tpu.memory_space<semaphore_mem>>) {add = true}
        %dma_wait3A_332 = arith.constant 0 : i32
        %dma_wait3A_333 = tpu.memref_slice %arg7[%add3A_228, %dma_wait3A_332] : memref<125x80xi32, #tpu.memory_space<vmem>> -> memref<1x80xi32, #tpu.memory_space<vmem>>
        %dma_wait3A_334 = tpu.memref_squeeze %dma_wait3A_333 : memref<1x80xi32, #tpu.memory_space<vmem>> -> memref<80xi32, #tpu.memory_space<vmem>>
        %dma_wait3A_335 = arith.constant 0 : i32
        %dma_wait3A_336 = arith.constant 0 : i32
        %dma_wait3A_337 = tpu.memref_slice %arg16[%dma_wait3A_335, %dma_wait3A_336] : memref<10000x32xf32, #tpu.memory_space<vmem_shared>> -> memref<10000x32xf32, #tpu.memory_space<vmem_shared>>
        tpu.wait_indirect_dma semaphore(%run_scoped3A_325 : memref<!tpu.dma_semaphore, #tpu.memory_space<semaphore_mem>>) src(%arg11 : memref<80x32xf32, #tpu.memory_space<vmem>>) dst(%dma_wait3A_337 : memref<10000x32xf32, #tpu.memory_space<vmem_shared>>)
        tpu.yield
      }) : () -> ()
      %mul3A_245 = arith.constant 8 : i32
      %mul3A_246 = arith.muli %mul3A_245, %scan3A_168 : i32
      %add3A_247 = arith.constant 4 : i32
      %add3A_248 = arith.addi %mul3A_246, %add3A_247 : i32
      %add3A_249 = arith.constant 8 : i32
      %add3A_250 = arith.addi %add3A_248, %add3A_249 : i32
      %sub3A_251 = arith.constant 1 : i32
      %sub3A_252 = arith.subi %add3A_250, %sub3A_251 : i32
      %lt3A_253 = arith.constant 125 : i32
      %lt3A_254 = arith.cmpi slt, %sub3A_252, %lt3A_253 : i32
      %convert_element_type3A_255 = arith.extui %lt3A_254 : i1 to i32
      %cond3A_256 = arith.constant 0 : i32
      %cond3A_257 = arith.cmpi ne, %convert_element_type3A_255, %cond3A_256 : i32
      scf.if %cond3A_257 {
        %dma_start3A_325 = arith.constant 0 : i32
        %dma_start3A_326 = tpu.memref_slice %arg6[%sub3A_252, %dma_start3A_325] : memref<125x80xi32, #tpu.memory_space<vmem>> -> memref<1x80xi32, #tpu.memory_space<vmem>>
        %dma_start3A_327 = tpu.memref_squeeze %dma_start3A_326 : memref<1x80xi32, #tpu.memory_space<vmem>> -> memref<80xi32, #tpu.memory_space<vmem>>
        %dma_start3A_328 = arith.constant 0 : i32
        %dma_start3A_329 = arith.constant 0 : i32
        %dma_start3A_330 = tpu.memref_slice %arg2[%dma_start3A_328, %dma_start3A_329] : memref<10000x32xf32, #tpu.memory_space<hbm>> -> memref<10000x32xf32, #tpu.memory_space<hbm>>
        tpu.enqueue_indirect_dma source(%dma_start3A_330 : memref<10000x32xf32, #tpu.memory_space<hbm>>) target(%arg11 : memref<80x32xf32, #tpu.memory_space<vmem>>) offsets(%dma_start3A_327 : memref<80xi32, #tpu.memory_space<vmem>>) semaphore(%arg20 : memref<!tpu.dma_semaphore, #tpu.memory_space<semaphore_mem>>)
      } else {
      }
      %dma_wait3A_258 = arith.constant 0 : i32
      %dma_wait3A_259 = arith.constant 0 : i32
      %dma_wait3A_260 = tpu.memref_slice %arg6[%dma_wait3A_258, %dma_wait3A_259] : memref<125x80xi32, #tpu.memory_space<vmem>> -> memref<1x80xi32, #tpu.memory_space<vmem>>
      %dma_wait3A_261 = tpu.memref_squeeze %dma_wait3A_260 : memref<1x80xi32, #tpu.memory_space<vmem>> -> memref<80xi32, #tpu.memory_space<vmem>>
      %dma_wait3A_262 = arith.constant 0 : i32
      %dma_wait3A_263 = arith.constant 0 : i32
      %dma_wait3A_264 = tpu.memref_slice %arg2[%dma_wait3A_262, %dma_wait3A_263] : memref<10000x32xf32, #tpu.memory_space<hbm>> -> memref<10000x32xf32, #tpu.memory_space<hbm>>
      tpu.wait_indirect_dma semaphore(%arg21 : memref<!tpu.dma_semaphore, #tpu.memory_space<semaphore_mem>>) src(%dma_wait3A_264 : memref<10000x32xf32, #tpu.memory_space<hbm>>) dst(%arg12 : memref<80x32xf32, #tpu.memory_space<vmem>>)
      "tpu.region"() ({
        %run_scoped3A_325 = tpu.sem_alloc : memref<!tpu.dma_semaphore, #tpu.memory_space<semaphore_mem>>
        %dma_start3A_326 = arith.constant 0 : i32
        %dma_start3A_327 = tpu.memref_slice %arg7[%add3A_248, %dma_start3A_326] : memref<125x80xi32, #tpu.memory_space<vmem>> -> memref<1x80xi32, #tpu.memory_space<vmem>>
        %dma_start3A_328 = tpu.memref_squeeze %dma_start3A_327 : memref<1x80xi32, #tpu.memory_space<vmem>> -> memref<80xi32, #tpu.memory_space<vmem>>
        %dma_start3A_329 = arith.constant 0 : i32
        %dma_start3A_330 = arith.constant 0 : i32
        %dma_start3A_331 = tpu.memref_slice %arg16[%dma_start3A_329, %dma_start3A_330] : memref<10000x32xf32, #tpu.memory_space<vmem_shared>> -> memref<10000x32xf32, #tpu.memory_space<vmem_shared>>
        tpu.enqueue_indirect_dma source(%arg12 : memref<80x32xf32, #tpu.memory_space<vmem>>) target(%dma_start3A_331 : memref<10000x32xf32, #tpu.memory_space<vmem_shared>>) offsets(%dma_start3A_328 : memref<80xi32, #tpu.memory_space<vmem>>) semaphore(%run_scoped3A_325 : memref<!tpu.dma_semaphore, #tpu.memory_space<semaphore_mem>>) {add = true}
        %dma_wait3A_332 = arith.constant 0 : i32
        %dma_wait3A_333 = tpu.memref_slice %arg7[%add3A_248, %dma_wait3A_332] : memref<125x80xi32, #tpu.memory_space<vmem>> -> memref<1x80xi32, #tpu.memory_space<vmem>>
        %dma_wait3A_334 = tpu.memref_squeeze %dma_wait3A_333 : memref<1x80xi32, #tpu.memory_space<vmem>> -> memref<80xi32, #tpu.memory_space<vmem>>
        %dma_wait3A_335 = arith.constant 0 : i32
        %dma_wait3A_336 = arith.constant 0 : i32
        %dma_wait3A_337 = tpu.memref_slice %arg16[%dma_wait3A_335, %dma_wait3A_336] : memref<10000x32xf32, #tpu.memory_space<vmem_shared>> -> memref<10000x32xf32, #tpu.memory_space<vmem_shared>>
        tpu.wait_indirect_dma semaphore(%run_scoped3A_325 : memref<!tpu.dma_semaphore, #tpu.memory_space<semaphore_mem>>) src(%arg12 : memref<80x32xf32, #tpu.memory_space<vmem>>) dst(%dma_wait3A_337 : memref<10000x32xf32, #tpu.memory_space<vmem_shared>>)
        tpu.yield
      }) : () -> ()
      %mul3A_265 = arith.constant 8 : i32
      %mul3A_266 = arith.muli %mul3A_265, %scan3A_168 : i32
      %add3A_267 = arith.constant 5 : i32
      %add3A_268 = arith.addi %mul3A_266, %add3A_267 : i32
      %add3A_269 = arith.constant 8 : i32
      %add3A_270 = arith.addi %add3A_268, %add3A_269 : i32
      %sub3A_271 = arith.constant 1 : i32
      %sub3A_272 = arith.subi %add3A_270, %sub3A_271 : i32
      %lt3A_273 = arith.constant 125 : i32
      %lt3A_274 = arith.cmpi slt, %sub3A_272, %lt3A_273 : i32
      %convert_element_type3A_275 = arith.extui %lt3A_274 : i1 to i32
      %cond3A_276 = arith.constant 0 : i32
      %cond3A_277 = arith.cmpi ne, %convert_element_type3A_275, %cond3A_276 : i32
      scf.if %cond3A_277 {
        %dma_start3A_325 = arith.constant 0 : i32
        %dma_start3A_326 = tpu.memref_slice %arg6[%sub3A_272, %dma_start3A_325] : memref<125x80xi32, #tpu.memory_space<vmem>> -> memref<1x80xi32, #tpu.memory_space<vmem>>
        %dma_start3A_327 = tpu.memref_squeeze %dma_start3A_326 : memref<1x80xi32, #tpu.memory_space<vmem>> -> memref<80xi32, #tpu.memory_space<vmem>>
        %dma_start3A_328 = arith.constant 0 : i32
        %dma_start3A_329 = arith.constant 0 : i32
        %dma_start3A_330 = tpu.memref_slice %arg2[%dma_start3A_328, %dma_start3A_329] : memref<10000x32xf32, #tpu.memory_space<hbm>> -> memref<10000x32xf32, #tpu.memory_space<hbm>>
        tpu.enqueue_indirect_dma source(%dma_start3A_330 : memref<10000x32xf32, #tpu.memory_space<hbm>>) target(%arg12 : memref<80x32xf32, #tpu.memory_space<vmem>>) offsets(%dma_start3A_327 : memref<80xi32, #tpu.memory_space<vmem>>) semaphore(%arg21 : memref<!tpu.dma_semaphore, #tpu.memory_space<semaphore_mem>>)
      } else {
      }
      %dma_wait3A_278 = arith.constant 0 : i32
      %dma_wait3A_279 = arith.constant 0 : i32
      %dma_wait3A_280 = tpu.memref_slice %arg6[%dma_wait3A_278, %dma_wait3A_279] : memref<125x80xi32, #tpu.memory_space<vmem>> -> memref<1x80xi32, #tpu.memory_space<vmem>>
      %dma_wait3A_281 = tpu.memref_squeeze %dma_wait3A_280 : memref<1x80xi32, #tpu.memory_space<vmem>> -> memref<80xi32, #tpu.memory_space<vmem>>
      %dma_wait3A_282 = arith.constant 0 : i32
      %dma_wait3A_283 = arith.constant 0 : i32
      %dma_wait3A_284 = tpu.memref_slice %arg2[%dma_wait3A_282, %dma_wait3A_283] : memref<10000x32xf32, #tpu.memory_space<hbm>> -> memref<10000x32xf32, #tpu.memory_space<hbm>>
      tpu.wait_indirect_dma semaphore(%arg22 : memref<!tpu.dma_semaphore, #tpu.memory_space<semaphore_mem>>) src(%dma_wait3A_284 : memref<10000x32xf32, #tpu.memory_space<hbm>>) dst(%arg13 : memref<80x32xf32, #tpu.memory_space<vmem>>)
      "tpu.region"() ({
        %run_scoped3A_325 = tpu.sem_alloc : memref<!tpu.dma_semaphore, #tpu.memory_space<semaphore_mem>>
        %dma_start3A_326 = arith.constant 0 : i32
        %dma_start3A_327 = tpu.memref_slice %arg7[%add3A_268, %dma_start3A_326] : memref<125x80xi32, #tpu.memory_space<vmem>> -> memref<1x80xi32, #tpu.memory_space<vmem>>
        %dma_start3A_328 = tpu.memref_squeeze %dma_start3A_327 : memref<1x80xi32, #tpu.memory_space<vmem>> -> memref<80xi32, #tpu.memory_space<vmem>>
        %dma_start3A_329 = arith.constant 0 : i32
        %dma_start3A_330 = arith.constant 0 : i32
        %dma_start3A_331 = tpu.memref_slice %arg16[%dma_start3A_329, %dma_start3A_330] : memref<10000x32xf32, #tpu.memory_space<vmem_shared>> -> memref<10000x32xf32, #tpu.memory_space<vmem_shared>>
        tpu.enqueue_indirect_dma source(%arg13 : memref<80x32xf32, #tpu.memory_space<vmem>>) target(%dma_start3A_331 : memref<10000x32xf32, #tpu.memory_space<vmem_shared>>) offsets(%dma_start3A_328 : memref<80xi32, #tpu.memory_space<vmem>>) semaphore(%run_scoped3A_325 : memref<!tpu.dma_semaphore, #tpu.memory_space<semaphore_mem>>) {add = true}
        %dma_wait3A_332 = arith.constant 0 : i32
        %dma_wait3A_333 = tpu.memref_slice %arg7[%add3A_268, %dma_wait3A_332] : memref<125x80xi32, #tpu.memory_space<vmem>> -> memref<1x80xi32, #tpu.memory_space<vmem>>
        %dma_wait3A_334 = tpu.memref_squeeze %dma_wait3A_333 : memref<1x80xi32, #tpu.memory_space<vmem>> -> memref<80xi32, #tpu.memory_space<vmem>>
        %dma_wait3A_335 = arith.constant 0 : i32
        %dma_wait3A_336 = arith.constant 0 : i32
        %dma_wait3A_337 = tpu.memref_slice %arg16[%dma_wait3A_335, %dma_wait3A_336] : memref<10000x32xf32, #tpu.memory_space<vmem_shared>> -> memref<10000x32xf32, #tpu.memory_space<vmem_shared>>
        tpu.wait_indirect_dma semaphore(%run_scoped3A_325 : memref<!tpu.dma_semaphore, #tpu.memory_space<semaphore_mem>>) src(%arg13 : memref<80x32xf32, #tpu.memory_space<vmem>>) dst(%dma_wait3A_337 : memref<10000x32xf32, #tpu.memory_space<vmem_shared>>)
        tpu.yield
      }) : () -> ()
      %mul3A_285 = arith.constant 8 : i32
      %mul3A_286 = arith.muli %mul3A_285, %scan3A_168 : i32
      %add3A_287 = arith.constant 6 : i32
      %add3A_288 = arith.addi %mul3A_286, %add3A_287 : i32
      %add3A_289 = arith.constant 8 : i32
      %add3A_290 = arith.addi %add3A_288, %add3A_289 : i32
      %sub3A_291 = arith.constant 1 : i32
      %sub3A_292 = arith.subi %add3A_290, %sub3A_291 : i32
      %lt3A_293 = arith.constant 125 : i32
      %lt3A_294 = arith.cmpi slt, %sub3A_292, %lt3A_293 : i32
      %convert_element_type3A_295 = arith.extui %lt3A_294 : i1 to i32
      %cond3A_296 = arith.constant 0 : i32
      %cond3A_297 = arith.cmpi ne, %convert_element_type3A_295, %cond3A_296 : i32
      scf.if %cond3A_297 {
        %dma_start3A_325 = arith.constant 0 : i32
        %dma_start3A_326 = tpu.memref_slice %arg6[%sub3A_292, %dma_start3A_325] : memref<125x80xi32, #tpu.memory_space<vmem>> -> memref<1x80xi32, #tpu.memory_space<vmem>>
        %dma_start3A_327 = tpu.memref_squeeze %dma_start3A_326 : memref<1x80xi32, #tpu.memory_space<vmem>> -> memref<80xi32, #tpu.memory_space<vmem>>
        %dma_start3A_328 = arith.constant 0 : i32
        %dma_start3A_329 = arith.constant 0 : i32
        %dma_start3A_330 = tpu.memref_slice %arg2[%dma_start3A_328, %dma_start3A_329] : memref<10000x32xf32, #tpu.memory_space<hbm>> -> memref<10000x32xf32, #tpu.memory_space<hbm>>
        tpu.enqueue_indirect_dma source(%dma_start3A_330 : memref<10000x32xf32, #tpu.memory_space<hbm>>) target(%arg13 : memref<80x32xf32, #tpu.memory_space<vmem>>) offsets(%dma_start3A_327 : memref<80xi32, #tpu.memory_space<vmem>>) semaphore(%arg22 : memref<!tpu.dma_semaphore, #tpu.memory_space<semaphore_mem>>)
      } else {
      }
      %dma_wait3A_298 = arith.constant 0 : i32
      %dma_wait3A_299 = arith.constant 0 : i32
      %dma_wait3A_300 = tpu.memref_slice %arg6[%dma_wait3A_298, %dma_wait3A_299] : memref<125x80xi32, #tpu.memory_space<vmem>> -> memref<1x80xi32, #tpu.memory_space<vmem>>
      %dma_wait3A_301 = tpu.memref_squeeze %dma_wait3A_300 : memref<1x80xi32, #tpu.memory_space<vmem>> -> memref<80xi32, #tpu.memory_space<vmem>>
      %dma_wait3A_302 = arith.constant 0 : i32
      %dma_wait3A_303 = arith.constant 0 : i32
      %dma_wait3A_304 = tpu.memref_slice %arg2[%dma_wait3A_302, %dma_wait3A_303] : memref<10000x32xf32, #tpu.memory_space<hbm>> -> memref<10000x32xf32, #tpu.memory_space<hbm>>
      tpu.wait_indirect_dma semaphore(%arg23 : memref<!tpu.dma_semaphore, #tpu.memory_space<semaphore_mem>>) src(%dma_wait3A_304 : memref<10000x32xf32, #tpu.memory_space<hbm>>) dst(%arg14 : memref<80x32xf32, #tpu.memory_space<vmem>>)
      "tpu.region"() ({
        %run_scoped3A_325 = tpu.sem_alloc : memref<!tpu.dma_semaphore, #tpu.memory_space<semaphore_mem>>
        %dma_start3A_326 = arith.constant 0 : i32
        %dma_start3A_327 = tpu.memref_slice %arg7[%add3A_288, %dma_start3A_326] : memref<125x80xi32, #tpu.memory_space<vmem>> -> memref<1x80xi32, #tpu.memory_space<vmem>>
        %dma_start3A_328 = tpu.memref_squeeze %dma_start3A_327 : memref<1x80xi32, #tpu.memory_space<vmem>> -> memref<80xi32, #tpu.memory_space<vmem>>
        %dma_start3A_329 = arith.constant 0 : i32
        %dma_start3A_330 = arith.constant 0 : i32
        %dma_start3A_331 = tpu.memref_slice %arg16[%dma_start3A_329, %dma_start3A_330] : memref<10000x32xf32, #tpu.memory_space<vmem_shared>> -> memref<10000x32xf32, #tpu.memory_space<vmem_shared>>
        tpu.enqueue_indirect_dma source(%arg14 : memref<80x32xf32, #tpu.memory_space<vmem>>) target(%dma_start3A_331 : memref<10000x32xf32, #tpu.memory_space<vmem_shared>>) offsets(%dma_start3A_328 : memref<80xi32, #tpu.memory_space<vmem>>) semaphore(%run_scoped3A_325 : memref<!tpu.dma_semaphore, #tpu.memory_space<semaphore_mem>>) {add = true}
        %dma_wait3A_332 = arith.constant 0 : i32
        %dma_wait3A_333 = tpu.memref_slice %arg7[%add3A_288, %dma_wait3A_332] : memref<125x80xi32, #tpu.memory_space<vmem>> -> memref<1x80xi32, #tpu.memory_space<vmem>>
        %dma_wait3A_334 = tpu.memref_squeeze %dma_wait3A_333 : memref<1x80xi32, #tpu.memory_space<vmem>> -> memref<80xi32, #tpu.memory_space<vmem>>
        %dma_wait3A_335 = arith.constant 0 : i32
        %dma_wait3A_336 = arith.constant 0 : i32
        %dma_wait3A_337 = tpu.memref_slice %arg16[%dma_wait3A_335, %dma_wait3A_336] : memref<10000x32xf32, #tpu.memory_space<vmem_shared>> -> memref<10000x32xf32, #tpu.memory_space<vmem_shared>>
        tpu.wait_indirect_dma semaphore(%run_scoped3A_325 : memref<!tpu.dma_semaphore, #tpu.memory_space<semaphore_mem>>) src(%arg14 : memref<80x32xf32, #tpu.memory_space<vmem>>) dst(%dma_wait3A_337 : memref<10000x32xf32, #tpu.memory_space<vmem_shared>>)
        tpu.yield
      }) : () -> ()
      %mul3A_305 = arith.constant 8 : i32
      %mul3A_306 = arith.muli %mul3A_305, %scan3A_168 : i32
      %add3A_307 = arith.constant 7 : i32
      %add3A_308 = arith.addi %mul3A_306, %add3A_307 : i32
      %add3A_309 = arith.constant 8 : i32
      %add3A_310 = arith.addi %add3A_308, %add3A_309 : i32
      %sub3A_311 = arith.constant 1 : i32
      %sub3A_312 = arith.subi %add3A_310, %sub3A_311 : i32
      %lt3A_313 = arith.constant 125 : i32
      %lt3A_314 = arith.cmpi slt, %sub3A_312, %lt3A_313 : i32
      %convert_element_type3A_315 = arith.extui %lt3A_314 : i1 to i32
      %cond3A_316 = arith.constant 0 : i32
      %cond3A_317 = arith.cmpi ne, %convert_element_type3A_315, %cond3A_316 : i32
      scf.if %cond3A_317 {
        %dma_start3A_325 = arith.constant 0 : i32
        %dma_start3A_326 = tpu.memref_slice %arg6[%sub3A_312, %dma_start3A_325] : memref<125x80xi32, #tpu.memory_space<vmem>> -> memref<1x80xi32, #tpu.memory_space<vmem>>
        %dma_start3A_327 = tpu.memref_squeeze %dma_start3A_326 : memref<1x80xi32, #tpu.memory_space<vmem>> -> memref<80xi32, #tpu.memory_space<vmem>>
        %dma_start3A_328 = arith.constant 0 : i32
        %dma_start3A_329 = arith.constant 0 : i32
        %dma_start3A_330 = tpu.memref_slice %arg2[%dma_start3A_328, %dma_start3A_329] : memref<10000x32xf32, #tpu.memory_space<hbm>> -> memref<10000x32xf32, #tpu.memory_space<hbm>>
        tpu.enqueue_indirect_dma source(%dma_start3A_330 : memref<10000x32xf32, #tpu.memory_space<hbm>>) target(%arg14 : memref<80x32xf32, #tpu.memory_space<vmem>>) offsets(%dma_start3A_327 : memref<80xi32, #tpu.memory_space<vmem>>) semaphore(%arg23 : memref<!tpu.dma_semaphore, #tpu.memory_space<semaphore_mem>>)
      } else {
      }
      %dma_wait3A_318 = arith.constant 0 : i32
      %dma_wait3A_319 = arith.constant 0 : i32
      %dma_wait3A_320 = tpu.memref_slice %arg6[%dma_wait3A_318, %dma_wait3A_319] : memref<125x80xi32, #tpu.memory_space<vmem>> -> memref<1x80xi32, #tpu.memory_space<vmem>>
      %dma_wait3A_321 = tpu.memref_squeeze %dma_wait3A_320 : memref<1x80xi32, #tpu.memory_space<vmem>> -> memref<80xi32, #tpu.memory_space<vmem>>
      %dma_wait3A_322 = arith.constant 0 : i32
      %dma_wait3A_323 = arith.constant 0 : i32
      %dma_wait3A_324 = tpu.memref_slice %arg2[%dma_wait3A_322, %dma_wait3A_323] : memref<10000x32xf32, #tpu.memory_space<hbm>> -> memref<10000x32xf32, #tpu.memory_space<hbm>>
      tpu.wait_indirect_dma semaphore(%arg24 : memref<!tpu.dma_semaphore, #tpu.memory_space<semaphore_mem>>) src(%dma_wait3A_324 : memref<10000x32xf32, #tpu.memory_space<hbm>>) dst(%arg15 : memref<80x32xf32, #tpu.memory_space<vmem>>)
      "tpu.region"() ({
        %run_scoped3A_325 = tpu.sem_alloc : memref<!tpu.dma_semaphore, #tpu.memory_space<semaphore_mem>>
        %dma_start3A_326 = arith.constant 0 : i32
        %dma_start3A_327 = tpu.memref_slice %arg7[%add3A_308, %dma_start3A_326] : memref<125x80xi32, #tpu.memory_space<vmem>> -> memref<1x80xi32, #tpu.memory_space<vmem>>
        %dma_start3A_328 = tpu.memref_squeeze %dma_start3A_327 : memref<1x80xi32, #tpu.memory_space<vmem>> -> memref<80xi32, #tpu.memory_space<vmem>>
        %dma_start3A_329 = arith.constant 0 : i32
        %dma_start3A_330 = arith.constant 0 : i32
        %dma_start3A_331 = tpu.memref_slice %arg16[%dma_start3A_329, %dma_start3A_330] : memref<10000x32xf32, #tpu.memory_space<vmem_shared>> -> memref<10000x32xf32, #tpu.memory_space<vmem_shared>>
        tpu.enqueue_indirect_dma source(%arg15 : memref<80x32xf32, #tpu.memory_space<vmem>>) target(%dma_start3A_331 : memref<10000x32xf32, #tpu.memory_space<vmem_shared>>) offsets(%dma_start3A_328 : memref<80xi32, #tpu.memory_space<vmem>>) semaphore(%run_scoped3A_325 : memref<!tpu.dma_semaphore, #tpu.memory_space<semaphore_mem>>) {add = true}
        %dma_wait3A_332 = arith.constant 0 : i32
        %dma_wait3A_333 = tpu.memref_slice %arg7[%add3A_308, %dma_wait3A_332] : memref<125x80xi32, #tpu.memory_space<vmem>> -> memref<1x80xi32, #tpu.memory_space<vmem>>
        %dma_wait3A_334 = tpu.memref_squeeze %dma_wait3A_333 : memref<1x80xi32, #tpu.memory_space<vmem>> -> memref<80xi32, #tpu.memory_space<vmem>>
        %dma_wait3A_335 = arith.constant 0 : i32
        %dma_wait3A_336 = arith.constant 0 : i32
        %dma_wait3A_337 = tpu.memref_slice %arg16[%dma_wait3A_335, %dma_wait3A_336] : memref<10000x32xf32, #tpu.memory_space<vmem_shared>> -> memref<10000x32xf32, #tpu.memory_space<vmem_shared>>
        tpu.wait_indirect_dma semaphore(%run_scoped3A_325 : memref<!tpu.dma_semaphore, #tpu.memory_space<semaphore_mem>>) src(%arg15 : memref<80x32xf32, #tpu.memory_space<vmem>>) dst(%dma_wait3A_337 : memref<10000x32xf32, #tpu.memory_space<vmem_shared>>)
        tpu.yield
      }) : () -> ()
    }
    %scan3A_123 = arith.constant 15 : i32
    %dma_wait3A_124 = arith.constant 0 : i32
    %dma_wait3A_125 = arith.constant 0 : i32
    %dma_wait3A_126 = tpu.memref_slice %arg6[%dma_wait3A_124, %dma_wait3A_125] : memref<125x80xi32, #tpu.memory_space<vmem>> -> memref<1x80xi32, #tpu.memory_space<vmem>>
    %dma_wait3A_127 = tpu.memref_squeeze %dma_wait3A_126 : memref<1x80xi32, #tpu.memory_space<vmem>> -> memref<80xi32, #tpu.memory_space<vmem>>
    %dma_wait3A_128 = arith.constant 0 : i32
    %dma_wait3A_129 = arith.constant 0 : i32
    %dma_wait3A_130 = tpu.memref_slice %arg2[%dma_wait3A_128, %dma_wait3A_129] : memref<10000x32xf32, #tpu.memory_space<hbm>> -> memref<10000x32xf32, #tpu.memory_space<hbm>>
    tpu.wait_indirect_dma semaphore(%arg17 : memref<!tpu.dma_semaphore, #tpu.memory_space<semaphore_mem>>) src(%dma_wait3A_130 : memref<10000x32xf32, #tpu.memory_space<hbm>>) dst(%arg8 : memref<80x32xf32, #tpu.memory_space<vmem>>)
    %run_scoped3A = arith.constant 120 : i32
    "tpu.region"() ({
      %run_scoped3A_168 = tpu.sem_alloc : memref<!tpu.dma_semaphore, #tpu.memory_space<semaphore_mem>>
      %dma_start3A_169 = arith.constant 0 : i32
      %dma_start3A_170 = tpu.memref_slice %arg7[%run_scoped3A, %dma_start3A_169] : memref<125x80xi32, #tpu.memory_space<vmem>> -> memref<1x80xi32, #tpu.memory_space<vmem>>
      %dma_start3A_171 = tpu.memref_squeeze %dma_start3A_170 : memref<1x80xi32, #tpu.memory_space<vmem>> -> memref<80xi32, #tpu.memory_space<vmem>>
      %dma_start3A_172 = arith.constant 0 : i32
      %dma_start3A_173 = arith.constant 0 : i32
      %dma_start3A_174 = tpu.memref_slice %arg16[%dma_start3A_172, %dma_start3A_173] : memref<10000x32xf32, #tpu.memory_space<vmem_shared>> -> memref<10000x32xf32, #tpu.memory_space<vmem_shared>>
      tpu.enqueue_indirect_dma source(%arg8 : memref<80x32xf32, #tpu.memory_space<vmem>>) target(%dma_start3A_174 : memref<10000x32xf32, #tpu.memory_space<vmem_shared>>) offsets(%dma_start3A_171 : memref<80xi32, #tpu.memory_space<vmem>>) semaphore(%run_scoped3A_168 : memref<!tpu.dma_semaphore, #tpu.memory_space<semaphore_mem>>) {add = true}
      %dma_wait3A_175 = arith.constant 0 : i32
      %dma_wait3A_176 = tpu.memref_slice %arg7[%run_scoped3A, %dma_wait3A_175] : memref<125x80xi32, #tpu.memory_space<vmem>> -> memref<1x80xi32, #tpu.memory_space<vmem>>
      %dma_wait3A_177 = tpu.memref_squeeze %dma_wait3A_176 : memref<1x80xi32, #tpu.memory_space<vmem>> -> memref<80xi32, #tpu.memory_space<vmem>>
      %dma_wait3A_178 = arith.constant 0 : i32
      %dma_wait3A_179 = arith.constant 0 : i32
      %dma_wait3A_180 = tpu.memref_slice %arg16[%dma_wait3A_178, %dma_wait3A_179] : memref<10000x32xf32, #tpu.memory_space<vmem_shared>> -> memref<10000x32xf32, #tpu.memory_space<vmem_shared>>
      tpu.wait_indirect_dma semaphore(%run_scoped3A_168 : memref<!tpu.dma_semaphore, #tpu.memory_space<semaphore_mem>>) src(%arg8 : memref<80x32xf32, #tpu.memory_space<vmem>>) dst(%dma_wait3A_180 : memref<10000x32xf32, #tpu.memory_space<vmem_shared>>)
      tpu.yield
    }) : () -> ()
    %dma_wait3A_131 = arith.constant 0 : i32
    %dma_wait3A_132 = arith.constant 0 : i32
    %dma_wait3A_133 = tpu.memref_slice %arg6[%dma_wait3A_131, %dma_wait3A_132] : memref<125x80xi32, #tpu.memory_space<vmem>> -> memref<1x80xi32, #tpu.memory_space<vmem>>
    %dma_wait3A_134 = tpu.memref_squeeze %dma_wait3A_133 : memref<1x80xi32, #tpu.memory_space<vmem>> -> memref<80xi32, #tpu.memory_space<vmem>>
    %dma_wait3A_135 = arith.constant 0 : i32
    %dma_wait3A_136 = arith.constant 0 : i32
    %dma_wait3A_137 = tpu.memref_slice %arg2[%dma_wait3A_135, %dma_wait3A_136] : memref<10000x32xf32, #tpu.memory_space<hbm>> -> memref<10000x32xf32, #tpu.memory_space<hbm>>
    tpu.wait_indirect_dma semaphore(%arg18 : memref<!tpu.dma_semaphore, #tpu.memory_space<semaphore_mem>>) src(%dma_wait3A_137 : memref<10000x32xf32, #tpu.memory_space<hbm>>) dst(%arg9 : memref<80x32xf32, #tpu.memory_space<vmem>>)
    %run_scoped3A_138 = arith.constant 121 : i32
    "tpu.region"() ({
      %run_scoped3A_168 = tpu.sem_alloc : memref<!tpu.dma_semaphore, #tpu.memory_space<semaphore_mem>>
      %dma_start3A_169 = arith.constant 0 : i32
      %dma_start3A_170 = tpu.memref_slice %arg7[%run_scoped3A_138, %dma_start3A_169] : memref<125x80xi32, #tpu.memory_space<vmem>> -> memref<1x80xi32, #tpu.memory_space<vmem>>
      %dma_start3A_171 = tpu.memref_squeeze %dma_start3A_170 : memref<1x80xi32, #tpu.memory_space<vmem>> -> memref<80xi32, #tpu.memory_space<vmem>>
      %dma_start3A_172 = arith.constant 0 : i32
      %dma_start3A_173 = arith.constant 0 : i32
      %dma_start3A_174 = tpu.memref_slice %arg16[%dma_start3A_172, %dma_start3A_173] : memref<10000x32xf32, #tpu.memory_space<vmem_shared>> -> memref<10000x32xf32, #tpu.memory_space<vmem_shared>>
      tpu.enqueue_indirect_dma source(%arg9 : memref<80x32xf32, #tpu.memory_space<vmem>>) target(%dma_start3A_174 : memref<10000x32xf32, #tpu.memory_space<vmem_shared>>) offsets(%dma_start3A_171 : memref<80xi32, #tpu.memory_space<vmem>>) semaphore(%run_scoped3A_168 : memref<!tpu.dma_semaphore, #tpu.memory_space<semaphore_mem>>) {add = true}
      %dma_wait3A_175 = arith.constant 0 : i32
      %dma_wait3A_176 = tpu.memref_slice %arg7[%run_scoped3A_138, %dma_wait3A_175] : memref<125x80xi32, #tpu.memory_space<vmem>> -> memref<1x80xi32, #tpu.memory_space<vmem>>
      %dma_wait3A_177 = tpu.memref_squeeze %dma_wait3A_176 : memref<1x80xi32, #tpu.memory_space<vmem>> -> memref<80xi32, #tpu.memory_space<vmem>>
      %dma_wait3A_178 = arith.constant 0 : i32
      %dma_wait3A_179 = arith.constant 0 : i32
      %dma_wait3A_180 = tpu.memref_slice %arg16[%dma_wait3A_178, %dma_wait3A_179] : memref<10000x32xf32, #tpu.memory_space<vmem_shared>> -> memref<10000x32xf32, #tpu.memory_space<vmem_shared>>
      tpu.wait_indirect_dma semaphore(%run_scoped3A_168 : memref<!tpu.dma_semaphore, #tpu.memory_space<semaphore_mem>>) src(%arg9 : memref<80x32xf32, #tpu.memory_space<vmem>>) dst(%dma_wait3A_180 : memref<10000x32xf32, #tpu.memory_space<vmem_shared>>)
      tpu.yield
    }) : () -> ()
    %dma_wait3A_139 = arith.constant 0 : i32
    %dma_wait3A_140 = arith.constant 0 : i32
    %dma_wait3A_141 = tpu.memref_slice %arg6[%dma_wait3A_139, %dma_wait3A_140] : memref<125x80xi32, #tpu.memory_space<vmem>> -> memref<1x80xi32, #tpu.memory_space<vmem>>
    %dma_wait3A_142 = tpu.memref_squeeze %dma_wait3A_141 : memref<1x80xi32, #tpu.memory_space<vmem>> -> memref<80xi32, #tpu.memory_space<vmem>>
    %dma_wait3A_143 = arith.constant 0 : i32
    %dma_wait3A_144 = arith.constant 0 : i32
    %dma_wait3A_145 = tpu.memref_slice %arg2[%dma_wait3A_143, %dma_wait3A_144] : memref<10000x32xf32, #tpu.memory_space<hbm>> -> memref<10000x32xf32, #tpu.memory_space<hbm>>
    tpu.wait_indirect_dma semaphore(%arg19 : memref<!tpu.dma_semaphore, #tpu.memory_space<semaphore_mem>>) src(%dma_wait3A_145 : memref<10000x32xf32, #tpu.memory_space<hbm>>) dst(%arg10 : memref<80x32xf32, #tpu.memory_space<vmem>>)
    %run_scoped3A_146 = arith.constant 122 : i32
    "tpu.region"() ({
      %run_scoped3A_168 = tpu.sem_alloc : memref<!tpu.dma_semaphore, #tpu.memory_space<semaphore_mem>>
      %dma_start3A_169 = arith.constant 0 : i32
      %dma_start3A_170 = tpu.memref_slice %arg7[%run_scoped3A_146, %dma_start3A_169] : memref<125x80xi32, #tpu.memory_space<vmem>> -> memref<1x80xi32, #tpu.memory_space<vmem>>
      %dma_start3A_171 = tpu.memref_squeeze %dma_start3A_170 : memref<1x80xi32, #tpu.memory_space<vmem>> -> memref<80xi32, #tpu.memory_space<vmem>>
      %dma_start3A_172 = arith.constant 0 : i32
      %dma_start3A_173 = arith.constant 0 : i32
      %dma_start3A_174 = tpu.memref_slice %arg16[%dma_start3A_172, %dma_start3A_173] : memref<10000x32xf32, #tpu.memory_space<vmem_shared>> -> memref<10000x32xf32, #tpu.memory_space<vmem_shared>>
      tpu.enqueue_indirect_dma source(%arg10 : memref<80x32xf32, #tpu.memory_space<vmem>>) target(%dma_start3A_174 : memref<10000x32xf32, #tpu.memory_space<vmem_shared>>) offsets(%dma_start3A_171 : memref<80xi32, #tpu.memory_space<vmem>>) semaphore(%run_scoped3A_168 : memref<!tpu.dma_semaphore, #tpu.memory_space<semaphore_mem>>) {add = true}
      %dma_wait3A_175 = arith.constant 0 : i32
      %dma_wait3A_176 = tpu.memref_slice %arg7[%run_scoped3A_146, %dma_wait3A_175] : memref<125x80xi32, #tpu.memory_space<vmem>> -> memref<1x80xi32, #tpu.memory_space<vmem>>
      %dma_wait3A_177 = tpu.memref_squeeze %dma_wait3A_176 : memref<1x80xi32, #tpu.memory_space<vmem>> -> memref<80xi32, #tpu.memory_space<vmem>>
      %dma_wait3A_178 = arith.constant 0 : i32
      %dma_wait3A_179 = arith.constant 0 : i32
      %dma_wait3A_180 = tpu.memref_slice %arg16[%dma_wait3A_178, %dma_wait3A_179] : memref<10000x32xf32, #tpu.memory_space<vmem_shared>> -> memref<10000x32xf32, #tpu.memory_space<vmem_shared>>
      tpu.wait_indirect_dma semaphore(%run_scoped3A_168 : memref<!tpu.dma_semaphore, #tpu.memory_space<semaphore_mem>>) src(%arg10 : memref<80x32xf32, #tpu.memory_space<vmem>>) dst(%dma_wait3A_180 : memref<10000x32xf32, #tpu.memory_space<vmem_shared>>)
      tpu.yield
    }) : () -> ()
    %dma_wait3A_147 = arith.constant 0 : i32
    %dma_wait3A_148 = arith.constant 0 : i32
    %dma_wait3A_149 = tpu.memref_slice %arg6[%dma_wait3A_147, %dma_wait3A_148] : memref<125x80xi32, #tpu.memory_space<vmem>> -> memref<1x80xi32, #tpu.memory_space<vmem>>
    %dma_wait3A_150 = tpu.memref_squeeze %dma_wait3A_149 : memref<1x80xi32, #tpu.memory_space<vmem>> -> memref<80xi32, #tpu.memory_space<vmem>>
    %dma_wait3A_151 = arith.constant 0 : i32
    %dma_wait3A_152 = arith.constant 0 : i32
    %dma_wait3A_153 = tpu.memref_slice %arg2[%dma_wait3A_151, %dma_wait3A_152] : memref<10000x32xf32, #tpu.memory_space<hbm>> -> memref<10000x32xf32, #tpu.memory_space<hbm>>
    tpu.wait_indirect_dma semaphore(%arg20 : memref<!tpu.dma_semaphore, #tpu.memory_space<semaphore_mem>>) src(%dma_wait3A_153 : memref<10000x32xf32, #tpu.memory_space<hbm>>) dst(%arg11 : memref<80x32xf32, #tpu.memory_space<vmem>>)
    %run_scoped3A_154 = arith.constant 123 : i32
    "tpu.region"() ({
      %run_scoped3A_168 = tpu.sem_alloc : memref<!tpu.dma_semaphore, #tpu.memory_space<semaphore_mem>>
      %dma_start3A_169 = arith.constant 0 : i32
      %dma_start3A_170 = tpu.memref_slice %arg7[%run_scoped3A_154, %dma_start3A_169] : memref<125x80xi32, #tpu.memory_space<vmem>> -> memref<1x80xi32, #tpu.memory_space<vmem>>
      %dma_start3A_171 = tpu.memref_squeeze %dma_start3A_170 : memref<1x80xi32, #tpu.memory_space<vmem>> -> memref<80xi32, #tpu.memory_space<vmem>>
      %dma_start3A_172 = arith.constant 0 : i32
      %dma_start3A_173 = arith.constant 0 : i32
      %dma_start3A_174 = tpu.memref_slice %arg16[%dma_start3A_172, %dma_start3A_173] : memref<10000x32xf32, #tpu.memory_space<vmem_shared>> -> memref<10000x32xf32, #tpu.memory_space<vmem_shared>>
      tpu.enqueue_indirect_dma source(%arg11 : memref<80x32xf32, #tpu.memory_space<vmem>>) target(%dma_start3A_174 : memref<10000x32xf32, #tpu.memory_space<vmem_shared>>) offsets(%dma_start3A_171 : memref<80xi32, #tpu.memory_space<vmem>>) semaphore(%run_scoped3A_168 : memref<!tpu.dma_semaphore, #tpu.memory_space<semaphore_mem>>) {add = true}
      %dma_wait3A_175 = arith.constant 0 : i32
      %dma_wait3A_176 = tpu.memref_slice %arg7[%run_scoped3A_154, %dma_wait3A_175] : memref<125x80xi32, #tpu.memory_space<vmem>> -> memref<1x80xi32, #tpu.memory_space<vmem>>
      %dma_wait3A_177 = tpu.memref_squeeze %dma_wait3A_176 : memref<1x80xi32, #tpu.memory_space<vmem>> -> memref<80xi32, #tpu.memory_space<vmem>>
      %dma_wait3A_178 = arith.constant 0 : i32
      %dma_wait3A_179 = arith.constant 0 : i32
      %dma_wait3A_180 = tpu.memref_slice %arg16[%dma_wait3A_178, %dma_wait3A_179] : memref<10000x32xf32, #tpu.memory_space<vmem_shared>> -> memref<10000x32xf32, #tpu.memory_space<vmem_shared>>
      tpu.wait_indirect_dma semaphore(%run_scoped3A_168 : memref<!tpu.dma_semaphore, #tpu.memory_space<semaphore_mem>>) src(%arg11 : memref<80x32xf32, #tpu.memory_space<vmem>>) dst(%dma_wait3A_180 : memref<10000x32xf32, #tpu.memory_space<vmem_shared>>)
      tpu.yield
    }) : () -> ()
    %dma_wait3A_155 = arith.constant 0 : i32
    %dma_wait3A_156 = arith.constant 0 : i32
    %dma_wait3A_157 = tpu.memref_slice %arg6[%dma_wait3A_155, %dma_wait3A_156] : memref<125x80xi32, #tpu.memory_space<vmem>> -> memref<1x80xi32, #tpu.memory_space<vmem>>
    %dma_wait3A_158 = tpu.memref_squeeze %dma_wait3A_157 : memref<1x80xi32, #tpu.memory_space<vmem>> -> memref<80xi32, #tpu.memory_space<vmem>>
    %dma_wait3A_159 = arith.constant 0 : i32
    %dma_wait3A_160 = arith.constant 0 : i32
    %dma_wait3A_161 = tpu.memref_slice %arg2[%dma_wait3A_159, %dma_wait3A_160] : memref<10000x32xf32, #tpu.memory_space<hbm>> -> memref<10000x32xf32, #tpu.memory_space<hbm>>
    tpu.wait_indirect_dma semaphore(%arg21 : memref<!tpu.dma_semaphore, #tpu.memory_space<semaphore_mem>>) src(%dma_wait3A_161 : memref<10000x32xf32, #tpu.memory_space<hbm>>) dst(%arg12 : memref<80x32xf32, #tpu.memory_space<vmem>>)
    %run_scoped3A_162 = arith.constant 124 : i32
    "tpu.region"() ({
      %run_scoped3A_168 = tpu.sem_alloc : memref<!tpu.dma_semaphore, #tpu.memory_space<semaphore_mem>>
      %dma_start3A_169 = arith.constant 0 : i32
      %dma_start3A_170 = tpu.memref_slice %arg7[%run_scoped3A_162, %dma_start3A_169] : memref<125x80xi32, #tpu.memory_space<vmem>> -> memref<1x80xi32, #tpu.memory_space<vmem>>
      %dma_start3A_171 = tpu.memref_squeeze %dma_start3A_170 : memref<1x80xi32, #tpu.memory_space<vmem>> -> memref<80xi32, #tpu.memory_space<vmem>>
      %dma_start3A_172 = arith.constant 0 : i32
      %dma_start3A_173 = arith.constant 0 : i32
      %dma_start3A_174 = tpu.memref_slice %arg16[%dma_start3A_172, %dma_start3A_173] : memref<10000x32xf32, #tpu.memory_space<vmem_shared>> -> memref<10000x32xf32, #tpu.memory_space<vmem_shared>>
      tpu.enqueue_indirect_dma source(%arg12 : memref<80x32xf32, #tpu.memory_space<vmem>>) target(%dma_start3A_174 : memref<10000x32xf32, #tpu.memory_space<vmem_shared>>) offsets(%dma_start3A_171 : memref<80xi32, #tpu.memory_space<vmem>>) semaphore(%run_scoped3A_168 : memref<!tpu.dma_semaphore, #tpu.memory_space<semaphore_mem>>) {add = true}
      %dma_wait3A_175 = arith.constant 0 : i32
      %dma_wait3A_176 = tpu.memref_slice %arg7[%run_scoped3A_162, %dma_wait3A_175] : memref<125x80xi32, #tpu.memory_space<vmem>> -> memref<1x80xi32, #tpu.memory_space<vmem>>
      %dma_wait3A_177 = tpu.memref_squeeze %dma_wait3A_176 : memref<1x80xi32, #tpu.memory_space<vmem>> -> memref<80xi32, #tpu.memory_space<vmem>>
      %dma_wait3A_178 = arith.constant 0 : i32
      %dma_wait3A_179 = arith.constant 0 : i32
      %dma_wait3A_180 = tpu.memref_slice %arg16[%dma_wait3A_178, %dma_wait3A_179] : memref<10000x32xf32, #tpu.memory_space<vmem_shared>> -> memref<10000x32xf32, #tpu.memory_space<vmem_shared>>
      tpu.wait_indirect_dma semaphore(%run_scoped3A_168 : memref<!tpu.dma_semaphore, #tpu.memory_space<semaphore_mem>>) src(%arg12 : memref<80x32xf32, #tpu.memory_space<vmem>>) dst(%dma_wait3A_180 : memref<10000x32xf32, #tpu.memory_space<vmem_shared>>)
      tpu.yield
    }) : () -> ()
    %barrier3A_163 = arith.constant 0 : index
    tpu.barrier barrier_id(%barrier3A_163)
    %mul3A_164 = arith.constant 625 : i32
    %mul3A_165 = arith.muli %arg1, %mul3A_164 : i32
    %mul3A_166 = arith.constant 625 : i32
    %mul3A_167 = arith.muli %arg1, %mul3A_166 : i32
    "tpu.region"() ({
      %run_scoped3A_168 = tpu.sem_alloc : memref<!tpu.dma_semaphore, #tpu.memory_space<semaphore_mem>>
      %dma_start3A_169 = arith.constant 0 : i32
      %dma_start3A_170 = tpu.memref_slice %arg5[%arg0, %mul3A_167, %dma_start3A_169] : memref<2x10000x32xf32, #tpu.memory_space<hbm>> -> memref<1x625x32xf32, #tpu.memory_space<hbm>>
      %dma_start3A_171 = tpu.memref_squeeze %dma_start3A_170 : memref<1x625x32xf32, #tpu.memory_space<hbm>> -> memref<625x32xf32, #tpu.memory_space<hbm>>
      %dma_start3A_172 = arith.constant 0 : i32
      %dma_start3A_173 = tpu.memref_slice %arg16[%mul3A_165, %dma_start3A_172] : memref<10000x32xf32, #tpu.memory_space<vmem_shared>> -> memref<625x32xf32, #tpu.memory_space<vmem_shared>>
      tpu.enqueue_dma source(%dma_start3A_173 : memref<625x32xf32, #tpu.memory_space<vmem_shared>>) target(%dma_start3A_171 : memref<625x32xf32, #tpu.memory_space<hbm>>) target_semaphore(%run_scoped3A_168 : memref<!tpu.dma_semaphore, #tpu.memory_space<semaphore_mem>>)
      %dma_wait3A_174 = arith.constant 0 : i32
      %dma_wait3A_175 = tpu.memref_slice %arg5[%arg0, %mul3A_167, %dma_wait3A_174] : memref<2x10000x32xf32, #tpu.memory_space<hbm>> -> memref<1x625x32xf32, #tpu.memory_space<hbm>>
      %dma_wait3A_176 = tpu.memref_squeeze %dma_wait3A_175 : memref<1x625x32xf32, #tpu.memory_space<hbm>> -> memref<625x32xf32, #tpu.memory_space<hbm>>
      %dma_wait3A_177 = arith.constant 0 : i32
      %dma_wait3A_178 = tpu.memref_slice %arg16[%mul3A_165, %dma_wait3A_177] : memref<10000x32xf32, #tpu.memory_space<vmem_shared>> -> memref<625x32xf32, #tpu.memory_space<vmem_shared>>
      tpu.wait_dma2 semaphore(%run_scoped3A_168 : memref<!tpu.dma_semaphore, #tpu.memory_space<semaphore_mem>>) src(%dma_wait3A_178 : memref<625x32xf32, #tpu.memory_space<vmem_shared>>) dst(%dma_wait3A_176 : memref<625x32xf32, #tpu.memory_space<hbm>>)
      tpu.yield
    }) : () -> ()
    return
  }
}

module attributes {stable_mosaic.version = 14 : i64} {
  func.func @_layer_body(%arg0: i32, %arg1: memref<2x1000x128xf32, #tpu.memory_space<vmem>>, %arg2: memref<1000x128xf32, #tpu.memory_space<vmem>>, %arg3: memref<128x32xf32, #tpu.memory_space<vmem>>, %arg4: memref<128x32xf32, #tpu.memory_space<vmem>>, %arg5: memref<1x32xf32, #tpu.memory_space<vmem>>, %arg6: memref<1000x32xf32, #tpu.memory_space<vmem>>) attributes {dimension_semantics = [#tpu.dimension_semantics<arbitrary>], iteration_bounds = array<i64: 10>, scalar_prefetch = 0 : i64, scratch_operands = 0 : i64, tpu.core_type = #tpu.core_type<tc>, window_params = [{transform_indices = @transform_0, window_bounds = array<i64: 2, 1000, 128>}, {transform_indices = @transform_1, window_bounds = array<i64: 1000, 128>}, {pipeline_mode = #tpu.pipeline_mode<synchronous>, transform_indices = @transform_2, window_bounds = array<i64: 128, 32>}, {pipeline_mode = #tpu.pipeline_mode<synchronous>, transform_indices = @transform_3, window_bounds = array<i64: 128, 32>}, {pipeline_mode = #tpu.pipeline_mode<synchronous>, transform_indices = @transform_4, window_bounds = array<i64: 1, 32>}, {transform_indices = @transform_5, window_bounds = array<i64: 1000, 32>}]} {
    %get3A = arith.constant 0 : index
    %get3A_0 = arith.constant 0 : index
    %get3A_1 = arith.constant 0 : index
    %get3A_2 = vector.load %arg1[%get3A, %get3A_0, %get3A_1] : memref<2x1000x128xf32, #tpu.memory_space<vmem>>, vector<1x1000x128xf32>
    %get3A_3 = vector.shape_cast %get3A_2 : vector<1x1000x128xf32> to vector<1000x128xf32>
    %get3A_4 = arith.constant 1 : index
    %get3A_5 = arith.constant 0 : index
    %get3A_6 = arith.constant 0 : index
    %get3A_7 = vector.load %arg1[%get3A_4, %get3A_5, %get3A_6] : memref<2x1000x128xf32, #tpu.memory_space<vmem>>, vector<1x1000x128xf32>
    %get3A_8 = vector.shape_cast %get3A_7 : vector<1x1000x128xf32> to vector<1000x128xf32>
    %add3A = arith.addf %get3A_3, %get3A_8 : vector<1000x128xf32>
    %get3A_9 = arith.constant 0 : index
    %get3A_10 = arith.constant 0 : index
    %get3A_11 = vector.load %arg3[%get3A_9, %get3A_10] : memref<128x32xf32, #tpu.memory_space<vmem>>, vector<128x32xf32>
    %dot_general3A = arith.constant dense<0.000000e+00> : vector<1000x32xf32>
    %dot_general3A_12 = tpu.matmul %add3A, %get3A_11, %dot_general3A {dimension_numbers = #tpu.dot_dimension_numbers<[1], [0], [0], [1], [0, 0, 1, 1], [], []>, transpose_lhs_hint = false} : vector<1000x128xf32>, vector<128x32xf32>, vector<1000x32xf32> -> vector<1000x32xf32>
    %get3A_13 = arith.constant 0 : index
    %get3A_14 = arith.constant 0 : index
    %get3A_15 = vector.load %arg5[%get3A_13, %get3A_14] : memref<1x32xf32, #tpu.memory_space<vmem>>, vector<1x32xf32>
    %add3A_16 = vector.broadcast %get3A_15 : vector<1x32xf32> to vector<1000x32xf32>
    %add3A_17 = arith.addf %dot_general3A_12, %add3A_16 : vector<1000x32xf32>
    %get3A_18 = arith.constant 0 : index
    %get3A_19 = arith.constant 0 : index
    %get3A_20 = vector.load %arg2[%get3A_18, %get3A_19] : memref<1000x128xf32, #tpu.memory_space<vmem>>, vector<1000x128xf32>
    %get3A_21 = arith.constant 0 : index
    %get3A_22 = arith.constant 0 : index
    %get3A_23 = vector.load %arg4[%get3A_21, %get3A_22] : memref<128x32xf32, #tpu.memory_space<vmem>>, vector<128x32xf32>
    %dot_general3A_24 = arith.constant dense<0.000000e+00> : vector<1000x32xf32>
    %dot_general3A_25 = tpu.matmul %get3A_20, %get3A_23, %dot_general3A_24 {dimension_numbers = #tpu.dot_dimension_numbers<[1], [0], [0], [1], [0, 0, 1, 1], [], []>, transpose_lhs_hint = false} : vector<1000x128xf32>, vector<128x32xf32>, vector<1000x32xf32> -> vector<1000x32xf32>
    %add3A_26 = arith.addf %add3A_17, %dot_general3A_25 : vector<1000x32xf32>
    %max3A = arith.constant 0.000000e+00 : f32
    %max3A_27 = vector.broadcast %max3A : f32 to vector<1000x32xf32>
    %max3A_28 = arith.maximumf %add3A_26, %max3A_27 : vector<1000x32xf32>
    %swap3A = arith.constant 0 : index
    %swap3A_29 = arith.constant 0 : index
    %swap3A_30 = vector.load %arg6[%swap3A, %swap3A_29] : memref<1000x32xf32, #tpu.memory_space<vmem>>, vector<1000x32xf32>
    tpu.vector_store %arg6[%swap3A, %swap3A_29], %max3A_28 {strides = array<i32>} : memref<1000x32xf32, #tpu.memory_space<vmem>>, vector<1000x32xf32>,
    return
  }
  func.func @transform_0(%arg0: i32) -> (i32, i32, i32) {
    %c0_i32 = arith.constant 0 : i32
    %c0_i32_0 = arith.constant 0 : i32
    %c0_i32_1 = arith.constant 0 : i32
    return %c0_i32, %arg0, %c0_i32_0 : i32, i32, i32
  }
  func.func @transform_1(%arg0: i32) -> (i32, i32) {
    %c0_i32 = arith.constant 0 : i32
    %c0_i32_0 = arith.constant 0 : i32
    return %arg0, %c0_i32 : i32, i32
  }
  func.func @transform_2(%arg0: i32) -> (i32, i32) {
    %c0_i32 = arith.constant 0 : i32
    %c0_i32_0 = arith.constant 0 : i32
    %c0_i32_1 = arith.constant 0 : i32
    return %c0_i32, %c0_i32_0 : i32, i32
  }
  func.func @transform_3(%arg0: i32) -> (i32, i32) {
    %c0_i32 = arith.constant 0 : i32
    %c0_i32_0 = arith.constant 0 : i32
    %c0_i32_1 = arith.constant 0 : i32
    return %c0_i32, %c0_i32_0 : i32, i32
  }
  func.func @transform_4(%arg0: i32) -> (i32, i32) {
    %c0_i32 = arith.constant 0 : i32
    %c0_i32_0 = arith.constant 0 : i32
    %c0_i32_1 = arith.constant 0 : i32
    return %c0_i32, %c0_i32_0 : i32, i32
  }
  func.func @transform_5(%arg0: i32) -> (i32, i32) {
    %c0_i32 = arith.constant 0 : i32
    %c0_i32_0 = arith.constant 0 : i32
    return %arg0, %c0_i32 : i32, i32
  }
}

module attributes {stable_mosaic.version = 14 : i64} {
  func.func @_layer_body(%arg0: i32, %arg1: memref<2x1000x32xf32, #tpu.memory_space<vmem>>, %arg2: memref<1000x32xf32, #tpu.memory_space<vmem>>, %arg3: memref<32x1xf32, #tpu.memory_space<vmem>>, %arg4: memref<32x1xf32, #tpu.memory_space<vmem>>, %arg5: memref<1x1xf32, #tpu.memory_space<vmem>>, %arg6: memref<1000x1xf32, #tpu.memory_space<vmem>>) attributes {dimension_semantics = [#tpu.dimension_semantics<arbitrary>], iteration_bounds = array<i64: 10>, scalar_prefetch = 0 : i64, scratch_operands = 0 : i64, tpu.core_type = #tpu.core_type<tc>, window_params = [{transform_indices = @transform_0, window_bounds = array<i64: 2, 1000, 32>}, {transform_indices = @transform_1, window_bounds = array<i64: 1000, 32>}, {pipeline_mode = #tpu.pipeline_mode<synchronous>, transform_indices = @transform_2, window_bounds = array<i64: 32, 1>}, {pipeline_mode = #tpu.pipeline_mode<synchronous>, transform_indices = @transform_3, window_bounds = array<i64: 32, 1>}, {pipeline_mode = #tpu.pipeline_mode<synchronous>, transform_indices = @transform_4, window_bounds = array<i64: 1, 1>}, {transform_indices = @transform_5, window_bounds = array<i64: 1000, 1>}]} {
    %get3A = arith.constant 0 : index
    %get3A_0 = arith.constant 0 : index
    %get3A_1 = arith.constant 0 : index
    %get3A_2 = vector.load %arg1[%get3A, %get3A_0, %get3A_1] : memref<2x1000x32xf32, #tpu.memory_space<vmem>>, vector<1x1000x32xf32>
    %get3A_3 = vector.shape_cast %get3A_2 : vector<1x1000x32xf32> to vector<1000x32xf32>
    %get3A_4 = arith.constant 1 : index
    %get3A_5 = arith.constant 0 : index
    %get3A_6 = arith.constant 0 : index
    %get3A_7 = vector.load %arg1[%get3A_4, %get3A_5, %get3A_6] : memref<2x1000x32xf32, #tpu.memory_space<vmem>>, vector<1x1000x32xf32>
    %get3A_8 = vector.shape_cast %get3A_7 : vector<1x1000x32xf32> to vector<1000x32xf32>
    %add3A = arith.addf %get3A_3, %get3A_8 : vector<1000x32xf32>
    %get3A_9 = arith.constant 0 : index
    %get3A_10 = arith.constant 0 : index
    %get3A_11 = vector.load %arg3[%get3A_9, %get3A_10] : memref<32x1xf32, #tpu.memory_space<vmem>>, vector<32x1xf32>
    %dot_general3A = arith.constant dense<0.000000e+00> : vector<1000x1xf32>
    %dot_general3A_12 = tpu.matmul %add3A, %get3A_11, %dot_general3A {dimension_numbers = #tpu.dot_dimension_numbers<[1], [0], [0], [1], [0, 0, 1, 1], [], []>, transpose_lhs_hint = false} : vector<1000x32xf32>, vector<32x1xf32>, vector<1000x1xf32> -> vector<1000x1xf32>
    %get3A_13 = arith.constant 0 : index
    %get3A_14 = arith.constant 0 : index
    %get3A_15 = vector.load %arg5[%get3A_13, %get3A_14] : memref<1x1xf32, #tpu.memory_space<vmem>>, vector<1x1xf32>
    %add3A_16 = vector.broadcast %get3A_15 : vector<1x1xf32> to vector<1000x1xf32>
    %add3A_17 = arith.addf %dot_general3A_12, %add3A_16 : vector<1000x1xf32>
    %get3A_18 = arith.constant 0 : index
    %get3A_19 = arith.constant 0 : index
    %get3A_20 = vector.load %arg2[%get3A_18, %get3A_19] : memref<1000x32xf32, #tpu.memory_space<vmem>>, vector<1000x32xf32>
    %get3A_21 = arith.constant 0 : index
    %get3A_22 = arith.constant 0 : index
    %get3A_23 = vector.load %arg4[%get3A_21, %get3A_22] : memref<32x1xf32, #tpu.memory_space<vmem>>, vector<32x1xf32>
    %dot_general3A_24 = arith.constant dense<0.000000e+00> : vector<1000x1xf32>
    %dot_general3A_25 = tpu.matmul %get3A_20, %get3A_23, %dot_general3A_24 {dimension_numbers = #tpu.dot_dimension_numbers<[1], [0], [0], [1], [0, 0, 1, 1], [], []>, transpose_lhs_hint = false} : vector<1000x32xf32>, vector<32x1xf32>, vector<1000x1xf32> -> vector<1000x1xf32>
    %add3A_26 = arith.addf %add3A_17, %dot_general3A_25 : vector<1000x1xf32>
    %max3A = arith.constant 0.000000e+00 : f32
    %max3A_27 = vector.broadcast %max3A : f32 to vector<1000x1xf32>
    %max3A_28 = arith.maximumf %add3A_26, %max3A_27 : vector<1000x1xf32>
    %swap3A = arith.constant 0 : index
    %swap3A_29 = arith.constant 0 : index
    %swap3A_30 = vector.load %arg6[%swap3A, %swap3A_29] : memref<1000x1xf32, #tpu.memory_space<vmem>>, vector<1000x1xf32>
    tpu.vector_store %arg6[%swap3A, %swap3A_29], %max3A_28 {strides = array<i32>} : memref<1000x1xf32, #tpu.memory_space<vmem>>, vector<1000x1xf32>,
    return
  }
  func.func @transform_0(%arg0: i32) -> (i32, i32, i32) {
    %c0_i32 = arith.constant 0 : i32
    %c0_i32_0 = arith.constant 0 : i32
    %c0_i32_1 = arith.constant 0 : i32
    return %c0_i32, %arg0, %c0_i32_0 : i32, i32, i32
  }
  func.func @transform_1(%arg0: i32) -> (i32, i32) {
    %c0_i32 = arith.constant 0 : i32
    %c0_i32_0 = arith.constant 0 : i32
    return %arg0, %c0_i32 : i32, i32
  }
  func.func @transform_2(%arg0: i32) -> (i32, i32) {
    %c0_i32 = arith.constant 0 : i32
    %c0_i32_0 = arith.constant 0 : i32
    %c0_i32_1 = arith.constant 0 : i32
    return %c0_i32, %c0_i32_0 : i32, i32
  }
  func.func @transform_3(%arg0: i32) -> (i32, i32) {
    %c0_i32 = arith.constant 0 : i32
    %c0_i32_0 = arith.constant 0 : i32
    %c0_i32_1 = arith.constant 0 : i32
    return %c0_i32, %c0_i32_0 : i32, i32
  }
  func.func @transform_4(%arg0: i32) -> (i32, i32) {
    %c0_i32 = arith.constant 0 : i32
    %c0_i32_0 = arith.constant 0 : i32
    %c0_i32_1 = arith.constant 0 : i32
    return %c0_i32, %c0_i32_0 : i32, i32
  }
  func.func @transform_5(%arg0: i32) -> (i32, i32) {
    %c0_i32 = arith.constant 0 : i32
    %c0_i32_0 = arith.constant 0 : i32
    return %arg0, %c0_i32 : i32, i32
  }
}

</mosaic_0001>

<sc_bundles>
// kernel: kernel.6.cloned.1.call-start
scs
__scs_entry_jumppad:
0x0: {  	(pc) =	sbr.rel $0x88, $3  }
0x1: {  	(tag) =	ssettag $0x0;
	lr =	simm.s32 $0x1  }
0x2: {  	[smem:$0x3F99] =	sst lr;
	_ =	strace $0xD0000000  }
0x3: {  	_ = 	snop  }
0x4: {  	_ = 	snop  }
0x5: {  	_ = 	snop  }
0x6: {  	_ = 	snop  }
0x7: {  	_ = 	snop  }
__scs_overlays_trampoline_lowered:
0x8: {  	[smem:$0x3FA8] =	sst s0  }
0x9: {  	[smem:$0x3FA9] =	sst s1  }
0xa: {  	[smem:$0x3FAA] =	sst s2  }
0xb: {  	[smem:$0x3FAB] =	sst s3  }
0xc: {  	[smem:$0x3FAC] =	sst s4  }
0xd: {  	[smem:$0x3FAD] =	sst s5  }
0xe: {  	[smem:$0x3FAE] =	sst s6  }
0xf: {  	[smem:$0x3FAF] =	sst s7  }
0x10: {  	[smem:$0x3FB0] =	sst s8  }
0x11: {  	[smem:$0x3FB1] =	sst s9;
	s0 =	simm.s32 @!p0 $0x0  }
0x12: {  	s1 =	sld [smem:$0x3F97];
	s0 =	simm.s32 @p0 $0x1  }
0x13: {  	[smem:$0x3FB2] =	sst s0;
	s0 =	simm.s32 @!p1 $0x0  }
0x14: {  	s2 =	sld [smem:$0x3F96];
	s0 =	simm.s32 @p1 $0x1  }
0x15: {  	[smem:$0x3FB3] =	sst s0;
	s0 =	simm.s32 @!p2 $0x0  }
0x16: {  	s3 =	sld [smem:$0x3FDB];
	s0 =	simm.s32 @p2 $0x1  }
0x17: {  	s4 =	simm.s32 $0x1BF5;
	[smem:$0x3FB5] =	sst s0  }
0x18: {  	s0 =	sld [smem:$0x3F98];
	_ =	swait.ge [sflag:s4], $0x0  }
0x19: {  	s7 =	sld [smem:$0x3F99]  }
0x1a: {  	s8 =	sadd.s32 $0xFFFFE003, lr  }
0x1b: {  	s9 =	sadd.s32 $0xFFFFFEF7, lr;
	s5 =	simm.s32 $0xFFFFFFFF;
	p2 =	slt.u32 s8, $0xFFFFF086  }
0x1c: {  	p1 =	slt.u32 s9, $0xF7A;
	s5 =	simm.s32 @!p2 $0x0  }
0x1d: {  	s5 =	simm.s32 @p1 $0x1;
	p0 =	seq.s32 s7, s2  }
0x1e: {  	s7 =	smul.u32 @!p0 $0xF7A, s2;
	p2 =	seq.s32 @!p0 s5, $0x0  }
0x1f: {  	s9 =	smul.u32 $0xF7A, s1;
	s8 =	simm.s32 @!p0 $0x1BF5;
	p2 =	por !p2, p0  }
0x20: {  	[sflag:s8] =	ssyncset.s32 @!p0 $0xFFFFF086;
	s6 =	sadd.s32 @!p0 s3, s7;
	s7 =	simm.s32 @!p0 $0x108  }
0x21: {  	s3 =	sadd.s32 s3, s9;
	s6 =	sadd.s32 @!p0 $0x88, s6;
	s7 =	simm.s32 @p2 $0x1082  }
0x22: {  	[simem:s7], [sflag:s8] =	dma.local @!p0 [hbm:s6], $0xF7A  }
0x23: {  	s9 =	sor.u32 $0xD0000000, s2;
	s6 =	simm.s32 $0x108;
	_ =	swait.ge @!p0 [sflag:s8], $0x0  }
0x24: {  	s3 =	sadd.s32 $0x88, s3;
	s6 =	simm.s32 @!p1 $0x1082;
	[sflag:s4] =	ssyncset.s32 $0xFFFFF086  }
0x25: {  	[simem:s6], [sflag:s4] =	dma.local [hbm:s3], $0xF7A  }
0x26: {  	[smem:$0x3F99] =	sst s1;
	(tag) =	ssettag s2;
	_ =	strace s9  }
0x27: {  	s1 =	sld [smem:$0x3FA9]  }
0x28: {  	s2 =	sld [smem:$0x3FAA]  }
0x29: {  	s4 =	sld [smem:$0x3FAC]  }
0x2a: {  	p0 =	seq.s32 s5, $0x0;
	s5 =	sld [smem:$0x3FAD]  }
0x2b: {  	s6 =	sld [smem:$0x3FAE]  }
0x2c: {  	s7 =	sld [smem:$0x3FAF]  }
0x2d: {  	s3 =	simm.s32 $0x108;
	s8 =	sld [smem:$0x3FB0]  }
0x2e: {  	s3 =	simm.s32 @!p0 $0x1082;
	s9 =	sld [smem:$0x3FB1]  }
0x2f: {  	lr =	sadd.s32 s0, s3;
	s0 =	sld [smem:$0x3FA8]  }
0x30: {  	s3 =	sld [smem:$0x3FAB]  }
0x31: {  	[smem:$0x3FB4] =	sst s10  }
0x32: {  	s10 =	sld [smem:$0x3FB2];
	_ =	sdelay $0x3  }
0x33: {  	p0 =	seq.s32 s10, $0x1;
	s10 =	sld [smem:$0x3FB4];
	_ =	sdelay $0x3  }
0x34: {  	[smem:$0x3FB4] =	sst s10  }
0x35: {  	s10 =	sld [smem:$0x3FB3];
	_ =	sdelay $0x3  }
0x36: {  	p1 =	seq.s32 s10, $0x1;
	s10 =	sld [smem:$0x3FB4];
	_ =	sdelay $0x3  }
0x37: {  	[smem:$0x3FB4] =	sst s10  }
0x38: {  	s10 =	sld [smem:$0x3FB5]  }
0x39: {  	_ = 	snop;
	(pc) =	sbr.ind lr, $3  }
0x3a: {  	_ = 	snop  }
0x3b: {  	_ = 	snop  }
0x3c: {  	p2 =	seq.s32 s10, $0x1;
	s10 =	sld [smem:$0x3FB4]  }
0x3d: {  	_ =	shalt  }
0x3e: {  	_ =	shalt  }
0x3f: {  	_ =	shalt  }
0x40: {  	_ =	shalt  }
0x41: {  	_ =	shalt  }
0x42: {  	_ =	shalt  }
0x43: {  	_ =	shalt  }
0x44: {  	_ =	shalt  }
0x45: {  	_ =	shalt  }
0x46: {  	_ =	shalt  }
0x47: {  	_ =	shalt  }
0x48: {  	_ =	shalt  }
0x49: {  	_ =	shalt  }
0x4a: {  	_ =	shalt  }
0x4b: {  	_ =	shalt  }
0x4c: {  	_ =	shalt  }
0x4d: {  	_ =	shalt  }
0x4e: {  	_ =	shalt  }
0x4f: {  	_ =	shalt  }
0x50: {  	_ =	shalt  }
0x51: {  	_ =	shalt  }
0x52: {  	_ =	shalt  }
0x53: {  	_ =	shalt  }
0x54: {  	_ =	shalt  }
0x55: {  	_ =	shalt  }
0x56: {  	_ =	shalt  }
0x57: {  	_ =	shalt  }
0x58: {  	_ =	shalt  }
0x59: {  	_ =	shalt  }
0x5a: {  	_ =	shalt  }
0x5b: {  	_ =	shalt  }
0x5c: {  	_ =	shalt  }
0x5d: {  	_ =	shalt  }
0x5e: {  	_ =	shalt  }
0x5f: {  	_ =	shalt  }
0x60: {  	_ =	shalt  }
0x61: {  	_ =	shalt  }
0x62: {  	_ =	shalt  }
0x63: {  	_ =	shalt  }
0x64: {  	_ =	shalt  }
0x65: {  	_ =	shalt  }
0x66: {  	_ =	shalt  }
0x67: {  	_ =	shalt  }
0x68: {  	_ =	shalt  }
0x69: {  	_ =	shalt  }
0x6a: {  	_ =	shalt  }
0x6b: {  	_ =	shalt  }
0x6c: {  	_ =	shalt  }
0x6d: {  	_ =	shalt  }
0x6e: {  	_ =	shalt  }
0x6f: {  	_ =	shalt  }
0x70: {  	_ =	shalt  }
0x71: {  	_ =	shalt  }
0x72: {  	_ =	shalt  }
0x73: {  	_ =	shalt  }
0x74: {  	_ =	shalt  }
0x75: {  	_ =	shalt  }
0x76: {  	_ =	shalt  }
0x77: {  	_ =	shalt  }
0x78: {  	_ =	shalt  }
0x79: {  	_ =	shalt  }
0x7a: {  	_ =	shalt  }
0x7b: {  	_ =	shalt  }
0x7c: {  	_ =	shalt  }
0x7d: {  	_ =	shalt  }
0x7e: {  	_ =	shalt  }
0x7f: {  	_ =	shalt  }
0x80: {  	_ =	shalt  }
0x81: {  	_ =	shalt  }
0x82: {  	_ =	shalt  }
0x83: {  	_ =	shalt  }
0x84: {  	_ =	shalt  }
0x85: {  	_ =	shalt  }
0x86: {  	_ =	shalt  }
0x87: {  	_ =	shalt  }
.Lfunc_end0:
.L_simem_size_0:
called_computation_lowered:
.L_overlay_start_0:
0x88: {  	s2 =	sld [smem:$0x3FD9]  }
0x89: {  	s3 =	sld [smem:$0x3FFE];
	_ =	sdelay $0x1  }
0x8a: {  	s1 =	srdreg.scid  }
0x8b: {  	s0 =	sand.u32 $0x1, s1  }
0x8c: {  	s17 =	sshll.u32 s0, $0xA;
	s2 =	sadd.s32 s3, s2  }
0x8d: {  	s2 =	sadd.s32 s2, s17  }
0x8e: {  	[smem:$0x3FC0] =	sst s2  }
0x8f: {  	_ = 	snop  }
0x90: {  	s2 =	sld [smem:$0x3FC9];
	(tm) =	ssettm $0x1  }
0x91: {  	s18 =	sld [smem:$0x3FFB];
	_ =	sdelay $0x3  }
0x92: {  	_ =	strace s18  }
0x93: {  	s3 =	sld [smem:$0x3FFC];
	_ =	sdelay $0x3  }
0x94: {  	_ =	strace s3  }
0x95: {  	s3 =	sld [smem:$0x3FFD];
	_ =	sdelay $0x3  }
0x96: {  	_ =	strace s3  }
0x97: {  	_ =	strace $0x8FFFFFFF  }
0x98: {  	s19 =	sld [smem:$0x3FDB];
	_ =	sdelay $0x1  }
0x99: {  	s4 =	simm.s32 $_scs_section_size  }
0x9a: {  	s5 =	simm.s32 $_size__tile_overlayer_lowered;
	s6 =	simm.s32 $_tile_overlayer_lowered  }
0x9b: {  	s22 =	simm.s32 $0x1BFF;
	s21 =	sshll.u32 s6, $0x1;
	s3 =	sadd.s32 s4, s19  }
0x9c: {  	s7 =	simm.s32 $0x0;
	s20 =	sshll.u32 s5, $0x1;
	s5 =	sadd.s32 s21, s3  }
0x9d: {  	[timem:s7], [sflag:s22] =	dma.local [hbm:s5], s20  }
0x9e: {  	_ =	swait.ge [sflag:s22], s20  }
0x9f: {  	s4 =	ssub.s32 $0x0, s20;
	[sflag:s22] =	ssyncset.done $0x0  }
0xa0: {  	[sflag:s22] =	ssyncadd.s32 s4;
	_ =	sdelay $0x1  }
0xa1: {  	s23 =	simm.s32 $0x1B8B  }
0xa2: {  	_ =	swait.ge [sflag:s23], $0x1  }
0xa3: {  	[sflag:s23] =	ssyncset.done $0x0  }
0xa4: {  	s25 =	simm.s32 $0x1B8E;
	s24 =	sld [smem:$0x3FFE];
	[sflag:s23] =	ssyncadd.s32 $0xFFFFFFFF  }
0xa5: {  	s26 =	simm.s32 $execute0_lowered;
	[smem:$0x3FD2] =	sst s25  }
0xa6: {  	s5 =	sshll.u32 s26, $0x1;
	_ =	strace $0x80000046;
	[dreg:$0x1] =	wrdreg $0xFFFFFFFF  }
0xa7: {  	s28 =	simm.s32 $_size_execute0_lowered;
	s3 =	sadd.s32 s3, s5;
	[dreg:$0x0] =	wrdreg $0x0  }
0xa8: {  	s5 =	sshll.u32 s28, $0x1;
	[dreg:$0x2] =	wrdreg s3  }
0xa9: {  	[dreg:$0x3] =	wrdreg s5  }
0xaa: {  	[dreg:$0x4] =	wrdreg $0xC0  }
0xab: {  	_ =	task [dreg:s7], $0x5FFFF  }
0xac: {  	[dreg:$0x1] =	wrdreg $0xFFFFFFFF  }
0xad: {  	[dreg:$0x0] =	wrdreg $0x60  }
0xae: {  	[dreg:$0x2] =	wrdreg s2  }
0xaf: {  	[dreg:$0x3] =	wrdreg s24  }
0xb0: {  	[dreg:$0x4] =	wrdreg $0xC6200  }
0xb1: {  	[dreg:$0x5] =	wrdreg $0x9  }
0xb2: {  	_ =	task.clear_ibuf [dreg:s7], $0x6FFFF;
	_ =	strace $0x90000046  }
0xb3: {  	s29 =	simm.s32 $0x9;
	_ =	strace $0x80000048  }
0xb4: {  	_ =	swait.ge [sflag:s29], $0x1  }
0xb5: {  	[sflag:s29] =	ssyncadd.s32 $0xFFFFFFFF  }
0xb6: {  	_ =	strace $0x90000048  }
0xb7: {  	_ =	sfence  }
0xb8: {  	s30 =	sld [smem:$0x0];
	_ =	sdelay $0x2  }
0xb9: {  	s31 =	sshll.u32 s1, $0xD;
	s1 =	sshrl.u32 s1, $0x2  }
0xba: {  	s3 =	sand.u32 $0x4000, s31;
	s1 =	sadd.s32 s1, s30  }
0xbb: {  	s0 =	sor.u32 s3, s0;
	s1 =	sshll.u32 s1, $0x11  }
0xbc: {  	s0 =	sor.u32 s1, s0  }
0xbd: {  	s0 =	sadd.s32 $0x8F2B, s0  }
0xbe: {  	[sflag:s0] =	ssyncadd.remote.s32 $0x1  }
0xbf: {  	_ =	sfence.sel $0xFFFF  }
0xc0: {  	[dreg:$0x0] =	wrdreg $0xFFFFFFFF;
	(pc) =	sbr.abs _section_cstart, $3  }
0xc1: {  	[dreg:$0x1] =	wrdreg $0xFFFFFFFF  }
0xc2: {  	_ =	task.clear_ibuf [dreg:s7], $0x2FFFF;
	_ =	strace $0x9FFFFFFF  }
0xc3: {  	(tm) =	ssettm $0x7FFFFFFF  }
tec
execute0_lowered:
.L_overlay_start_1:
0x0: {  	(tag) =	ssettag $0x1  }
0x1: {  	s2 =	rddreg [dreg:$0x0]  }
0x2: {  	s5 =	rddreg [dreg:$0x1]  }
0x3: {  	s3 =	rddreg [dreg:$0x2]  }
0x4: {  	s4 =	srdreg.scid;
	s0 =	stileid.u32  }
0x5: {  	s18 =	simm.s32 $0x4E20;
	s19 =	simm.s32 $0x4;
	s20 =	simm.s32 $0x1  }
0x6: {  	s21 =	simm.s32 $0x2;
	s22 =	simm.s32 $0x50;
	s23 =	simm.s32 $0x7620  }
0x7: {  	s24 =	simm.s32 $0x9E20;
	s25 =	simm.s32 $0x3;
	s26 =	simm.s32 $0x4D80  }
0x8: {  	s28 =	simm.s32 $0x4DD0;
	s29 =	simm.s32 $0x0;
	s7 =	smul.u32 $0x13880, s0  }
0x9: {  	s6 =	sand.u32 $0x1, s4;
	s4 =	simm.s32 $0x0;
	s10 =	smul.u32 $0x4E200, s0  }
0xa: {  	s8 =	sshll.u32 s0, $0x1;
	s9 =	smul.u32 $0x138800, s6;
	[smem:$0x7FF] =	sst s4  }
0xb: {  	s8 =	sor.u32 s6, s8;
	s6 =	ssub.s32 $0x2, s6;
	_ =	strace $0x80000047  }
0xc: {  	s8 =	smul.u32 $0x4E2, s8;
	s30 =	sshrl.u32 s6, $0x1;
	s31 =	sshrl.u32 s10, $0x2  }
0xd: {  	s9 =	sadd.s32 s7, s9;
	s16 =	ssub.s32 s6, s30;
	s7 =	sadd.s32 s7, s3  }
0xe: {  	s14 =	sadd.s32 s31, s3;
	s9 =	sshrl.u32 s9, $0x3;
	s8 =	sadd.s32 s8, s5  }
0xf: {  	s10 =	sadd.s32 $0x7800, s14;
	s11 =	sadd.s32 $0xA000, s14;
	s12 =	sadd.s32 $0xC800, s14  }
0x10: {  	s13 =	sadd.s32 $0xF000, s14;
	s16 =	smax.u32 s16, $0x1;
	s15 =	sadd.s32 s9, s5  }
0x11: {  	s5 =	sadd.s32 $0xB200, s8;
	s6 =	sadd.s32 $0x1400, s8;
	s8 =	sadd.s32 $0x2800, s14  }
0x12: {  	v0 =	vimm.f32 $0.0e+00;
	s9 =	sadd.s32 $0x5000, s14;
	s14 =	sadd.s32 $0x11800, s14;
	s15 =	sadd.s32 $0x15000, s15  }
.LBB2_1:
0x13: {  	[tilespmem:s4], [sflag:$0x1] =	stream.linear.gather [hbm4b:s5+s4], $0x2710, $0x38;
	[tilespmem:$0x1FEA0] =	vst v63  }
0x14: {  	s0 =	simm.s32 $0x2710;
	s30 =	simm.s32 $0x0;
	s31 =	simm.s32 $0x200  }
0x15: {  	[tilespmem:s0], [sflag:$0x2] =	stream.linear.gather [hbm4b:s6+s4], $0x2710, $0x38;
	[tilespmem:$0x1FEA0] =	vst v63  }
.LBB2_2:
0x16: {  	p0 =	sne.s32 s31, $0x9E00;
	[tilespmem:s30+$0x4E90] =	vst v0  }
0x17: {  	[tilespmem:s30+$0x4E20] =	vst v0  }
0x18: {  	[tilespmem:s30+$0x4E30] =	vst v0  }
.Ltmp0:
0x19: {  	[tilespmem:s30+$0x4E40] =	vst v0;
	(pc) =	sbr.rel @p0 .LBB2_2-.Ltmp0, $4  }
0x1a: {  	[tilespmem:s30+$0x4E50] =	vst v0  }
0x1b: {  	[tilespmem:s30+$0x4E60] =	vst v0  }
0x1c: {  	[tilespmem:s30+$0x4E70] =	vst v0  }
0x1d: {  	[tilespmem:s30+$0x4E80] =	vst v0;
	s30 =	sshra.s32 s31, $0x2;
	s31 =	sadd.s32 $0x200, s31  }
0x1e: {  	[tilespmem:s30+$0x4E90] =	vst v0  }
0x1f: {  	[tilespmem:s30+$0x4E20] =	vst v0  }
0x20: {  	[tilespmem:s30+$0x4E30] =	vst v0  }
0x21: {  	[tilespmem:s30+$0x4E40] =	vst v0  }
0x22: {  	[tilespmem:s30+$0x4E50] =	vst v0  }
0x23: {  	[tilespmem:s30+$0x4E60] =	vst v0  }
0x24: {  	[tilespmem:s30+$0x4E70] =	vst v0  }
0x25: {  	[tilespmem:s30+$0x4E80] =	vst v0  }
0x26: {  	[spmem:s7] =	stream.linear.scatter [tilespmem:s18], [sflag:$0x4], $0x2800, $0x38;
	[tilespmem:$0x1FEA0] =	vst v63  }
0x27: {  	_ =	swait.ge [sflag:s19], $0x2800  }
0x28: {  	[sflag:s19] =	ssyncset.done $0x0  }
0x29: {  	[sflag:s19] =	ssyncadd.s32 $0xFFFFD800  }
0x2a: {  	[spmem:s8] =	stream.linear.scatter [tilespmem:s18], [sflag:$0x4], $0x2800, $0x38;
	[tilespmem:$0x1FEA0] =	vst v63  }
0x2b: {  	_ =	swait.ge [sflag:s19], $0x2800  }
0x2c: {  	[sflag:s19] =	ssyncset.done $0x0  }
0x2d: {  	[sflag:s19] =	ssyncadd.s32 $0xFFFFD800  }
0x2e: {  	[spmem:s9] =	stream.linear.scatter [tilespmem:s18], [sflag:$0x4], $0x2800, $0x38;
	[tilespmem:$0x1FEA0] =	vst v63  }
0x2f: {  	_ =	swait.ge [sflag:s19], $0x2800  }
0x30: {  	[sflag:s19] =	ssyncset.done $0x0  }
0x31: {  	[sflag:s19] =	ssyncadd.s32 $0xFFFFD800  }
0x32: {  	[spmem:s10] =	stream.linear.scatter [tilespmem:s18], [sflag:$0x4], $0x2800, $0x38;
	[tilespmem:$0x1FEA0] =	vst v63  }
0x33: {  	_ =	swait.ge [sflag:s19], $0x2800  }
0x34: {  	[sflag:s19] =	ssyncset.done $0x0  }
0x35: {  	[sflag:s19] =	ssyncadd.s32 $0xFFFFD800  }
0x36: {  	[spmem:s11] =	stream.linear.scatter [tilespmem:s18], [sflag:$0x4], $0x2800, $0x38;
	[tilespmem:$0x1FEA0] =	vst v63  }
0x37: {  	_ =	swait.ge [sflag:s19], $0x2800  }
0x38: {  	[sflag:s19] =	ssyncset.done $0x0  }
0x39: {  	[sflag:s19] =	ssyncadd.s32 $0xFFFFD800  }
0x3a: {  	[spmem:s12] =	stream.linear.scatter [tilespmem:s18], [sflag:$0x4], $0x2800, $0x38;
	[tilespmem:$0x1FEA0] =	vst v63  }
0x3b: {  	_ =	swait.ge [sflag:s19], $0x2800  }
0x3c: {  	[sflag:s19] =	ssyncset.done $0x0  }
0x3d: {  	[sflag:s19] =	ssyncadd.s32 $0xFFFFD800  }
0x3e: {  	[spmem:s13] =	stream.linear.scatter [tilespmem:s18], [sflag:$0x4], $0x2800, $0x38;
	[tilespmem:$0x1FEA0] =	vst v63  }
0x3f: {  	_ =	swait.ge [sflag:s19], $0x2800  }
0x40: {  	[sflag:s19] =	ssyncset.done $0x0  }
0x41: {  	[sflag:s19] =	ssyncadd.s32 $0xFFFFD800  }
0x42: {  	[spmem:s14] =	stream.linear.scatter [tilespmem:s18], [sflag:$0x4], $0x2080, $0x38;
	[tilespmem:$0x1FEA0] =	vst v63  }
0x43: {  	_ =	swait.ge [sflag:s19], $0x2080  }
0x44: {  	[sflag:s19] =	ssyncset.done $0x0  }
0x45: {  	[sflag:s19] =	ssyncadd.s32 $0xFFFFDF80  }
0x46: {  	_ =	swait.ge [sflag:s20], $0x2710  }
0x47: {  	[sflag:s20] =	ssyncset.done $0x0  }
0x48: {  	[sflag:s20] =	ssyncadd.s32 $0xFFFFD8F0  }
0x49: {  	_ =	swait.ge [sflag:s21], $0x2710  }
0x4a: {  	[sflag:s21] =	ssyncset.done $0x0  }
0x4b: {  	[sflag:s21] =	ssyncadd.s32 $0xFFFFD8F0  }
0x4c: {  	s30 =	simm.s32 $0x0;
	[bflag:$0x0] =	sbarrier.arrive $0xFFFF  }
0x4d: {  	[tilespmem:s18], [sflag:$0x1] =	stream.indirect.gather [hbm4b:s2+s22], $0x80, s30, s22, $0xb8;
	[tilespmem:$0x1FEA0] =	vst v63  }
0x4e: {  	_ = 	snop  }
0x4f: {  	[tilespmem:s23], [sflag:$0x2] =	stream.indirect.gather [hbm4b:s2+s22], $0x80, s22, s22, $0xb8;
	[tilespmem:$0x1FEA0] =	vst v63  }
0x50: {  	s30 =	simm.s32 $0xA0  }
0x51: {  	[tilespmem:s24], [sflag:$0x3] =	stream.indirect.gather [hbm4b:s2+s22], $0x80, s30, s22, $0xb8;
	[tilespmem:$0x1FEA0] =	vst v63  }
0x52: {  	_ =	swait.ge [sflag:s20], $0x2800  }
0x53: {  	[sflag:s20] =	ssyncset.done $0x0  }
0x54: {  	s30 =	simm.s32 $0x2710;
	[sflag:s20] =	ssyncadd.s32 $0xFFFFD800  }
0x55: {  	[spmem:s3] =	stream.indirect.scatter.add.f32 [tilespmem:s18], [sflag:$0x4], $0x80, s30, s22, $0xb8;
	[tilespmem:$0x1FEA0] =	vst v63  }
0x56: {  	_ =	swait.ge [sflag:s19], $0x2800  }
0x57: {  	[sflag:s19] =	ssyncset.done $0x0  }
0x58: {  	s30 =	simm.s32 $0xF0;
	[sflag:s19] =	ssyncadd.s32 $0xFFFFD800  }
0x59: {  	[tilespmem:s18], [sflag:$0x1] =	stream.indirect.gather [hbm4b:s2+s22], $0x80, s30, s22, $0xb8;
	[tilespmem:$0x1FEA0] =	vst v63  }
0x5a: {  	_ =	swait.ge [sflag:s21], $0x2800  }
0x5b: {  	[sflag:s21] =	ssyncset.done $0x0  }
0x5c: {  	s30 =	simm.s32 $0x2760;
	[sflag:s21] =	ssyncadd.s32 $0xFFFFD800  }
0x5d: {  	[spmem:s3] =	stream.indirect.scatter.add.f32 [tilespmem:s23], [sflag:$0x4], $0x80, s30, s22, $0xb8;
	[tilespmem:$0x1FEA0] =	vst v63  }
0x5e: {  	_ =	swait.ge [sflag:s19], $0x2800  }
0x5f: {  	[sflag:s19] =	ssyncset.done $0x0  }
0x60: {  	s30 =	simm.s32 $0x140;
	[sflag:s19] =	ssyncadd.s32 $0xFFFFD800  }
0x61: {  	[tilespmem:s23], [sflag:$0x2] =	stream.indirect.gather [hbm4b:s2+s22], $0x80, s30, s22, $0xb8;
	[tilespmem:$0x1FEA0] =	vst v63  }
0x62: {  	_ =	swait.ge [sflag:s25], $0x2800  }
0x63: {  	[sflag:s25] =	ssyncset.done $0x0  }
0x64: {  	s30 =	simm.s32 $0x27B0;
	[sflag:s25] =	ssyncadd.s32 $0xFFFFD800  }
0x65: {  	[spmem:s3] =	stream.indirect.scatter.add.f32 [tilespmem:s24], [sflag:$0x4], $0x80, s30, s22, $0xb8;
	[tilespmem:$0x1FEA0] =	vst v63  }
0x66: {  	_ =	swait.ge [sflag:s19], $0x2800  }
0x67: {  	s31 =	simm.s32 $0x780;
	s30 =	simm.s32 $0xF0;
	[sflag:s19] =	ssyncset.done $0x0  }
.LBB2_4:
0x68: {  	s0 =	sadd.s32 $0xA0, s30  }
0x69: {  	[sflag:s19] =	ssyncadd.s32 $0xFFFFD800;
	s1 =	smov.u32 s31;
	s17 =	sadd.s32 $0x3C0, s31  }
0x6a: {  	[tilespmem:s24], [sflag:$0x3] =	stream.indirect.gather [hbm4b:s2+s22], $0x80, s0, s22, $0xb8;
	[tilespmem:$0x1FEA0] =	vst v63  }
0x6b: {  	p0 =	sne.s32 s31, $0x9600;
	_ =	swait.ge [sflag:s20], $0x2800  }
0x6c: {  	[sflag:s20] =	ssyncset.done $0x0  }
0x6d: {  	s0 =	sadd.s32 $0x2710, s30;
	[sflag:s20] =	ssyncadd.s32 $0xFFFFD800  }
0x6e: {  	[spmem:s3] =	stream.indirect.scatter.add.f32 [tilespmem:s18], [sflag:$0x4], $0x80, s0, s22, $0xb8;
	[tilespmem:$0x1FEA0] =	vst v63  }
0x6f: {  	_ =	swait.ge [sflag:s19], $0x2800  }
0x70: {  	[sflag:s19] =	ssyncset.done $0x0  }
0x71: {  	s0 =	sadd.s32 $0xF0, s30;
	[sflag:s19] =	ssyncadd.s32 $0xFFFFD800  }
0x72: {  	[tilespmem:s18], [sflag:$0x1] =	stream.indirect.gather [hbm4b:s2+s22], $0x80, s0, s22, $0xb8;
	[tilespmem:$0x1FEA0] =	vst v63  }
0x73: {  	_ =	swait.ge [sflag:s21], $0x2800  }
0x74: {  	[sflag:s21] =	ssyncset.done $0x0  }
0x75: {  	s0 =	sadd.s32 $0x2760, s30;
	[sflag:s21] =	ssyncadd.s32 $0xFFFFD800  }
0x76: {  	[spmem:s3] =	stream.indirect.scatter.add.f32 [tilespmem:s23], [sflag:$0x4], $0x80, s0, s22, $0xb8;
	[tilespmem:$0x1FEA0] =	vst v63  }
0x77: {  	_ =	swait.ge [sflag:s19], $0x2800  }
0x78: {  	[sflag:s19] =	ssyncset.done $0x0  }
0x79: {  	s0 =	sadd.s32 $0x140, s30;
	[sflag:s19] =	ssyncadd.s32 $0xFFFFD800  }
0x7a: {  	[tilespmem:s23], [sflag:$0x2] =	stream.indirect.gather [hbm4b:s2+s22], $0x80, s0, s22, $0xb8;
	[tilespmem:$0x1FEA0] =	vst v63  }
0x7b: {  	_ =	swait.ge [sflag:s25], $0x2800  }
.Ltmp1:
0x7c: {  	[sflag:s25] =	ssyncset.done $0x0;
	(pc) =	sbr.rel @p0 .LBB2_4-.Ltmp1, $4  }
0x7d: {  	s0 =	sadd.s32 $0x27B0, s30;
	[sflag:s25] =	ssyncadd.s32 $0xFFFFD800  }
0x7e: {  	[spmem:s3] =	stream.indirect.scatter.add.f32 [tilespmem:s24], [sflag:$0x4], $0x80, s0, s22, $0xb8;
	[tilespmem:$0x1FEA0] =	vst v63  }
0x7f: {  	_ =	swait.ge [sflag:s19], $0x2800  }
0x80: {  	s31 =	smov.u32 s17;
	s30 =	sshra.s32 s1, $0x2;
	[sflag:s19] =	ssyncset.done $0x0  }
0x81: {  	s0 =	sadd.s32 $0xA0, s30;
	[sflag:s19] =	ssyncadd.s32 $0xFFFFD800  }
0x82: {  	[tilespmem:s24], [sflag:$0x3] =	stream.indirect.gather [hbm4b:s2+s22], $0x80, s0, s22, $0xb8;
	[tilespmem:$0x1FEA0] =	vst v63  }
0x83: {  	_ =	swait.ge [sflag:s20], $0x2800  }
0x84: {  	[sflag:s20] =	ssyncset.done $0x0  }
0x85: {  	s17 =	sadd.s32 $0x2710, s30;
	[sflag:s20] =	ssyncadd.s32 $0xFFFFD800  }
0x86: {  	[spmem:s3] =	stream.indirect.scatter.add.f32 [tilespmem:s18], [sflag:$0x4], $0x80, s17, s22, $0xb8;
	[tilespmem:$0x1FEA0] =	vst v63  }
0x87: {  	_ =	swait.ge [sflag:s19], $0x2800  }
0x88: {  	[sflag:s19] =	ssyncset.done $0x0  }
0x89: {  	s31 =	sadd.s32 $0xF0, s30;
	[sflag:s19] =	ssyncadd.s32 $0xFFFFD800  }
0x8a: {  	[tilespmem:s18], [sflag:$0x1] =	stream.indirect.gather [hbm4b:s2+s22], $0x80, s31, s22, $0xb8;
	[tilespmem:$0x1FEA0] =	vst v63  }
0x8b: {  	_ =	swait.ge [sflag:s21], $0x2800  }
0x8c: {  	[sflag:s21] =	ssyncset.done $0x0  }
0x8d: {  	s1 =	sadd.s32 $0x2760, s30;
	[sflag:s21] =	ssyncadd.s32 $0xFFFFD800  }
0x8e: {  	[spmem:s3] =	stream.indirect.scatter.add.f32 [tilespmem:s23], [sflag:$0x4], $0x80, s1, s22, $0xb8;
	[tilespmem:$0x1FEA0] =	vst v63  }
0x8f: {  	_ =	swait.ge [sflag:s19], $0x2800  }
0x90: {  	[sflag:s19] =	ssyncset.done $0x0  }
0x91: {  	s17 =	sadd.s32 $0x140, s30;
	[sflag:s19] =	ssyncadd.s32 $0xFFFFD800  }
0x92: {  	[tilespmem:s23], [sflag:$0x2] =	stream.indirect.gather [hbm4b:s2+s22], $0x80, s17, s22, $0xb8;
	[tilespmem:$0x1FEA0] =	vst v63  }
0x93: {  	_ =	swait.ge [sflag:s25], $0x2800  }
0x94: {  	[sflag:s25] =	ssyncset.done $0x0  }
0x95: {  	s30 =	sadd.s32 $0x27B0, s30;
	[sflag:s25] =	ssyncadd.s32 $0xFFFFD800  }
0x96: {  	[spmem:s3] =	stream.indirect.scatter.add.f32 [tilespmem:s24], [sflag:$0x4], $0x80, s30, s22, $0xb8;
	[tilespmem:$0x1FEA0] =	vst v63  }
0x97: {  	_ =	swait.ge [sflag:s19], $0x2800  }
0x98: {  	[sflag:s19] =	ssyncset.done $0x0  }
0x99: {  	[sflag:s19] =	ssyncadd.s32 $0xFFFFD800  }
0x9a: {  	_ =	swait.ge [sflag:s20], $0x2800  }
0x9b: {  	[sflag:s20] =	ssyncset.done $0x0  }
0x9c: {  	[sflag:s20] =	ssyncadd.s32 $0xFFFFD800  }
0x9d: {  	[spmem:s3] =	stream.indirect.scatter.add.f32 [tilespmem:s18], [sflag:$0x4], $0x80, s26, s22, $0xb8;
	[tilespmem:$0x1FEA0] =	vst v63  }
0x9e: {  	_ =	swait.ge [sflag:s19], $0x2800  }
0x9f: {  	[sflag:s19] =	ssyncset.done $0x0  }
0xa0: {  	[sflag:s19] =	ssyncadd.s32 $0xFFFFD800  }
0xa1: {  	_ =	swait.ge [sflag:s21], $0x2800  }
0xa2: {  	[sflag:s21] =	ssyncset.done $0x0  }
0xa3: {  	[sflag:s21] =	ssyncadd.s32 $0xFFFFD800  }
0xa4: {  	[spmem:s3] =	stream.indirect.scatter.add.f32 [tilespmem:s23], [sflag:$0x4], $0x80, s28, s22, $0xb8;
	[tilespmem:$0x1FEA0] =	vst v63  }
0xa5: {  	s31 =	stileid.u32;
	_ =	swait.ge [sflag:s19], $0x2800  }
0xa6: {  	s29 =	sadd.s32 $0x1, s29;
	s0 =	sshll.u32 s31, $0x6;
	[sflag:s19] =	ssyncset.done $0x0  }
0xa7: {  	p0 =	sne.s32 s29, s16;
	s0 =	sor.u32 $0x1C04, s0;
	[sflag:s19] =	ssyncadd.s32 $0xFFFFD800  }
.Ltmp2:
0xa8: {  	s1 =	sshrl.u32 s7, $0x3;
	[bflag:$0x0] =	sbarrier.arrive $0xFFFF;
	(pc) =	sbr.rel @p0 .LBB2_1-.Ltmp2, $4  }
0xa9: {  	[hbm:s15], [sflag:s0] =	dma.local [spmem:s1], $0x2710  }
0xaa: {  	_ =	swait.ge [sflag:s19], $0x2710  }
0xab: {  	[sflag:s19] =	ssyncset.done $0x0  }
0xac: {  	[sflag:s19] =	ssyncadd.s32 $0xFFFFD8F0  }
0xad: {  	_ =	sfence.sel $0x180000  }
0xae: {  	[bflag:$0x0] =	sbarrier.arrive $0xFFFF  }
0xaf: {  	_ =	strace $0x90000047  }
0xb0: {  	s0 =	stileid.u32;
	[bflag:$0x2] =	sbarrier.arrive $0xFFFF  }
0xb1: {  	p0 =	sne.s32 s0, $0x0;
	s0 =	rddreg [dreg:$0x3]  }
0xb2: {  	s0 =	sadd.s32 @!p0 $0x100000, s0  }
0xb3: {  	[sflag:s0] =	ssyncadd.tile.s32 @!p0 $0x1;
	_ =	shalt  }
.Lfunc_end2:
_tile_overlayer_lowered:
.L_overlay_start_2:
0xb4: {  	(tag) =	ssettag $0x2  }
0xb5: {  	s0 =	rddreg [dreg:$0x0];
	s2 =	stileid.u32  }
0xb6: {  	s1 =	rddreg [dreg:$0x1];
	p0 =	sne.s32 s2, $0x0  }
0xb7: {  	s3 =	rddreg [dreg:$0x2];
	[bflag:$0x3] =	sbarrier.arrive $0xFFFF;
	s2 =	simm.s32 @!p0 $0x1C04  }
0xb8: {  	[timem:s3], [sflag:s2] =	dma.local @!p0 [hbm:s0], s1  }
0xb9: {  	s0 =	simm.s32 @!p0 $0x4  }
0xba: {  	_ =	swait.ge @!p0 [sflag:s0], s1  }
0xbb: {  	s1 =	ssub.s32 @!p0 $0x0, s1;
	[sflag:s0] =	ssyncset.done @!p0 $0x0  }
0xbc: {  	[sflag:s0] =	ssyncadd.s32 @!p0 s1  }
0xbd: {  	[bflag:$0x3] =	sbarrier.arrive $0xFFFF  }
0xbe: {  	_ =	shalt  }

// kernel: kernel.9.cloned.1.call-start
scs
__scs_entry_jumppad:
0x0: {  	(pc) =	sbr.rel $0x88, $3  }
0x1: {  	(tag) =	ssettag $0x0;
	lr =	simm.s32 $0x1  }
0x2: {  	[smem:$0x3F99] =	sst lr;
	_ =	strace $0xD0000000  }
0x3: {  	_ = 	snop  }
0x4: {  	_ = 	snop  }
0x5: {  	_ = 	snop  }
0x6: {  	_ = 	snop  }
0x7: {  	_ = 	snop  }
__scs_overlays_trampoline_lowered:
0x8: {  	[smem:$0x3FA8] =	sst s0  }
0x9: {  	[smem:$0x3FA9] =	sst s1  }
0xa: {  	[smem:$0x3FAA] =	sst s2  }
0xb: {  	[smem:$0x3FAB] =	sst s3  }
0xc: {  	[smem:$0x3FAC] =	sst s4  }
0xd: {  	[smem:$0x3FAD] =	sst s5  }
0xe: {  	[smem:$0x3FAE] =	sst s6  }
0xf: {  	[smem:$0x3FAF] =	sst s7  }
0x10: {  	[smem:$0x3FB0] =	sst s8  }
0x11: {  	[smem:$0x3FB1] =	sst s9;
	s0 =	simm.s32 @!p0 $0x0  }
0x12: {  	s1 =	sld [smem:$0x3F97];
	s0 =	simm.s32 @p0 $0x1  }
0x13: {  	[smem:$0x3FB2] =	sst s0;
	s0 =	simm.s32 @!p1 $0x0  }
0x14: {  	s2 =	sld [smem:$0x3F96];
	s0 =	simm.s32 @p1 $0x1  }
0x15: {  	[smem:$0x3FB3] =	sst s0;
	s0 =	simm.s32 @!p2 $0x0  }
0x16: {  	s3 =	sld [smem:$0x3FDB];
	s0 =	simm.s32 @p2 $0x1  }
0x17: {  	s4 =	simm.s32 $0x1BF5;
	[smem:$0x3FB5] =	sst s0  }
0x18: {  	s0 =	sld [smem:$0x3F98];
	_ =	swait.ge [sflag:s4], $0x0  }
0x19: {  	s7 =	sld [smem:$0x3F99]  }
0x1a: {  	s8 =	sadd.s32 $0xFFFFE003, lr  }
0x1b: {  	s9 =	sadd.s32 $0xFFFFFEF7, lr;
	s5 =	simm.s32 $0xFFFFFFFF;
	p2 =	slt.u32 s8, $0xFFFFF086  }
0x1c: {  	p1 =	slt.u32 s9, $0xF7A;
	s5 =	simm.s32 @!p2 $0x0  }
0x1d: {  	s5 =	simm.s32 @p1 $0x1;
	p0 =	seq.s32 s7, s2  }
0x1e: {  	s7 =	smul.u32 @!p0 $0xF7A, s2;
	p2 =	seq.s32 @!p0 s5, $0x0  }
0x1f: {  	s9 =	smul.u32 $0xF7A, s1;
	s8 =	simm.s32 @!p0 $0x1BF5;
	p2 =	por !p2, p0  }
0x20: {  	[sflag:s8] =	ssyncset.s32 @!p0 $0xFFFFF086;
	s6 =	sadd.s32 @!p0 s3, s7;
	s7 =	simm.s32 @!p0 $0x108  }
0x21: {  	s3 =	sadd.s32 s3, s9;
	s6 =	sadd.s32 @!p0 $0x88, s6;
	s7 =	simm.s32 @p2 $0x1082  }
0x22: {  	[simem:s7], [sflag:s8] =	dma.local @!p0 [hbm:s6], $0xF7A  }
0x23: {  	s9 =	sor.u32 $0xD0000000, s2;
	s6 =	simm.s32 $0x108;
	_ =	swait.ge @!p0 [sflag:s8], $0x0  }
0x24: {  	s3 =	sadd.s32 $0x88, s3;
	s6 =	simm.s32 @!p1 $0x1082;
	[sflag:s4] =	ssyncset.s32 $0xFFFFF086  }
0x25: {  	[simem:s6], [sflag:s4] =	dma.local [hbm:s3], $0xF7A  }
0x26: {  	[smem:$0x3F99] =	sst s1;
	(tag) =	ssettag s2;
	_ =	strace s9  }
0x27: {  	s1 =	sld [smem:$0x3FA9]  }
0x28: {  	s2 =	sld [smem:$0x3FAA]  }
0x29: {  	s4 =	sld [smem:$0x3FAC]  }
0x2a: {  	p0 =	seq.s32 s5, $0x0;
	s5 =	sld [smem:$0x3FAD]  }
0x2b: {  	s6 =	sld [smem:$0x3FAE]  }
0x2c: {  	s7 =	sld [smem:$0x3FAF]  }
0x2d: {  	s3 =	simm.s32 $0x108;
	s8 =	sld [smem:$0x3FB0]  }
0x2e: {  	s3 =	simm.s32 @!p0 $0x1082;
	s9 =	sld [smem:$0x3FB1]  }
0x2f: {  	lr =	sadd.s32 s0, s3;
	s0 =	sld [smem:$0x3FA8]  }
0x30: {  	s3 =	sld [smem:$0x3FAB]  }
0x31: {  	[smem:$0x3FB4] =	sst s10  }
0x32: {  	s10 =	sld [smem:$0x3FB2];
	_ =	sdelay $0x3  }
0x33: {  	p0 =	seq.s32 s10, $0x1;
	s10 =	sld [smem:$0x3FB4];
	_ =	sdelay $0x3  }
0x34: {  	[smem:$0x3FB4] =	sst s10  }
0x35: {  	s10 =	sld [smem:$0x3FB3];
	_ =	sdelay $0x3  }
0x36: {  	p1 =	seq.s32 s10, $0x1;
	s10 =	sld [smem:$0x3FB4];
	_ =	sdelay $0x3  }
0x37: {  	[smem:$0x3FB4] =	sst s10  }
0x38: {  	s10 =	sld [smem:$0x3FB5]  }
0x39: {  	_ = 	snop;
	(pc) =	sbr.ind lr, $3  }
0x3a: {  	_ = 	snop  }
0x3b: {  	_ = 	snop  }
0x3c: {  	p2 =	seq.s32 s10, $0x1;
	s10 =	sld [smem:$0x3FB4]  }
0x3d: {  	_ =	shalt  }
0x3e: {  	_ =	shalt  }
0x3f: {  	_ =	shalt  }
0x40: {  	_ =	shalt  }
0x41: {  	_ =	shalt  }
0x42: {  	_ =	shalt  }
0x43: {  	_ =	shalt  }
0x44: {  	_ =	shalt  }
0x45: {  	_ =	shalt  }
0x46: {  	_ =	shalt  }
0x47: {  	_ =	shalt  }
0x48: {  	_ =	shalt  }
0x49: {  	_ =	shalt  }
0x4a: {  	_ =	shalt  }
0x4b: {  	_ =	shalt  }
0x4c: {  	_ =	shalt  }
0x4d: {  	_ =	shalt  }
0x4e: {  	_ =	shalt  }
0x4f: {  	_ =	shalt  }
0x50: {  	_ =	shalt  }
0x51: {  	_ =	shalt  }
0x52: {  	_ =	shalt  }
0x53: {  	_ =	shalt  }
0x54: {  	_ =	shalt  }
0x55: {  	_ =	shalt  }
0x56: {  	_ =	shalt  }
0x57: {  	_ =	shalt  }
0x58: {  	_ =	shalt  }
0x59: {  	_ =	shalt  }
0x5a: {  	_ =	shalt  }
0x5b: {  	_ =	shalt  }
0x5c: {  	_ =	shalt  }
0x5d: {  	_ =	shalt  }
0x5e: {  	_ =	shalt  }
0x5f: {  	_ =	shalt  }
0x60: {  	_ =	shalt  }
0x61: {  	_ =	shalt  }
0x62: {  	_ =	shalt  }
0x63: {  	_ =	shalt  }
0x64: {  	_ =	shalt  }
0x65: {  	_ =	shalt  }
0x66: {  	_ =	shalt  }
0x67: {  	_ =	shalt  }
0x68: {  	_ =	shalt  }
0x69: {  	_ =	shalt  }
0x6a: {  	_ =	shalt  }
0x6b: {  	_ =	shalt  }
0x6c: {  	_ =	shalt  }
0x6d: {  	_ =	shalt  }
0x6e: {  	_ =	shalt  }
0x6f: {  	_ =	shalt  }
0x70: {  	_ =	shalt  }
0x71: {  	_ =	shalt  }
0x72: {  	_ =	shalt  }
0x73: {  	_ =	shalt  }
0x74: {  	_ =	shalt  }
0x75: {  	_ =	shalt  }
0x76: {  	_ =	shalt  }
0x77: {  	_ =	shalt  }
0x78: {  	_ =	shalt  }
0x79: {  	_ =	shalt  }
0x7a: {  	_ =	shalt  }
0x7b: {  	_ =	shalt  }
0x7c: {  	_ =	shalt  }
0x7d: {  	_ =	shalt  }
0x7e: {  	_ =	shalt  }
0x7f: {  	_ =	shalt  }
0x80: {  	_ =	shalt  }
0x81: {  	_ =	shalt  }
0x82: {  	_ =	shalt  }
0x83: {  	_ =	shalt  }
0x84: {  	_ =	shalt  }
0x85: {  	_ =	shalt  }
0x86: {  	_ =	shalt  }
0x87: {  	_ =	shalt  }
.Lfunc_end0:
.L_simem_size_0:
called_computation.1_lowered:
.L_overlay_start_0:
0x88: {  	s2 =	sld [smem:$0x3FD9]  }
0x89: {  	s3 =	sld [smem:$0x3FFE];
	_ =	sdelay $0x1  }
0x8a: {  	s1 =	srdreg.scid  }
0x8b: {  	s0 =	sand.u32 $0x1, s1  }
0x8c: {  	s16 =	sshll.u32 s0, $0xA;
	s2 =	sadd.s32 s3, s2  }
0x8d: {  	s2 =	sadd.s32 s2, s16  }
0x8e: {  	[smem:$0x3FC0] =	sst s2  }
0x8f: {  	_ = 	snop  }
0x90: {  	(tm) =	ssettm $0x1  }
0x91: {  	s17 =	sld [smem:$0x3FFB];
	_ =	sdelay $0x3  }
0x92: {  	_ =	strace s17  }
0x93: {  	s2 =	sld [smem:$0x3FFC];
	_ =	sdelay $0x3  }
0x94: {  	_ =	strace s2  }
0x95: {  	s2 =	sld [smem:$0x3FFD];
	_ =	sdelay $0x3  }
0x96: {  	_ =	strace s2  }
0x97: {  	_ =	strace $0x8FFFFFFF  }
0x98: {  	s18 =	sld [smem:$0x3FDB];
	_ =	sdelay $0x1  }
0x99: {  	s19 =	simm.s32 $_scs_section_size  }
0x9a: {  	s4 =	simm.s32 $_size__tile_overlayer_lowered;
	s5 =	simm.s32 $_tile_overlayer_lowered  }
0x9b: {  	s22 =	simm.s32 $0x1BFF;
	s21 =	sshll.u32 s5, $0x1;
	s2 =	sadd.s32 s19, s18  }
0x9c: {  	s6 =	simm.s32 $0x0;
	s20 =	sshll.u32 s4, $0x1;
	s4 =	sadd.s32 s21, s2  }
0x9d: {  	[timem:s6], [sflag:s22] =	dma.local [hbm:s4], s20  }
0x9e: {  	_ =	swait.ge [sflag:s22], s20  }
0x9f: {  	s3 =	ssub.s32 $0x0, s20;
	[sflag:s22] =	ssyncset.done $0x0  }
0xa0: {  	[sflag:s22] =	ssyncadd.s32 s3;
	_ =	sdelay $0x1  }
0xa1: {  	s23 =	simm.s32 $0x1B8B  }
0xa2: {  	_ =	swait.ge [sflag:s23], $0x1  }
0xa3: {  	[sflag:s23] =	ssyncset.done $0x0  }
0xa4: {  	s25 =	simm.s32 $0x1B8E;
	s24 =	sld [smem:$0x3FFE];
	[sflag:s23] =	ssyncadd.s32 $0xFFFFFFFF  }
0xa5: {  	s26 =	simm.s32 $execute0_lowered;
	[smem:$0x3FD2] =	sst s25  }
0xa6: {  	s4 =	sshll.u32 s26, $0x1;
	_ =	strace $0x80000049;
	[dreg:$0x1] =	wrdreg $0xFFFFFFFF  }
0xa7: {  	s28 =	simm.s32 $_size_execute0_lowered;
	s2 =	sadd.s32 s2, s4;
	[dreg:$0x0] =	wrdreg $0x0  }
0xa8: {  	s4 =	sshll.u32 s28, $0x1;
	[dreg:$0x2] =	wrdreg s2  }
0xa9: {  	[dreg:$0x3] =	wrdreg s4  }
0xaa: {  	[dreg:$0x4] =	wrdreg $0xC0  }
0xab: {  	_ =	task [dreg:s6], $0x5FFFF  }
0xac: {  	[dreg:$0x1] =	wrdreg $0xFFFFFFFF  }
0xad: {  	[dreg:$0x0] =	wrdreg $0x60  }
0xae: {  	[dreg:$0x2] =	wrdreg s24  }
0xaf: {  	[dreg:$0x3] =	wrdreg $0x9E200  }
0xb0: {  	[dreg:$0x4] =	wrdreg $0x9  }
0xb1: {  	_ =	task.clear_ibuf [dreg:s6], $0x5FFFF;
	_ =	strace $0x90000049  }
0xb2: {  	s29 =	simm.s32 $0x9;
	_ =	strace $0x8000004B  }
0xb3: {  	_ =	swait.ge [sflag:s29], $0x1  }
0xb4: {  	[sflag:s29] =	ssyncadd.s32 $0xFFFFFFFF  }
0xb5: {  	_ =	strace $0x9000004B  }
0xb6: {  	_ =	sfence  }
0xb7: {  	s30 =	sld [smem:$0x0];
	_ =	sdelay $0x2  }
0xb8: {  	s31 =	sshll.u32 s1, $0xD;
	s1 =	sshrl.u32 s1, $0x2  }
0xb9: {  	s3 =	sand.u32 $0x4000, s31;
	s1 =	sadd.s32 s1, s30  }
0xba: {  	s0 =	sor.u32 s3, s0;
	s1 =	sshll.u32 s1, $0x11  }
0xbb: {  	s0 =	sor.u32 s1, s0  }
0xbc: {  	s0 =	sadd.s32 $0x8F2B, s0  }
0xbd: {  	[sflag:s0] =	ssyncadd.remote.s32 $0x1  }
0xbe: {  	_ =	sfence.sel $0xFFFF  }
0xbf: {  	[dreg:$0x0] =	wrdreg $0xFFFFFFFF;
	(pc) =	sbr.abs _section_cstart, $3  }
0xc0: {  	[dreg:$0x1] =	wrdreg $0xFFFFFFFF  }
0xc1: {  	_ =	task.clear_ibuf [dreg:s6], $0x2FFFF;
	_ =	strace $0x9FFFFFFF  }
0xc2: {  	(tm) =	ssettm $0x7FFFFFFF  }
0xc3: {  	_ =	shalt  }
tec
execute0_lowered:
.L_overlay_start_1:
0x0: {  	(tag) =	ssettag $0x1  }
0x1: {  	s0 =	rddreg [dreg:$0x0]  }
0x2: {  	s2 =	rddreg [dreg:$0x1]  }
0x3: {  	s4 =	simm.s32 $0x0;
	s1 =	srdreg.scid;
	s7 =	stileid.u32  }
0x4: {  	s28 =	simm.s32 $0x6C20;
	s30 =	simm.s32 $0x7620;
	s29 =	simm.s32 $0x3  }
0x5: {  	s31 =	simm.s32 $0x4;
	s17 =	simm.s32 $0x5;
	s1 =	sand.u32 $0x1, s1  }
0x6: {  	s3 =	sshll.u32 s7, $0x1;
	s5 =	smul.u32 $0x4E20, s7;
	[smem:$0x7FF] =	sst s4  }
0x7: {  	s4 =	sadd.s32 $0x15000, s0;
	s7 =	smul.u32 $0x13880, s7;
	s3 =	sor.u32 s1, s3  }
0x8: {  	s6 =	smul.u32 $0x4E200, s1;
	_ =	strace $0x8000004A;
	s1 =	ssub.s32 $0x2, s1  }
0x9: {  	s3 =	smul.u32 $0x4E2, s3;
	s8 =	sshrl.u32 s1, $0x1;
	s18 =	sshrl.u32 s7, $0x2  }
0xa: {  	s7 =	sadd.s32 s5, s2;
	s6 =	sadd.s32 s5, s6;
	s20 =	sadd.s32 s18, s2  }
0xb: {  	s1 =	ssub.s32 s1, s8;
	s18 =	simm.s32 $0x4E20;
	s21 =	sadd.s32 $0xA00, s20  }
0xc: {  	s3 =	sadd.s32 s3, s0;
	s22 =	sadd.s32 $0x1400, s20;
	[dreg:$0x5] =	wrdreg s21  }
0xd: {  	s6 =	sshrl.u32 s6, $0x3;
	s23 =	sadd.s32 $0x1E00, s20;
	[dreg:$0x6] =	wrdreg s22  }
0xe: {  	s24 =	sadd.s32 $0x2800, s20;
	s25 =	sadd.s32 $0x3200, s20;
	[dreg:$0x7] =	wrdreg s23  }
0xf: {  	s26 =	sadd.s32 $0x3C00, s20;
	s16 =	smax.u32 s1, $0x1;
	[dreg:$0x8] =	wrdreg s24  }
0x10: {  	s1 =	simm.s32 $0x8;
	s0 =	sadd.s32 s6, s0;
	[dreg:$0x9] =	wrdreg s25  }
0x11: {  	s19 =	sadd.s32 $0xB200, s3;
	s3 =	sadd.s32 $0x1400, s3;
	[dreg:$0xa] =	wrdreg s26  }
0x12: {  	s21 =	simm.s32 $0x2;
	s22 =	simm.s32 $0x50;
	s23 =	simm.s32 $0x5820  }
0x13: {  	s25 =	simm.s32 $0x6220;
	s26 =	simm.s32 $0x9420;
	[dreg:$0x3] =	wrdreg s19  }
0x14: {  	s24 =	simm.s32 $0x6;
	[dreg:$0x4] =	wrdreg s3;
	s3 =	sadd.s32 $0x4600, s20  }
0x15: {  	s15 =	sadd.s32 $0x1EE00, s0;
	s19 =	simm.s32 $0x9;
	s20 =	simm.s32 $0x1  }
0x16: {  	v0 =	vimm.f32 $0.0e+00;
	s0 =	simm.s32 $0x8020;
	[dreg:$0xb] =	wrdreg s3;
	s3 =	simm.s32 $0x0  }
.LBB2_1:
0x17: {  	s5 =	simm.s32 $0x0;
	s6 =	rddreg [dreg:$0x3]  }
0x18: {  	[tilespmem:s5], [sflag:$0x1] =	stream.linear.gather [hbm4b:s6+s5], $0x2710, $0x38;
	[tilespmem:$0xEC40] =	vst v63  }
0x19: {  	s14 =	rddreg [dreg:$0x4];
	s8 =	simm.s32 $0x2710  }
0x1a: {  	[tilespmem:s8], [sflag:$0x2] =	stream.linear.gather [hbm4b:s14+s5], $0x2710, $0x38;
	[tilespmem:$0xEC40] =	vst v63  }
0x1b: {  	s6 =	simm.s32 $0x0;
	s5 =	simm.s32 $0x80  }
.LBB2_2:
0x1c: {  	p0 =	sne.s32 s5, $0x2780;
	[tilespmem:s6+$0x4E20] =	vst v0;
	s8 =	smov.u32 s5;
	s5 =	sadd.s32 $0x80, s5  }
.Ltmp0:
0x1d: {  	[tilespmem:s6+$0x4E30] =	vst v0;
	(pc) =	sbr.rel @p0 .LBB2_2-.Ltmp0, $2  }
0x1e: {  	_ =	sdelay $0x2  }
0x1f: {  	s6 =	sshra.s32 s8, $0x2  }
0x20: {  	[tilespmem:s6+$0x4E20] =	vst v0  }
0x21: {  	[tilespmem:s6+$0x4E30] =	vst v0  }
0x22: {  	[spmem:s7] =	stream.linear.scatter [tilespmem:s18], [sflag:$0x9], $0xA00, $0x38;
	[tilespmem:$0xEC40] =	vst v63  }
0x23: {  	_ =	swait.ge [sflag:s19], $0xA00  }
0x24: {  	[sflag:s19] =	ssyncset.done $0x0  }
0x25: {  	s5 =	rddreg [dreg:$0x5];
	[sflag:s19] =	ssyncadd.s32 $0xFFFFF600  }
0x26: {  	[spmem:s5] =	stream.linear.scatter [tilespmem:s18], [sflag:$0x9], $0xA00, $0x38;
	[tilespmem:$0xEC40] =	vst v63  }
0x27: {  	_ =	swait.ge [sflag:s19], $0xA00  }
0x28: {  	[sflag:s19] =	ssyncset.done $0x0  }
0x29: {  	s13 =	rddreg [dreg:$0x6];
	[sflag:s19] =	ssyncadd.s32 $0xFFFFF600  }
0x2a: {  	[spmem:s13] =	stream.linear.scatter [tilespmem:s18], [sflag:$0x9], $0xA00, $0x38;
	[tilespmem:$0xEC40] =	vst v63  }
0x2b: {  	_ =	swait.ge [sflag:s19], $0xA00  }
0x2c: {  	[sflag:s19] =	ssyncset.done $0x0  }
0x2d: {  	s14 =	rddreg [dreg:$0x7];
	[sflag:s19] =	ssyncadd.s32 $0xFFFFF600  }
0x2e: {  	[spmem:s14] =	stream.linear.scatter [tilespmem:s18], [sflag:$0x9], $0xA00, $0x38;
	[tilespmem:$0xEC40] =	vst v63  }
0x2f: {  	_ =	swait.ge [sflag:s19], $0xA00  }
0x30: {  	[sflag:s19] =	ssyncset.done $0x0  }
0x31: {  	s6 =	rddreg [dreg:$0x8];
	[sflag:s19] =	ssyncadd.s32 $0xFFFFF600  }
0x32: {  	[spmem:s6] =	stream.linear.scatter [tilespmem:s18], [sflag:$0x9], $0xA00, $0x38;
	[tilespmem:$0xEC40] =	vst v63  }
0x33: {  	_ =	swait.ge [sflag:s19], $0xA00  }
0x34: {  	[sflag:s19] =	ssyncset.done $0x0  }
0x35: {  	s8 =	rddreg [dreg:$0x9];
	[sflag:s19] =	ssyncadd.s32 $0xFFFFF600  }
0x36: {  	[spmem:s8] =	stream.linear.scatter [tilespmem:s18], [sflag:$0x9], $0xA00, $0x38;
	[tilespmem:$0xEC40] =	vst v63  }
0x37: {  	_ =	swait.ge [sflag:s19], $0xA00  }
0x38: {  	[sflag:s19] =	ssyncset.done $0x0  }
0x39: {  	s9 =	rddreg [dreg:$0xa];
	[sflag:s19] =	ssyncadd.s32 $0xFFFFF600  }
0x3a: {  	[spmem:s9] =	stream.linear.scatter [tilespmem:s18], [sflag:$0x9], $0xA00, $0x38;
	[tilespmem:$0xEC40] =	vst v63  }
0x3b: {  	_ =	swait.ge [sflag:s19], $0xA00  }
0x3c: {  	[sflag:s19] =	ssyncset.done $0x0  }
0x3d: {  	s10 =	rddreg [dreg:$0xb];
	[sflag:s19] =	ssyncadd.s32 $0xFFFFF600  }
0x3e: {  	[spmem:s10] =	stream.linear.scatter [tilespmem:s18], [sflag:$0x9], $0x820, $0x38;
	[tilespmem:$0xEC40] =	vst v63  }
0x3f: {  	_ =	swait.ge [sflag:s19], $0x820  }
0x40: {  	[sflag:s19] =	ssyncset.done $0x0  }
0x41: {  	[sflag:s19] =	ssyncadd.s32 $0xFFFFF7E0  }
0x42: {  	_ =	swait.ge [sflag:s20], $0x2710  }
0x43: {  	[sflag:s20] =	ssyncset.done $0x0  }
0x44: {  	[sflag:s20] =	ssyncadd.s32 $0xFFFFD8F0  }
0x45: {  	_ =	swait.ge [sflag:s21], $0x2710  }
0x46: {  	[sflag:s21] =	ssyncset.done $0x0  }
0x47: {  	[sflag:s21] =	ssyncadd.s32 $0xFFFFD8F0  }
0x48: {  	s11 =	simm.s32 $0x0;
	[bflag:$0x0] =	sbarrier.arrive $0xFFFF  }
0x49: {  	[tilespmem:s18], [sflag:$0x1] =	stream.indirect.gather [hbm4b:s4+s22], $0x20, s11, s22, $0xb8;
	[tilespmem:$0xEC40] =	vst v63  }
0x4a: {  	_ = 	snop  }
0x4b: {  	[tilespmem:s23], [sflag:$0x2] =	stream.indirect.gather [hbm4b:s4+s22], $0x20, s22, s22, $0xb8;
	[tilespmem:$0xEC40] =	vst v63  }
0x4c: {  	s12 =	simm.s32 $0xA0  }
0x4d: {  	[tilespmem:s25], [sflag:$0x3] =	stream.indirect.gather [hbm4b:s4+s22], $0x20, s12, s22, $0xb8;
	[tilespmem:$0xEC40] =	vst v63  }
0x4e: {  	s13 =	simm.s32 $0xF0  }
0x4f: {  	[tilespmem:s28], [sflag:$0x4] =	stream.indirect.gather [hbm4b:s4+s22], $0x20, s13, s22, $0xb8;
	[tilespmem:$0xEC40] =	vst v63  }
0x50: {  	s14 =	simm.s32 $0x140  }
0x51: {  	[tilespmem:s30], [sflag:$0x5] =	stream.indirect.gather [hbm4b:s4+s22], $0x20, s14, s22, $0xb8;
	[tilespmem:$0xEC40] =	vst v63  }
0x52: {  	s6 =	simm.s32 $0x190  }
0x53: {  	[tilespmem:s0], [sflag:$0x6] =	stream.indirect.gather [hbm4b:s4+s22], $0x20, s6, s22, $0xb8;
	[tilespmem:$0xEC40] =	vst v63  }
0x54: {  	s8 =	simm.s32 $0x1E0;
	s9 =	simm.s32 $0x8A20  }
0x55: {  	[tilespmem:s9], [sflag:$0x7] =	stream.indirect.gather [hbm4b:s4+s22], $0x20, s8, s22, $0xb8;
	[tilespmem:$0xEC40] =	vst v63  }
0x56: {  	s10 =	simm.s32 $0x230  }
0x57: {  	[tilespmem:s26], [sflag:$0x8] =	stream.indirect.gather [hbm4b:s4+s22], $0x20, s10, s22, $0xb8;
	[tilespmem:$0xEC40] =	vst v63  }
0x58: {  	_ =	swait.ge [sflag:s20], $0xA00  }
0x59: {  	[sflag:s20] =	ssyncset.done $0x0  }
0x5a: {  	s11 =	simm.s32 $0x2710;
	[sflag:s20] =	ssyncadd.s32 $0xFFFFF600  }
0x5b: {  	[spmem:s2] =	stream.indirect.scatter.add.f32 [tilespmem:s18], [sflag:$0x9], $0x20, s11, s22, $0xb8;
	[tilespmem:$0xEC40] =	vst v63  }
0x5c: {  	_ =	swait.ge [sflag:s19], $0xA00  }
0x5d: {  	[sflag:s19] =	ssyncset.done $0x0  }
0x5e: {  	s12 =	simm.s32 $0x280;
	[sflag:s19] =	ssyncadd.s32 $0xFFFFF600  }
0x5f: {  	[tilespmem:s18], [sflag:$0x1] =	stream.indirect.gather [hbm4b:s4+s22], $0x20, s12, s22, $0xb8;
	[tilespmem:$0xEC40] =	vst v63  }
0x60: {  	_ =	swait.ge [sflag:s21], $0xA00  }
0x61: {  	[sflag:s21] =	ssyncset.done $0x0  }
0x62: {  	s13 =	simm.s32 $0x2760;
	[sflag:s21] =	ssyncadd.s32 $0xFFFFF600  }
0x63: {  	[spmem:s2] =	stream.indirect.scatter.add.f32 [tilespmem:s23], [sflag:$0x9], $0x20, s13, s22, $0xb8;
	[tilespmem:$0xEC40] =	vst v63  }
0x64: {  	_ =	swait.ge [sflag:s19], $0xA00  }
0x65: {  	[sflag:s19] =	ssyncset.done $0x0  }
0x66: {  	s14 =	simm.s32 $0x2D0;
	[sflag:s19] =	ssyncadd.s32 $0xFFFFF600  }
0x67: {  	[tilespmem:s23], [sflag:$0x2] =	stream.indirect.gather [hbm4b:s4+s22], $0x20, s14, s22, $0xb8;
	[tilespmem:$0xEC40] =	vst v63  }
0x68: {  	_ =	swait.ge [sflag:s29], $0xA00  }
0x69: {  	[sflag:s29] =	ssyncset.done $0x0  }
0x6a: {  	s6 =	simm.s32 $0x27B0;
	[sflag:s29] =	ssyncadd.s32 $0xFFFFF600  }
0x6b: {  	[spmem:s2] =	stream.indirect.scatter.add.f32 [tilespmem:s25], [sflag:$0x9], $0x20, s6, s22, $0xb8;
	[tilespmem:$0xEC40] =	vst v63  }
0x6c: {  	_ =	swait.ge [sflag:s19], $0xA00  }
0x6d: {  	[sflag:s19] =	ssyncset.done $0x0  }
0x6e: {  	s8 =	simm.s32 $0x320;
	[sflag:s19] =	ssyncadd.s32 $0xFFFFF600  }
0x6f: {  	[tilespmem:s25], [sflag:$0x3] =	stream.indirect.gather [hbm4b:s4+s22], $0x20, s8, s22, $0xb8;
	[tilespmem:$0xEC40] =	vst v63  }
0x70: {  	_ =	swait.ge [sflag:s31], $0xA00  }
0x71: {  	[sflag:s31] =	ssyncset.done $0x0  }
0x72: {  	s9 =	simm.s32 $0x2800;
	[sflag:s31] =	ssyncadd.s32 $0xFFFFF600  }
0x73: {  	[spmem:s2] =	stream.indirect.scatter.add.f32 [tilespmem:s28], [sflag:$0x9], $0x20, s9, s22, $0xb8;
	[tilespmem:$0xEC40] =	vst v63  }
0x74: {  	_ =	swait.ge [sflag:s19], $0xA00  }
0x75: {  	[sflag:s19] =	ssyncset.done $0x0  }
0x76: {  	s10 =	simm.s32 $0x370;
	[sflag:s19] =	ssyncadd.s32 $0xFFFFF600  }
0x77: {  	[tilespmem:s28], [sflag:$0x4] =	stream.indirect.gather [hbm4b:s4+s22], $0x20, s10, s22, $0xb8;
	[tilespmem:$0xEC40] =	vst v63  }
0x78: {  	_ =	swait.ge [sflag:s17], $0xA00  }
0x79: {  	[sflag:s17] =	ssyncset.done $0x0  }
0x7a: {  	s11 =	simm.s32 $0x2850;
	[sflag:s17] =	ssyncadd.s32 $0xFFFFF600  }
0x7b: {  	[spmem:s2] =	stream.indirect.scatter.add.f32 [tilespmem:s30], [sflag:$0x9], $0x20, s11, s22, $0xb8;
	[tilespmem:$0xEC40] =	vst v63  }
0x7c: {  	_ =	swait.ge [sflag:s19], $0xA00  }
0x7d: {  	[sflag:s19] =	ssyncset.done $0x0  }
0x7e: {  	s12 =	simm.s32 $0x3C0;
	[sflag:s19] =	ssyncadd.s32 $0xFFFFF600  }
0x7f: {  	[tilespmem:s30], [sflag:$0x5] =	stream.indirect.gather [hbm4b:s4+s22], $0x20, s12, s22, $0xb8;
	[tilespmem:$0xEC40] =	vst v63  }
0x80: {  	_ =	swait.ge [sflag:s24], $0xA00  }
0x81: {  	[sflag:s24] =	ssyncset.done $0x0  }
0x82: {  	s13 =	simm.s32 $0x28A0;
	[sflag:s24] =	ssyncadd.s32 $0xFFFFF600  }
0x83: {  	[spmem:s2] =	stream.indirect.scatter.add.f32 [tilespmem:s0], [sflag:$0x9], $0x20, s13, s22, $0xb8;
	[tilespmem:$0xEC40] =	vst v63  }
0x84: {  	_ =	swait.ge [sflag:s19], $0xA00  }
0x85: {  	p0 =	por $0x0, $0x0;
	[sflag:s19] =	ssyncset.done $0x0  }
0x86: {  	s5 =	simm.s32 @p0 $0x7;
	[sflag:s19] =	ssyncadd.s32 $0xFFFFF600  }
0x87: {  	_ =	swait.ge @p0 [sflag:s5], $0xA00  }
0x88: {  	s6 =	simm.s32 @p0 $0x28F0;
	[sflag:s5] =	ssyncset.done @p0 $0x0  }
0x89: {  	s8 =	simm.s32 @p0 $0x8A20;
	[sflag:s5] =	ssyncadd.s32 @p0 $0xFFFFF600;
	s5 =	simm.s32 @p0 $0x50  }
0x8a: {  	[spmem:s2] =	stream.indirect.scatter.add.f32 @p0 [tilespmem:s8], [sflag:$0x9], $0x20, s6, s5, $0xb8;
	[tilespmem:$0xEC40] =	vst v63  }
0x8b: {  	s5 =	simm.s32 @p0 $0x9  }
0x8c: {  	_ =	swait.ge @p0 [sflag:s5], $0xA00  }
0x8d: {  	s6 =	simm.s32 @!p0 $0x410;
	[sflag:s5] =	ssyncset.done @p0 $0x0  }
0x8e: {  	s8 =	simm.s32 @!p0 $0x8020;
	[sflag:s5] =	ssyncadd.s32 @p0 $0xFFFFF600;
	s5 =	simm.s32 @!p0 $0x50  }
0x8f: {  	[tilespmem:s8], [sflag:$0x6] =	stream.indirect.gather @!p0 [hbm4b:s4+s5], $0x20, s6, s5, $0xb8;
	[tilespmem:$0xEC40] =	vst v63  }
0x90: {  	s6 =	simm.s32 @!p0 $0x7  }
0x91: {  	_ =	swait.ge @!p0 [sflag:s6], $0xA00  }
0x92: {  	[sflag:s6] =	ssyncset.done @!p0 $0x0  }
0x93: {  	s8 =	simm.s32 @!p0 $0x28F0;
	[sflag:s6] =	ssyncadd.s32 @!p0 $0xFFFFF600;
	s6 =	simm.s32 @!p0 $0x8A20  }
0x94: {  	[spmem:s2] =	stream.indirect.scatter.add.f32 @!p0 [tilespmem:s6], [sflag:$0x9], $0x20, s8, s5, $0xb8;
	[tilespmem:$0xEC40] =	vst v63  }
0x95: {  	s8 =	simm.s32 @!p0 $0x9  }
0x96: {  	_ =	swait.ge @!p0 [sflag:s8], $0xA00  }
0x97: {  	[sflag:s8] =	ssyncset.done @!p0 $0x0  }
0x98: {  	[sflag:s8] =	ssyncadd.s32 @!p0 $0xFFFFF600;
	s8 =	simm.s32 @!p0 $0x460  }
0x99: {  	[tilespmem:s6], [sflag:$0x7] =	stream.indirect.gather @!p0 [hbm4b:s4+s5], $0x20, s8, s5, $0xb8;
	[tilespmem:$0xEC40] =	vst v63  }
0x9a: {  	_ =	swait.ge [sflag:s1], $0xA00  }
0x9b: {  	[sflag:s1] =	ssyncset.done $0x0  }
0x9c: {  	s14 =	simm.s32 $0x2940;
	[sflag:s1] =	ssyncadd.s32 $0xFFFFF600  }
0x9d: {  	[spmem:s2] =	stream.indirect.scatter.add.f32 [tilespmem:s26], [sflag:$0x9], $0x20, s14, s22, $0xb8;
	[tilespmem:$0xEC40] =	vst v63  }
0x9e: {  	s6 =	simm.s32 $0xA00;
	_ =	swait.ge [sflag:s19], $0xA00  }
0x9f: {  	s8 =	simm.s32 $0x1400;
	s5 =	simm.s32 $0x280;
	[sflag:s19] =	ssyncset.done $0x0  }
.LBB2_4:
0xa0: {  	s10 =	sadd.s32 $0x230, s5  }
0xa1: {  	[sflag:s19] =	ssyncadd.s32 $0xFFFFF600;
	s9 =	smov.u32 s8;
	s8 =	sadd.s32 $0xA00, s8  }
0xa2: {  	[tilespmem:s26], [sflag:$0x8] =	stream.indirect.gather [hbm4b:s4+s22], $0x20, s10, s22, $0xb8;
	[tilespmem:$0xEC40] =	vst v63  }
0xa3: {  	p0 =	sne.s32 s8, $0x9600;
	_ =	swait.ge [sflag:s20], $0xA00  }
0xa4: {  	[sflag:s20] =	ssyncset.done $0x0  }
0xa5: {  	s10 =	sadd.s32 $0x2710, s5;
	[sflag:s20] =	ssyncadd.s32 $0xFFFFF600  }
0xa6: {  	[spmem:s2] =	stream.indirect.scatter.add.f32 [tilespmem:s18], [sflag:$0x9], $0x20, s10, s22, $0xb8;
	[tilespmem:$0xEC40] =	vst v63  }
0xa7: {  	_ =	swait.ge [sflag:s19], $0xA00  }
0xa8: {  	[sflag:s19] =	ssyncset.done $0x0  }
0xa9: {  	s10 =	sadd.s32 $0x280, s5;
	[sflag:s19] =	ssyncadd.s32 $0xFFFFF600  }
0xaa: {  	[tilespmem:s18], [sflag:$0x1] =	stream.indirect.gather [hbm4b:s4+s22], $0x20, s10, s22, $0xb8;
	[tilespmem:$0xEC40] =	vst v63  }
0xab: {  	_ =	swait.ge [sflag:s21], $0xA00  }
0xac: {  	[sflag:s21] =	ssyncset.done $0x0  }
0xad: {  	s10 =	sadd.s32 $0x2760, s5;
	[sflag:s21] =	ssyncadd.s32 $0xFFFFF600  }
0xae: {  	[spmem:s2] =	stream.indirect.scatter.add.f32 [tilespmem:s23], [sflag:$0x9], $0x20, s10, s22, $0xb8;
	[tilespmem:$0xEC40] =	vst v63  }
0xaf: {  	_ =	swait.ge [sflag:s19], $0xA00  }
0xb0: {  	[sflag:s19] =	ssyncset.done $0x0  }
0xb1: {  	s10 =	sadd.s32 $0x2D0, s5;
	[sflag:s19] =	ssyncadd.s32 $0xFFFFF600  }
0xb2: {  	[tilespmem:s23], [sflag:$0x2] =	stream.indirect.gather [hbm4b:s4+s22], $0x20, s10, s22, $0xb8;
	[tilespmem:$0xEC40] =	vst v63  }
0xb3: {  	_ =	swait.ge [sflag:s29], $0xA00  }
0xb4: {  	[sflag:s29] =	ssyncset.done $0x0  }
0xb5: {  	s10 =	sadd.s32 $0x27B0, s5;
	[sflag:s29] =	ssyncadd.s32 $0xFFFFF600  }
0xb6: {  	[spmem:s2] =	stream.indirect.scatter.add.f32 [tilespmem:s25], [sflag:$0x9], $0x20, s10, s22, $0xb8;
	[tilespmem:$0xEC40] =	vst v63  }
0xb7: {  	_ =	swait.ge [sflag:s19], $0xA00  }
0xb8: {  	[sflag:s19] =	ssyncset.done $0x0  }
0xb9: {  	s10 =	sadd.s32 $0x320, s5;
	[sflag:s19] =	ssyncadd.s32 $0xFFFFF600  }
0xba: {  	[tilespmem:s25], [sflag:$0x3] =	stream.indirect.gather [hbm4b:s4+s22], $0x20, s10, s22, $0xb8;
	[tilespmem:$0xEC40] =	vst v63  }
0xbb: {  	_ =	swait.ge [sflag:s31], $0xA00  }
0xbc: {  	[sflag:s31] =	ssyncset.done $0x0  }
0xbd: {  	s10 =	sadd.s32 $0x2800, s5;
	[sflag:s31] =	ssyncadd.s32 $0xFFFFF600  }
0xbe: {  	[spmem:s2] =	stream.indirect.scatter.add.f32 [tilespmem:s28], [sflag:$0x9], $0x20, s10, s22, $0xb8;
	[tilespmem:$0xEC40] =	vst v63  }
0xbf: {  	_ =	swait.ge [sflag:s19], $0xA00  }
0xc0: {  	[sflag:s19] =	ssyncset.done $0x0  }
0xc1: {  	s10 =	sadd.s32 $0x370, s5;
	[sflag:s19] =	ssyncadd.s32 $0xFFFFF600  }
0xc2: {  	[tilespmem:s28], [sflag:$0x4] =	stream.indirect.gather [hbm4b:s4+s22], $0x20, s10, s22, $0xb8;
	[tilespmem:$0xEC40] =	vst v63  }
0xc3: {  	_ =	swait.ge [sflag:s17], $0xA00  }
0xc4: {  	[sflag:s17] =	ssyncset.done $0x0  }
0xc5: {  	s10 =	sadd.s32 $0x2850, s5;
	[sflag:s17] =	ssyncadd.s32 $0xFFFFF600  }
0xc6: {  	[spmem:s2] =	stream.indirect.scatter.add.f32 [tilespmem:s30], [sflag:$0x9], $0x20, s10, s22, $0xb8;
	[tilespmem:$0xEC40] =	vst v63  }
0xc7: {  	_ =	swait.ge [sflag:s19], $0xA00  }
0xc8: {  	[sflag:s19] =	ssyncset.done $0x0  }
0xc9: {  	s10 =	sadd.s32 $0x3C0, s5;
	[sflag:s19] =	ssyncadd.s32 $0xFFFFF600  }
0xca: {  	[tilespmem:s30], [sflag:$0x5] =	stream.indirect.gather [hbm4b:s4+s22], $0x20, s10, s22, $0xb8;
	[tilespmem:$0xEC40] =	vst v63  }
0xcb: {  	_ =	swait.ge [sflag:s24], $0xA00  }
0xcc: {  	[sflag:s24] =	ssyncset.done $0x0  }
0xcd: {  	s10 =	sadd.s32 $0x28A0, s5;
	[sflag:s24] =	ssyncadd.s32 $0xFFFFF600  }
0xce: {  	[spmem:s2] =	stream.indirect.scatter.add.f32 [tilespmem:s0], [sflag:$0x9], $0x20, s10, s22, $0xb8;
	[tilespmem:$0xEC40] =	vst v63  }
0xcf: {  	_ =	swait.ge [sflag:s19], $0xA00  }
0xd0: {  	p1 =	seq.s32 s6, $0x8C00;
	[sflag:s19] =	ssyncset.done $0x0  }
0xd1: {  	s11 =	sshra.s32 @p1 s6, $0x2;
	s10 =	simm.s32 @p1 $0x7;
	[sflag:s19] =	ssyncadd.s32 $0xFFFFF600  }
0xd2: {  	s6 =	sshra.s32 @!p1 s6, $0x2;
	s11 =	sadd.s32 @p1 $0x28F0, s11;
	_ =	swait.ge @p1 [sflag:s10], $0xA00  }
0xd3: {  	s12 =	simm.s32 @p1 $0x9;
	s13 =	sadd.s32 @!p1 $0x410, s6;
	[sflag:s10] =	ssyncset.done @p1 $0x0  }
0xd4: {  	s14 =	simm.s32 @p1 $0x8A20;
	[sflag:s10] =	ssyncadd.s32 @p1 $0xFFFFF600;
	s10 =	simm.s32 @p1 $0x50  }
0xd5: {  	[spmem:s2] =	stream.indirect.scatter.add.f32 @p1 [tilespmem:s14], [sflag:$0x9], $0x20, s11, s10, $0xb8;
	[tilespmem:$0xEC40] =	vst v63  }
0xd6: {  	s10 =	sadd.s32 @!p1 $0x28F0, s6;
	s11 =	sadd.s32 @!p1 $0x460, s6;
	_ =	swait.ge @p1 [sflag:s12], $0xA00  }
0xd7: {  	s14 =	simm.s32 @!p1 $0x7;
	s6 =	smov.u32 s9;
	[sflag:s12] =	ssyncset.done @p1 $0x0  }
0xd8: {  	s9 =	simm.s32 @!p1 $0x50;
	[sflag:s12] =	ssyncadd.s32 @p1 $0xFFFFF600;
	s12 =	simm.s32 @!p1 $0x8020  }
0xd9: {  	[tilespmem:s12], [sflag:$0x6] =	stream.indirect.gather @!p1 [hbm4b:s4+s9], $0x20, s13, s9, $0xb8;
	[tilespmem:$0xEC40] =	vst v63  }
0xda: {  	_ =	swait.ge @!p1 [sflag:s14], $0xA00  }
0xdb: {  	[sflag:s14] =	ssyncset.done @!p1 $0x0  }
0xdc: {  	s12 =	simm.s32 @!p1 $0x8A20;
	s13 =	simm.s32 @!p1 $0x9;
	[sflag:s14] =	ssyncadd.s32 @!p1 $0xFFFFF600  }
0xdd: {  	[spmem:s2] =	stream.indirect.scatter.add.f32 @!p1 [tilespmem:s12], [sflag:$0x9], $0x20, s10, s9, $0xb8;
	[tilespmem:$0xEC40] =	vst v63  }
0xde: {  	_ =	swait.ge @!p1 [sflag:s13], $0xA00  }
0xdf: {  	[sflag:s13] =	ssyncset.done @!p1 $0x0  }
0xe0: {  	[sflag:s13] =	ssyncadd.s32 @!p1 $0xFFFFF600  }
0xe1: {  	[tilespmem:s12], [sflag:$0x7] =	stream.indirect.gather @!p1 [hbm4b:s4+s9], $0x20, s11, s9, $0xb8;
	[tilespmem:$0xEC40] =	vst v63  }
0xe2: {  	_ =	swait.ge [sflag:s1], $0xA00  }
.Ltmp1:
0xe3: {  	[sflag:s1] =	ssyncset.done $0x0;
	(pc) =	sbr.rel @p0 .LBB2_4-.Ltmp1, $4  }
0xe4: {  	s5 =	sadd.s32 $0x2940, s5;
	[sflag:s1] =	ssyncadd.s32 $0xFFFFF600  }
0xe5: {  	[spmem:s2] =	stream.indirect.scatter.add.f32 [tilespmem:s26], [sflag:$0x9], $0x20, s5, s22, $0xb8;
	[tilespmem:$0xEC40] =	vst v63  }
0xe6: {  	_ =	swait.ge [sflag:s19], $0xA00  }
0xe7: {  	s5 =	sshra.s32 s6, $0x2;
	[sflag:s19] =	ssyncset.done $0x0  }
0xe8: {  	s8 =	sadd.s32 $0x230, s5;
	[sflag:s19] =	ssyncadd.s32 $0xFFFFF600  }
0xe9: {  	[tilespmem:s26], [sflag:$0x8] =	stream.indirect.gather [hbm4b:s4+s22], $0x20, s8, s22, $0xb8;
	[tilespmem:$0xEC40] =	vst v63  }
0xea: {  	_ =	swait.ge [sflag:s20], $0xA00  }
0xeb: {  	[sflag:s20] =	ssyncset.done $0x0  }
0xec: {  	s10 =	sadd.s32 $0x2710, s5;
	[sflag:s20] =	ssyncadd.s32 $0xFFFFF600  }
0xed: {  	[spmem:s2] =	stream.indirect.scatter.add.f32 [tilespmem:s18], [sflag:$0x9], $0x20, s10, s22, $0xb8;
	[tilespmem:$0xEC40] =	vst v63  }
0xee: {  	_ =	swait.ge [sflag:s19], $0xA00  }
0xef: {  	[sflag:s19] =	ssyncset.done $0x0  }
0xf0: {  	s11 =	sadd.s32 $0x280, s5;
	[sflag:s19] =	ssyncadd.s32 $0xFFFFF600  }
0xf1: {  	[tilespmem:s18], [sflag:$0x1] =	stream.indirect.gather [hbm4b:s4+s22], $0x20, s11, s22, $0xb8;
	[tilespmem:$0xEC40] =	vst v63  }
0xf2: {  	_ =	swait.ge [sflag:s21], $0xA00  }
0xf3: {  	[sflag:s21] =	ssyncset.done $0x0  }
0xf4: {  	s12 =	sadd.s32 $0x2760, s5;
	[sflag:s21] =	ssyncadd.s32 $0xFFFFF600  }
0xf5: {  	[spmem:s2] =	stream.indirect.scatter.add.f32 [tilespmem:s23], [sflag:$0x9], $0x20, s12, s22, $0xb8;
	[tilespmem:$0xEC40] =	vst v63  }
0xf6: {  	_ =	swait.ge [sflag:s19], $0xA00  }
0xf7: {  	[sflag:s19] =	ssyncset.done $0x0  }
0xf8: {  	s13 =	sadd.s32 $0x2D0, s5;
	[sflag:s19] =	ssyncadd.s32 $0xFFFFF600  }
0xf9: {  	[tilespmem:s23], [sflag:$0x2] =	stream.indirect.gather [hbm4b:s4+s22], $0x20, s13, s22, $0xb8;
	[tilespmem:$0xEC40] =	vst v63  }
0xfa: {  	_ =	swait.ge [sflag:s29], $0xA00  }
0xfb: {  	[sflag:s29] =	ssyncset.done $0x0  }
0xfc: {  	s14 =	sadd.s32 $0x27B0, s5;
	[sflag:s29] =	ssyncadd.s32 $0xFFFFF600  }
0xfd: {  	[spmem:s2] =	stream.indirect.scatter.add.f32 [tilespmem:s25], [sflag:$0x9], $0x20, s14, s22, $0xb8;
	[tilespmem:$0xEC40] =	vst v63  }
0xfe: {  	_ =	swait.ge [sflag:s19], $0xA00  }
0xff: {  	[sflag:s19] =	ssyncset.done $0x0  }
0x100: {  	s9 =	sadd.s32 $0x320, s5;
	[sflag:s19] =	ssyncadd.s32 $0xFFFFF600  }
0x101: {  	[tilespmem:s25], [sflag:$0x3] =	stream.indirect.gather [hbm4b:s4+s22], $0x20, s9, s22, $0xb8;
	[tilespmem:$0xEC40] =	vst v63  }
0x102: {  	_ =	swait.ge [sflag:s31], $0xA00  }
0x103: {  	[sflag:s31] =	ssyncset.done $0x0  }
0x104: {  	s10 =	sadd.s32 $0x2800, s5;
	[sflag:s31] =	ssyncadd.s32 $0xFFFFF600  }
0x105: {  	[spmem:s2] =	stream.indirect.scatter.add.f32 [tilespmem:s28], [sflag:$0x9], $0x20, s10, s22, $0xb8;
	[tilespmem:$0xEC40] =	vst v63  }
0x106: {  	_ =	swait.ge [sflag:s19], $0xA00  }
0x107: {  	[sflag:s19] =	ssyncset.done $0x0  }
0x108: {  	s11 =	sadd.s32 $0x370, s5;
	[sflag:s19] =	ssyncadd.s32 $0xFFFFF600  }
0x109: {  	[tilespmem:s28], [sflag:$0x4] =	stream.indirect.gather [hbm4b:s4+s22], $0x20, s11, s22, $0xb8;
	[tilespmem:$0xEC40] =	vst v63  }
0x10a: {  	_ =	swait.ge [sflag:s17], $0xA00  }
0x10b: {  	[sflag:s17] =	ssyncset.done $0x0  }
0x10c: {  	s12 =	sadd.s32 $0x2850, s5;
	[sflag:s17] =	ssyncadd.s32 $0xFFFFF600  }
0x10d: {  	[spmem:s2] =	stream.indirect.scatter.add.f32 [tilespmem:s30], [sflag:$0x9], $0x20, s12, s22, $0xb8;
	[tilespmem:$0xEC40] =	vst v63  }
0x10e: {  	_ =	swait.ge [sflag:s19], $0xA00  }
0x10f: {  	[sflag:s19] =	ssyncset.done $0x0  }
0x110: {  	s13 =	sadd.s32 $0x3C0, s5;
	[sflag:s19] =	ssyncadd.s32 $0xFFFFF600  }
0x111: {  	[tilespmem:s30], [sflag:$0x5] =	stream.indirect.gather [hbm4b:s4+s22], $0x20, s13, s22, $0xb8;
	[tilespmem:$0xEC40] =	vst v63  }
0x112: {  	_ =	swait.ge [sflag:s24], $0xA00  }
0x113: {  	[sflag:s24] =	ssyncset.done $0x0  }
0x114: {  	s14 =	sadd.s32 $0x28A0, s5;
	[sflag:s24] =	ssyncadd.s32 $0xFFFFF600  }
0x115: {  	[spmem:s2] =	stream.indirect.scatter.add.f32 [tilespmem:s0], [sflag:$0x9], $0x20, s14, s22, $0xb8;
	[tilespmem:$0xEC40] =	vst v63  }
0x116: {  	_ =	swait.ge [sflag:s19], $0xA00  }
0x117: {  	p0 =	seq.s32 s6, $0x8C00;
	[sflag:s19] =	ssyncset.done $0x0  }
0x118: {  	s8 =	simm.s32 @p0 $0x7;
	[sflag:s19] =	ssyncadd.s32 $0xFFFFF600  }
0x119: {  	s9 =	sshra.s32 @p0 s6, $0x2;
	_ =	swait.ge @p0 [sflag:s8], $0xA00  }
0x11a: {  	s9 =	sadd.s32 @p0 $0x28F0, s9;
	[sflag:s8] =	ssyncset.done @p0 $0x0  }
0x11b: {  	s10 =	simm.s32 @p0 $0x8A20;
	[sflag:s8] =	ssyncadd.s32 @p0 $0xFFFFF600;
	s8 =	simm.s32 @p0 $0x50  }
0x11c: {  	[spmem:s2] =	stream.indirect.scatter.add.f32 @p0 [tilespmem:s10], [sflag:$0x9], $0x20, s9, s8, $0xb8;
	[tilespmem:$0xEC40] =	vst v63  }
0x11d: {  	s8 =	simm.s32 @p0 $0x9  }
0x11e: {  	s6 =	sshra.s32 @!p0 s6, $0x2;
	_ =	swait.ge @p0 [sflag:s8], $0xA00  }
0x11f: {  	s9 =	sadd.s32 @!p0 $0x410, s6;
	[sflag:s8] =	ssyncset.done @p0 $0x0  }
0x120: {  	s10 =	simm.s32 @!p0 $0x8020;
	[sflag:s8] =	ssyncadd.s32 @p0 $0xFFFFF600;
	s8 =	simm.s32 @!p0 $0x50  }
0x121: {  	[tilespmem:s10], [sflag:$0x6] =	stream.indirect.gather @!p0 [hbm4b:s4+s8], $0x20, s9, s8, $0xb8;
	[tilespmem:$0xEC40] =	vst v63  }
0x122: {  	s9 =	simm.s32 @!p0 $0x7  }
0x123: {  	_ =	swait.ge @!p0 [sflag:s9], $0xA00  }
0x124: {  	[sflag:s9] =	ssyncset.done @!p0 $0x0  }
0x125: {  	s10 =	sadd.s32 @!p0 $0x28F0, s6;
	[sflag:s9] =	ssyncadd.s32 @!p0 $0xFFFFF600;
	s9 =	simm.s32 @!p0 $0x8A20  }
0x126: {  	[spmem:s2] =	stream.indirect.scatter.add.f32 @!p0 [tilespmem:s9], [sflag:$0x9], $0x20, s10, s8, $0xb8;
	[tilespmem:$0xEC40] =	vst v63  }
0x127: {  	s10 =	simm.s32 @!p0 $0x9  }
0x128: {  	_ =	swait.ge @!p0 [sflag:s10], $0xA00  }
0x129: {  	[sflag:s10] =	ssyncset.done @!p0 $0x0  }
0x12a: {  	s6 =	sadd.s32 @!p0 $0x460, s6;
	[sflag:s10] =	ssyncadd.s32 @!p0 $0xFFFFF600  }
0x12b: {  	[tilespmem:s9], [sflag:$0x7] =	stream.indirect.gather @!p0 [hbm4b:s4+s8], $0x20, s6, s8, $0xb8;
	[tilespmem:$0xEC40] =	vst v63  }
0x12c: {  	_ =	swait.ge [sflag:s1], $0xA00  }
0x12d: {  	[sflag:s1] =	ssyncset.done $0x0  }
0x12e: {  	s6 =	sadd.s32 $0x2940, s5;
	[sflag:s1] =	ssyncadd.s32 $0xFFFFF600  }
0x12f: {  	[spmem:s2] =	stream.indirect.scatter.add.f32 [tilespmem:s26], [sflag:$0x9], $0x20, s6, s22, $0xb8;
	[tilespmem:$0xEC40] =	vst v63  }
0x130: {  	_ =	swait.ge [sflag:s19], $0xA00  }
0x131: {  	[sflag:s19] =	ssyncset.done $0x0  }
0x132: {  	[sflag:s19] =	ssyncadd.s32 $0xFFFFF600  }
0x133: {  	_ =	swait.ge [sflag:s20], $0xA00  }
0x134: {  	[sflag:s20] =	ssyncset.done $0x0  }
0x135: {  	s8 =	simm.s32 $0x4C90;
	[sflag:s20] =	ssyncadd.s32 $0xFFFFF600  }
0x136: {  	[spmem:s2] =	stream.indirect.scatter.add.f32 [tilespmem:s18], [sflag:$0x9], $0x20, s8, s22, $0xb8;
	[tilespmem:$0xEC40] =	vst v63  }
0x137: {  	_ =	swait.ge [sflag:s19], $0xA00  }
0x138: {  	[sflag:s19] =	ssyncset.done $0x0  }
0x139: {  	[sflag:s19] =	ssyncadd.s32 $0xFFFFF600  }
0x13a: {  	_ =	swait.ge [sflag:s21], $0xA00  }
0x13b: {  	[sflag:s21] =	ssyncset.done $0x0  }
0x13c: {  	s9 =	simm.s32 $0x4CE0;
	[sflag:s21] =	ssyncadd.s32 $0xFFFFF600  }
0x13d: {  	[spmem:s2] =	stream.indirect.scatter.add.f32 [tilespmem:s23], [sflag:$0x9], $0x20, s9, s22, $0xb8;
	[tilespmem:$0xEC40] =	vst v63  }
0x13e: {  	_ =	swait.ge [sflag:s19], $0xA00  }
0x13f: {  	[sflag:s19] =	ssyncset.done $0x0  }
0x140: {  	[sflag:s19] =	ssyncadd.s32 $0xFFFFF600  }
0x141: {  	_ =	swait.ge [sflag:s29], $0xA00  }
0x142: {  	[sflag:s29] =	ssyncset.done $0x0  }
0x143: {  	s10 =	simm.s32 $0x4D30;
	[sflag:s29] =	ssyncadd.s32 $0xFFFFF600  }
0x144: {  	[spmem:s2] =	stream.indirect.scatter.add.f32 [tilespmem:s25], [sflag:$0x9], $0x20, s10, s22, $0xb8;
	[tilespmem:$0xEC40] =	vst v63  }
0x145: {  	_ =	swait.ge [sflag:s19], $0xA00  }
0x146: {  	[sflag:s19] =	ssyncset.done $0x0  }
0x147: {  	[sflag:s19] =	ssyncadd.s32 $0xFFFFF600  }
0x148: {  	_ =	swait.ge [sflag:s31], $0xA00  }
0x149: {  	[sflag:s31] =	ssyncset.done $0x0  }
0x14a: {  	s11 =	simm.s32 $0x4D80;
	[sflag:s31] =	ssyncadd.s32 $0xFFFFF600  }
0x14b: {  	[spmem:s2] =	stream.indirect.scatter.add.f32 [tilespmem:s28], [sflag:$0x9], $0x20, s11, s22, $0xb8;
	[tilespmem:$0xEC40] =	vst v63  }
0x14c: {  	_ =	swait.ge [sflag:s19], $0xA00  }
0x14d: {  	[sflag:s19] =	ssyncset.done $0x0  }
0x14e: {  	[sflag:s19] =	ssyncadd.s32 $0xFFFFF600  }
0x14f: {  	_ =	swait.ge [sflag:s17], $0xA00  }
0x150: {  	[sflag:s17] =	ssyncset.done $0x0  }
0x151: {  	s12 =	simm.s32 $0x4DD0;
	[sflag:s17] =	ssyncadd.s32 $0xFFFFF600  }
0x152: {  	[spmem:s2] =	stream.indirect.scatter.add.f32 [tilespmem:s30], [sflag:$0x9], $0x20, s12, s22, $0xb8;
	[tilespmem:$0xEC40] =	vst v63  }
0x153: {  	s3 =	sadd.s32 $0x1, s3;
	_ =	swait.ge [sflag:s19], $0xA00  }
0x154: {  	s13 =	stileid.u32;
	s14 =	sshrl.u32 s7, $0x3;
	[sflag:s19] =	ssyncset.done $0x0  }
0x155: {  	s5 =	sshll.u32 s13, $0x6;
	p0 =	sne.s32 s3, s16;
	[sflag:s19] =	ssyncadd.s32 $0xFFFFF600  }
.Ltmp2:
0x156: {  	s5 =	sor.u32 $0x1C09, s5;
	[bflag:$0x0] =	sbarrier.arrive $0xFFFF;
	(pc) =	sbr.rel @p0 .LBB2_1-.Ltmp2, $4  }
0x157: {  	[hbm:s15], [sflag:s5] =	dma.local [spmem:s14], $0x9C4  }
0x158: {  	_ =	swait.ge [sflag:s19], $0x9C4  }
0x159: {  	[sflag:s19] =	ssyncset.done $0x0  }
0x15a: {  	[sflag:s19] =	ssyncadd.s32 $0xFFFFF63C  }
0x15b: {  	_ =	sfence.sel $0x180000  }
0x15c: {  	[bflag:$0x0] =	sbarrier.arrive $0xFFFF  }
0x15d: {  	_ =	strace $0x9000004A  }
0x15e: {  	s0 =	stileid.u32;
	[bflag:$0x2] =	sbarrier.arrive $0xFFFF  }
0x15f: {  	p0 =	sne.s32 s0, $0x0;
	s0 =	rddreg [dreg:$0x2]  }
0x160: {  	s0 =	sadd.s32 @!p0 $0x100000, s0  }
0x161: {  	[sflag:s0] =	ssyncadd.tile.s32 @!p0 $0x1;
	_ =	shalt  }
.Lfunc_end2:
_tile_overlayer_lowered:
.L_overlay_start_2:
0x162: {  	(tag) =	ssettag $0x2  }
0x163: {  	s0 =	rddreg [dreg:$0x0];
	s2 =	stileid.u32  }
0x164: {  	s1 =	rddreg [dreg:$0x1];
	p0 =	sne.s32 s2, $0x0  }
0x165: {  	s3 =	rddreg [dreg:$0x2];
	[bflag:$0x3] =	sbarrier.arrive $0xFFFF;
	s2 =	simm.s32 @!p0 $0x1C09  }
0x166: {  	[timem:s3], [sflag:s2] =	dma.local @!p0 [hbm:s0], s1  }
0x167: {  	s0 =	simm.s32 @!p0 $0x9  }
0x168: {  	_ =	swait.ge @!p0 [sflag:s0], s1  }
0x169: {  	s1 =	ssub.s32 @!p0 $0x0, s1;
	[sflag:s0] =	ssyncset.done @!p0 $0x0  }
0x16a: {  	[sflag:s0] =	ssyncadd.s32 @!p0 s1  }
0x16b: {  	[bflag:$0x3] =	sbarrier.arrive $0xFFFF  }
0x16c: {  	_ =	shalt  }

</sc_bundles>
